<compile_context>
chip_gen: v7x
topology: tpu7x:2x2x1
jax: 0.10.2.dev20260603
libtpu: 0.0.44.dev20260713+nightly
codegen_flags: <defaults>
</compile_context>

<pallas_src>
import jax
import jax.numpy as jnp
from jax import lax
from jax.experimental import pallas as pl
from jax.experimental.pallas import tpu as pltpu
from jax.experimental.pallas import tpu_sc as plsc

_NUM_CORES = 2
_NUM_SUBCORES = 16
_NUM_WORKERS = _NUM_CORES * _NUM_SUBCORES
_LANES = 16
_CHUNK = 16


def kernel(x, index):
    num_indices = index.shape[0]
    value_dim = x.shape[1]
    index = index.astype(jnp.int32)
    xt = x.T
    b_per_w = num_indices // _NUM_WORKERS
    n_chunks = b_per_w // _CHUNK

    mesh = plsc.VectorSubcoreMesh(core_axis_name="c", subcore_axis_name="s")

    @pl.kernel(
        out_type=jax.ShapeDtypeStruct((value_dim, num_indices), x.dtype),
        mesh=mesh,
        compiler_params=pltpu.CompilerParams(needs_layout_passes=False),
        scratch_types=[
            pltpu.VMEM((b_per_w,), jnp.int32),
            pltpu.VMEM((_CHUNK, value_dim, 128), x.dtype),
            pltpu.VMEM((value_dim, b_per_w), x.dtype),
        ] + [pltpu.SemaphoreType.DMA] * _CHUNK,
    )
    def gather_kernel(xt_hbm, idx_hbm, ot_hbm, idx_v, slab_v, cols_v, *sems):
        wid = lax.axis_index("s") * _NUM_CORES + lax.axis_index("c")
        base = wid * b_per_w
        pltpu.sync_copy(idx_hbm.at[pl.ds(base, b_per_w)], idx_v)

        iota = lax.iota(jnp.int32, _LANES)

        def fire(j0):
            qvec = (idx_v[pl.ds(j0, _CHUNK)] >> 7) << 7
            for k in range(_CHUNK):
                start = pl.multiple_of(qvec[k], 128)
                pltpu.async_copy(xt_hbm.at[:, pl.ds(start, 128)],
                                 slab_v.at[k], sems[k])

        def drain_extract(j0):
            rvec = idx_v[pl.ds(j0, _CHUNK)] & 127
            for k in range(_CHUNK):
                pltpu.make_async_copy(xt_hbm.at[:, pl.ds(0, 128)],
                                      slab_v.at[k], sems[k]).wait()
                rbc = jnp.full((_LANES,), rvec[k], jnp.int32)
                jbc = jnp.full((_LANES,), j0 + k, jnp.int32)
                for h in range(value_dim // _LANES):
                    vals = plsc.load_gather(
                        slab_v.at[k], [(h * _LANES) + iota, rbc])
                    plsc.store_scatter(
                        cols_v, [(h * _LANES) + iota, jbc], vals)

        fire(0)

        @pl.loop(1, n_chunks)
        def _(c):
            j0p = (c - 1) * _CHUNK
            j0n = c * _CHUNK
            rvec = idx_v[pl.ds(j0p, _CHUNK)] & 127
            qvec = (idx_v[pl.ds(j0n, _CHUNK)] >> 7) << 7
            for k in range(_CHUNK):
                pltpu.make_async_copy(xt_hbm.at[:, pl.ds(0, 128)],
                                      slab_v.at[k], sems[k]).wait()
                rbc = jnp.full((_LANES,), rvec[k], jnp.int32)
                jbc = jnp.full((_LANES,), j0p + k, jnp.int32)
                for h in range(value_dim // _LANES):
                    vals = plsc.load_gather(
                        slab_v.at[k], [(h * _LANES) + iota, rbc])
                    plsc.store_scatter(
                        cols_v, [(h * _LANES) + iota, jbc], vals)
                start = pl.multiple_of(qvec[k], 128)
                pltpu.async_copy(xt_hbm.at[:, pl.ds(start, 128)],
                                 slab_v.at[k], sems[k])

        drain_extract(b_per_w - _CHUNK)

        pltpu.sync_copy(cols_v, ot_hbm.at[:, pl.ds(base, b_per_w)])

    ot = gather_kernel(xt, index)
    return ot.T

# --- scband reference (transcript-rebuilt; emitter-appended) ---
"""Pipeline reference for scband-index-select-model-7473243095295 (READ-ONLY COPY).

The authoritative reference and input builder live on the scoring server;
editing this copy changes nothing except your own understanding.
"""

import jax, jax.numpy as jnp
import numpy as np

def setup_inputs(seed: int = 0) -> dict:
    key = jax.random.key(seed)
    kx, ki = jax.random.split(key)
    x = jax.random.normal(kx, (1000000, 32), dtype=jnp.float32)
    index = jax.random.randint(ki, (16384,), 0, 1000000, dtype=jnp.int64 if jax.config.jax_enable_x64 else jnp.int32)
    return {"x": x, "index": index}

def reference(x, index):
    # torch.index_select(x, 0, index) == gather rows
    return jnp.take(x, index, axis=0)

if __name__ == "__main__":
    import jax
    _d = setup_inputs()
    print(jax.jit(kernel)(*tuple(_d.values())))

</pallas_src>

<mosaic_0001>
#map = affine_map<(d0, d1) -> (0, 0)>
#map1 = affine_map<(d0, d1) -> (0)>
module attributes {stable_mosaic.version = 14 : i64} {
  func.func @gather_kernel(%arg0: i32, %arg1: i32, %arg2: memref<32x1000000xf32, #tpu.memory_space<hbm>>, %arg3: memref<16384xi32, #tpu.memory_space<hbm>>, %arg4: memref<32x16384xf32, #tpu.memory_space<hbm>>, %arg5: memref<512xi32, #tpu.memory_space<vmem>>, %arg6: memref<16x32x128xf32, #tpu.memory_space<vmem>>, %arg7: memref<32x512xf32, #tpu.memory_space<vmem>>, %arg8: memref<!tpu.dma_semaphore, #tpu.memory_space<semaphore_mem>>, %arg9: memref<!tpu.dma_semaphore, #tpu.memory_space<semaphore_mem>>, %arg10: memref<!tpu.dma_semaphore, #tpu.memory_space<semaphore_mem>>, %arg11: memref<!tpu.dma_semaphore, #tpu.memory_space<semaphore_mem>>, %arg12: memref<!tpu.dma_semaphore, #tpu.memory_space<semaphore_mem>>, %arg13: memref<!tpu.dma_semaphore, #tpu.memory_space<semaphore_mem>>, %arg14: memref<!tpu.dma_semaphore, #tpu.memory_space<semaphore_mem>>, %arg15: memref<!tpu.dma_semaphore, #tpu.memory_space<semaphore_mem>>, %arg16: memref<!tpu.dma_semaphore, #tpu.memory_space<semaphore_mem>>, %arg17: memref<!tpu.dma_semaphore, #tpu.memory_space<semaphore_mem>>, %arg18: memref<!tpu.dma_semaphore, #tpu.memory_space<semaphore_mem>>, %arg19: memref<!tpu.dma_semaphore, #tpu.memory_space<semaphore_mem>>, %arg20: memref<!tpu.dma_semaphore, #tpu.memory_space<semaphore_mem>>, %arg21: memref<!tpu.dma_semaphore, #tpu.memory_space<semaphore_mem>>, %arg22: memref<!tpu.dma_semaphore, #tpu.memory_space<semaphore_mem>>, %arg23: memref<!tpu.dma_semaphore, #tpu.memory_space<semaphore_mem>>) attributes {dimension_semantics = [#tpu.dimension_semantics<core_parallel>, #tpu.dimension_semantics<subcore_parallel>], iteration_bounds = array<i64: 2, 16>, scalar_prefetch = 0 : i64, scratch_operands = 19 : i64, tpu.core_type = #tpu.core_type<sc_vector_subcore>, window_params = [{transform_indices = #map}, {transform_indices = #map1}, {transform_indices = #map}]} {
    %mul3A = arith.constant 2 : i32
    %mul3A_0 = arith.muli %arg1, %mul3A : i32
    %add3A = arith.addi %mul3A_0, %arg0 : i32
    %mul3A_1 = arith.constant 512 : i32
    %mul3A_2 = arith.muli %add3A, %mul3A_1 : i32
    "tpu.region"() ({
      %run_scoped3A = tpu.sem_alloc : memref<!tpu.dma_semaphore, #tpu.memory_space<semaphore_mem>>
      %dma_start3A_969 = tpu.memref_slice %arg3[%mul3A_2] : memref<16384xi32, #tpu.memory_space<hbm>> -> memref<512xi32, #tpu.memory_space<hbm>>
      %dma_start3A_970 = tpu.memref_slice %arg3[%mul3A_2] : memref<16384xi32, #tpu.memory_space<hbm>> -> memref<512xi32, #tpu.memory_space<hbm>>
      tpu.enqueue_dma source(%dma_start3A_970 : memref<512xi32, #tpu.memory_space<hbm>>) target(%arg5 : memref<512xi32, #tpu.memory_space<vmem>>) target_semaphore(%run_scoped3A : memref<!tpu.dma_semaphore, #tpu.memory_space<semaphore_mem>>)
      %dma_wait3A_971 = tpu.memref_slice %arg3[%mul3A_2] : memref<16384xi32, #tpu.memory_space<hbm>> -> memref<512xi32, #tpu.memory_space<hbm>>
      %dma_wait3A_972 = tpu.memref_slice %arg3[%mul3A_2] : memref<16384xi32, #tpu.memory_space<hbm>> -> memref<512xi32, #tpu.memory_space<hbm>>
      tpu.wait_dma2 semaphore(%run_scoped3A : memref<!tpu.dma_semaphore, #tpu.memory_space<semaphore_mem>>) src(%dma_wait3A_972 : memref<512xi32, #tpu.memory_space<hbm>>) dst(%arg5 : memref<512xi32, #tpu.memory_space<vmem>>)
      tpu.yield
    }) : () -> ()
    %iota3A = tpu.iota {dimensions = array<i32: 0>} : vector<16xi32>
    %get3A = arith.constant 0 : index
    %get3A_3 = tpu.vector_load %arg5[%get3A] {strides = array<i32>} : memref<512xi32, #tpu.memory_space<vmem>>, vector<16xi32>,
    %shift_right_arithmetic3A = arith.constant 7 : i32
    %shift_right_arithmetic3A_4 = vector.broadcast %shift_right_arithmetic3A : i32 to vector<16xi32>
    %shift_right_arithmetic3A_5 = arith.shrsi %get3A_3, %shift_right_arithmetic3A_4 : vector<16xi32>
    %shift_left3A = arith.constant 7 : i32
    %shift_left3A_6 = vector.broadcast %shift_left3A : i32 to vector<16xi32>
    %shift_left3A_7 = arith.shli %shift_right_arithmetic3A_5, %shift_left3A_6 : vector<16xi32>
    %slice3A = vector.extract_strided_slice %shift_left3A_7 {offsets = [0], sizes = [1], strides = [1]} : vector<16xi32> to vector<1xi32>
    %squeeze3A = vector.extract %slice3A[0] : i32 from vector<1xi32>
    %multiple_of3A = tpu.assume_multiple %squeeze3A, 128 : i32
    %dma_start3A = arith.constant 0 : i32
    %dma_start3A_8 = arith.constant 0 : i32
    %dma_start3A_9 = arith.constant 0 : i32
    %dma_start3A_10 = tpu.memref_slice %arg6[%dma_start3A, %dma_start3A_8, %dma_start3A_9] : memref<16x32x128xf32, #tpu.memory_space<vmem>> -> memref<1x32x128xf32, #tpu.memory_space<vmem>>
    %dma_start3A_11 = tpu.memref_squeeze %dma_start3A_10 : memref<1x32x128xf32, #tpu.memory_space<vmem>> -> memref<32x128xf32, #tpu.memory_space<vmem>>
    %dma_start3A_12 = arith.constant 0 : i32
    %dma_start3A_13 = tpu.memref_slice %arg2[%dma_start3A_12, %multiple_of3A] : memref<32x1000000xf32, #tpu.memory_space<hbm>> -> memref<32x128xf32, #tpu.memory_space<hbm>>
    %dma_start3A_14 = arith.constant 0 : i32
    %dma_start3A_15 = arith.constant 0 : i32
    %dma_start3A_16 = tpu.memref_slice %arg6[%dma_start3A, %dma_start3A_14, %dma_start3A_15] : memref<16x32x128xf32, #tpu.memory_space<vmem>> -> memref<1x32x128xf32, #tpu.memory_space<vmem>>
    %dma_start3A_17 = tpu.memref_squeeze %dma_start3A_16 : memref<1x32x128xf32, #tpu.memory_space<vmem>> -> memref<32x128xf32, #tpu.memory_space<vmem>>
    %dma_start3A_18 = arith.constant 0 : i32
    %dma_start3A_19 = tpu.memref_slice %arg2[%dma_start3A_18, %multiple_of3A] : memref<32x1000000xf32, #tpu.memory_space<hbm>> -> memref<32x128xf32, #tpu.memory_space<hbm>>
    tpu.enqueue_dma source(%dma_start3A_19 : memref<32x128xf32, #tpu.memory_space<hbm>>) target(%dma_start3A_17 : memref<32x128xf32, #tpu.memory_space<vmem>>) target_semaphore(%arg8 : memref<!tpu.dma_semaphore, #tpu.memory_space<semaphore_mem>>)
    %slice3A_20 = vector.extract_strided_slice %shift_left3A_7 {offsets = [1], sizes = [1], strides = [1]} : vector<16xi32> to vector<1xi32>
    %squeeze3A_21 = vector.extract %slice3A_20[0] : i32 from vector<1xi32>
    %multiple_of3A_22 = tpu.assume_multiple %squeeze3A_21, 128 : i32
    %dma_start3A_23 = arith.constant 1 : i32
    %dma_start3A_24 = arith.constant 0 : i32
    %dma_start3A_25 = arith.constant 0 : i32
    %dma_start3A_26 = tpu.memref_slice %arg6[%dma_start3A_23, %dma_start3A_24, %dma_start3A_25] : memref<16x32x128xf32, #tpu.memory_space<vmem>> -> memref<1x32x128xf32, #tpu.memory_space<vmem>>
    %dma_start3A_27 = tpu.memref_squeeze %dma_start3A_26 : memref<1x32x128xf32, #tpu.memory_space<vmem>> -> memref<32x128xf32, #tpu.memory_space<vmem>>
    %dma_start3A_28 = arith.constant 0 : i32
    %dma_start3A_29 = tpu.memref_slice %arg2[%dma_start3A_28, %multiple_of3A_22] : memref<32x1000000xf32, #tpu.memory_space<hbm>> -> memref<32x128xf32, #tpu.memory_space<hbm>>
    %dma_start3A_30 = arith.constant 0 : i32
    %dma_start3A_31 = arith.constant 0 : i32
    %dma_start3A_32 = tpu.memref_slice %arg6[%dma_start3A_23, %dma_start3A_30, %dma_start3A_31] : memref<16x32x128xf32, #tpu.memory_space<vmem>> -> memref<1x32x128xf32, #tpu.memory_space<vmem>>
    %dma_start3A_33 = tpu.memref_squeeze %dma_start3A_32 : memref<1x32x128xf32, #tpu.memory_space<vmem>> -> memref<32x128xf32, #tpu.memory_space<vmem>>
    %dma_start3A_34 = arith.constant 0 : i32
    %dma_start3A_35 = tpu.memref_slice %arg2[%dma_start3A_34, %multiple_of3A_22] : memref<32x1000000xf32, #tpu.memory_space<hbm>> -> memref<32x128xf32, #tpu.memory_space<hbm>>
    tpu.enqueue_dma source(%dma_start3A_35 : memref<32x128xf32, #tpu.memory_space<hbm>>) target(%dma_start3A_33 : memref<32x128xf32, #tpu.memory_space<vmem>>) target_semaphore(%arg9 : memref<!tpu.dma_semaphore, #tpu.memory_space<semaphore_mem>>)
    %slice3A_36 = vector.extract_strided_slice %shift_left3A_7 {offsets = [2], sizes = [1], strides = [1]} : vector<16xi32> to vector<1xi32>
    %squeeze3A_37 = vector.extract %slice3A_36[0] : i32 from vector<1xi32>
    %multiple_of3A_38 = tpu.assume_multiple %squeeze3A_37, 128 : i32
    %dma_start3A_39 = arith.constant 2 : i32
    %dma_start3A_40 = arith.constant 0 : i32
    %dma_start3A_41 = arith.constant 0 : i32
    %dma_start3A_42 = tpu.memref_slice %arg6[%dma_start3A_39, %dma_start3A_40, %dma_start3A_41] : memref<16x32x128xf32, #tpu.memory_space<vmem>> -> memref<1x32x128xf32, #tpu.memory_space<vmem>>
    %dma_start3A_43 = tpu.memref_squeeze %dma_start3A_42 : memref<1x32x128xf32, #tpu.memory_space<vmem>> -> memref<32x128xf32, #tpu.memory_space<vmem>>
    %dma_start3A_44 = arith.constant 0 : i32
    %dma_start3A_45 = tpu.memref_slice %arg2[%dma_start3A_44, %multiple_of3A_38] : memref<32x1000000xf32, #tpu.memory_space<hbm>> -> memref<32x128xf32, #tpu.memory_space<hbm>>
    %dma_start3A_46 = arith.constant 0 : i32
    %dma_start3A_47 = arith.constant 0 : i32
    %dma_start3A_48 = tpu.memref_slice %arg6[%dma_start3A_39, %dma_start3A_46, %dma_start3A_47] : memref<16x32x128xf32, #tpu.memory_space<vmem>> -> memref<1x32x128xf32, #tpu.memory_space<vmem>>
    %dma_start3A_49 = tpu.memref_squeeze %dma_start3A_48 : memref<1x32x128xf32, #tpu.memory_space<vmem>> -> memref<32x128xf32, #tpu.memory_space<vmem>>
    %dma_start3A_50 = arith.constant 0 : i32
    %dma_start3A_51 = tpu.memref_slice %arg2[%dma_start3A_50, %multiple_of3A_38] : memref<32x1000000xf32, #tpu.memory_space<hbm>> -> memref<32x128xf32, #tpu.memory_space<hbm>>
    tpu.enqueue_dma source(%dma_start3A_51 : memref<32x128xf32, #tpu.memory_space<hbm>>) target(%dma_start3A_49 : memref<32x128xf32, #tpu.memory_space<vmem>>) target_semaphore(%arg10 : memref<!tpu.dma_semaphore, #tpu.memory_space<semaphore_mem>>)
    %slice3A_52 = vector.extract_strided_slice %shift_left3A_7 {offsets = [3], sizes = [1], strides = [1]} : vector<16xi32> to vector<1xi32>
    %squeeze3A_53 = vector.extract %slice3A_52[0] : i32 from vector<1xi32>
    %multiple_of3A_54 = tpu.assume_multiple %squeeze3A_53, 128 : i32
    %dma_start3A_55 = arith.constant 3 : i32
    %dma_start3A_56 = arith.constant 0 : i32
    %dma_start3A_57 = arith.constant 0 : i32
    %dma_start3A_58 = tpu.memref_slice %arg6[%dma_start3A_55, %dma_start3A_56, %dma_start3A_57] : memref<16x32x128xf32, #tpu.memory_space<vmem>> -> memref<1x32x128xf32, #tpu.memory_space<vmem>>
    %dma_start3A_59 = tpu.memref_squeeze %dma_start3A_58 : memref<1x32x128xf32, #tpu.memory_space<vmem>> -> memref<32x128xf32, #tpu.memory_space<vmem>>
    %dma_start3A_60 = arith.constant 0 : i32
    %dma_start3A_61 = tpu.memref_slice %arg2[%dma_start3A_60, %multiple_of3A_54] : memref<32x1000000xf32, #tpu.memory_space<hbm>> -> memref<32x128xf32, #tpu.memory_space<hbm>>
    %dma_start3A_62 = arith.constant 0 : i32
    %dma_start3A_63 = arith.constant 0 : i32
    %dma_start3A_64 = tpu.memref_slice %arg6[%dma_start3A_55, %dma_start3A_62, %dma_start3A_63] : memref<16x32x128xf32, #tpu.memory_space<vmem>> -> memref<1x32x128xf32, #tpu.memory_space<vmem>>
    %dma_start3A_65 = tpu.memref_squeeze %dma_start3A_64 : memref<1x32x128xf32, #tpu.memory_space<vmem>> -> memref<32x128xf32, #tpu.memory_space<vmem>>
    %dma_start3A_66 = arith.constant 0 : i32
    %dma_start3A_67 = tpu.memref_slice %arg2[%dma_start3A_66, %multiple_of3A_54] : memref<32x1000000xf32, #tpu.memory_space<hbm>> -> memref<32x128xf32, #tpu.memory_space<hbm>>
    tpu.enqueue_dma source(%dma_start3A_67 : memref<32x128xf32, #tpu.memory_space<hbm>>) target(%dma_start3A_65 : memref<32x128xf32, #tpu.memory_space<vmem>>) target_semaphore(%arg11 : memref<!tpu.dma_semaphore, #tpu.memory_space<semaphore_mem>>)
    %slice3A_68 = vector.extract_strided_slice %shift_left3A_7 {offsets = [4], sizes = [1], strides = [1]} : vector<16xi32> to vector<1xi32>
    %squeeze3A_69 = vector.extract %slice3A_68[0] : i32 from vector<1xi32>
    %multiple_of3A_70 = tpu.assume_multiple %squeeze3A_69, 128 : i32
    %dma_start3A_71 = arith.constant 4 : i32
    %dma_start3A_72 = arith.constant 0 : i32
    %dma_start3A_73 = arith.constant 0 : i32
    %dma_start3A_74 = tpu.memref_slice %arg6[%dma_start3A_71, %dma_start3A_72, %dma_start3A_73] : memref<16x32x128xf32, #tpu.memory_space<vmem>> -> memref<1x32x128xf32, #tpu.memory_space<vmem>>
    %dma_start3A_75 = tpu.memref_squeeze %dma_start3A_74 : memref<1x32x128xf32, #tpu.memory_space<vmem>> -> memref<32x128xf32, #tpu.memory_space<vmem>>
    %dma_start3A_76 = arith.constant 0 : i32
    %dma_start3A_77 = tpu.memref_slice %arg2[%dma_start3A_76, %multiple_of3A_70] : memref<32x1000000xf32, #tpu.memory_space<hbm>> -> memref<32x128xf32, #tpu.memory_space<hbm>>
    %dma_start3A_78 = arith.constant 0 : i32
    %dma_start3A_79 = arith.constant 0 : i32
    %dma_start3A_80 = tpu.memref_slice %arg6[%dma_start3A_71, %dma_start3A_78, %dma_start3A_79] : memref<16x32x128xf32, #tpu.memory_space<vmem>> -> memref<1x32x128xf32, #tpu.memory_space<vmem>>
    %dma_start3A_81 = tpu.memref_squeeze %dma_start3A_80 : memref<1x32x128xf32, #tpu.memory_space<vmem>> -> memref<32x128xf32, #tpu.memory_space<vmem>>
    %dma_start3A_82 = arith.constant 0 : i32
    %dma_start3A_83 = tpu.memref_slice %arg2[%dma_start3A_82, %multiple_of3A_70] : memref<32x1000000xf32, #tpu.memory_space<hbm>> -> memref<32x128xf32, #tpu.memory_space<hbm>>
    tpu.enqueue_dma source(%dma_start3A_83 : memref<32x128xf32, #tpu.memory_space<hbm>>) target(%dma_start3A_81 : memref<32x128xf32, #tpu.memory_space<vmem>>) target_semaphore(%arg12 : memref<!tpu.dma_semaphore, #tpu.memory_space<semaphore_mem>>)
    %slice3A_84 = vector.extract_strided_slice %shift_left3A_7 {offsets = [5], sizes = [1], strides = [1]} : vector<16xi32> to vector<1xi32>
    %squeeze3A_85 = vector.extract %slice3A_84[0] : i32 from vector<1xi32>
    %multiple_of3A_86 = tpu.assume_multiple %squeeze3A_85, 128 : i32
    %dma_start3A_87 = arith.constant 5 : i32
    %dma_start3A_88 = arith.constant 0 : i32
    %dma_start3A_89 = arith.constant 0 : i32
    %dma_start3A_90 = tpu.memref_slice %arg6[%dma_start3A_87, %dma_start3A_88, %dma_start3A_89] : memref<16x32x128xf32, #tpu.memory_space<vmem>> -> memref<1x32x128xf32, #tpu.memory_space<vmem>>
    %dma_start3A_91 = tpu.memref_squeeze %dma_start3A_90 : memref<1x32x128xf32, #tpu.memory_space<vmem>> -> memref<32x128xf32, #tpu.memory_space<vmem>>
    %dma_start3A_92 = arith.constant 0 : i32
    %dma_start3A_93 = tpu.memref_slice %arg2[%dma_start3A_92, %multiple_of3A_86] : memref<32x1000000xf32, #tpu.memory_space<hbm>> -> memref<32x128xf32, #tpu.memory_space<hbm>>
    %dma_start3A_94 = arith.constant 0 : i32
    %dma_start3A_95 = arith.constant 0 : i32
    %dma_start3A_96 = tpu.memref_slice %arg6[%dma_start3A_87, %dma_start3A_94, %dma_start3A_95] : memref<16x32x128xf32, #tpu.memory_space<vmem>> -> memref<1x32x128xf32, #tpu.memory_space<vmem>>
    %dma_start3A_97 = tpu.memref_squeeze %dma_start3A_96 : memref<1x32x128xf32, #tpu.memory_space<vmem>> -> memref<32x128xf32, #tpu.memory_space<vmem>>
    %dma_start3A_98 = arith.constant 0 : i32
    %dma_start3A_99 = tpu.memref_slice %arg2[%dma_start3A_98, %multiple_of3A_86] : memref<32x1000000xf32, #tpu.memory_space<hbm>> -> memref<32x128xf32, #tpu.memory_space<hbm>>
    tpu.enqueue_dma source(%dma_start3A_99 : memref<32x128xf32, #tpu.memory_space<hbm>>) target(%dma_start3A_97 : memref<32x128xf32, #tpu.memory_space<vmem>>) target_semaphore(%arg13 : memref<!tpu.dma_semaphore, #tpu.memory_space<semaphore_mem>>)
    %slice3A_100 = vector.extract_strided_slice %shift_left3A_7 {offsets = [6], sizes = [1], strides = [1]} : vector<16xi32> to vector<1xi32>
    %squeeze3A_101 = vector.extract %slice3A_100[0] : i32 from vector<1xi32>
    %multiple_of3A_102 = tpu.assume_multiple %squeeze3A_101, 128 : i32
    %dma_start3A_103 = arith.constant 6 : i32
    %dma_start3A_104 = arith.constant 0 : i32
    %dma_start3A_105 = arith.constant 0 : i32
    %dma_start3A_106 = tpu.memref_slice %arg6[%dma_start3A_103, %dma_start3A_104, %dma_start3A_105] : memref<16x32x128xf32, #tpu.memory_space<vmem>> -> memref<1x32x128xf32, #tpu.memory_space<vmem>>
    %dma_start3A_107 = tpu.memref_squeeze %dma_start3A_106 : memref<1x32x128xf32, #tpu.memory_space<vmem>> -> memref<32x128xf32, #tpu.memory_space<vmem>>
    %dma_start3A_108 = arith.constant 0 : i32
    %dma_start3A_109 = tpu.memref_slice %arg2[%dma_start3A_108, %multiple_of3A_102] : memref<32x1000000xf32, #tpu.memory_space<hbm>> -> memref<32x128xf32, #tpu.memory_space<hbm>>
    %dma_start3A_110 = arith.constant 0 : i32
    %dma_start3A_111 = arith.constant 0 : i32
    %dma_start3A_112 = tpu.memref_slice %arg6[%dma_start3A_103, %dma_start3A_110, %dma_start3A_111] : memref<16x32x128xf32, #tpu.memory_space<vmem>> -> memref<1x32x128xf32, #tpu.memory_space<vmem>>
    %dma_start3A_113 = tpu.memref_squeeze %dma_start3A_112 : memref<1x32x128xf32, #tpu.memory_space<vmem>> -> memref<32x128xf32, #tpu.memory_space<vmem>>
    %dma_start3A_114 = arith.constant 0 : i32
    %dma_start3A_115 = tpu.memref_slice %arg2[%dma_start3A_114, %multiple_of3A_102] : memref<32x1000000xf32, #tpu.memory_space<hbm>> -> memref<32x128xf32, #tpu.memory_space<hbm>>
    tpu.enqueue_dma source(%dma_start3A_115 : memref<32x128xf32, #tpu.memory_space<hbm>>) target(%dma_start3A_113 : memref<32x128xf32, #tpu.memory_space<vmem>>) target_semaphore(%arg14 : memref<!tpu.dma_semaphore, #tpu.memory_space<semaphore_mem>>)
    %slice3A_116 = vector.extract_strided_slice %shift_left3A_7 {offsets = [7], sizes = [1], strides = [1]} : vector<16xi32> to vector<1xi32>
    %squeeze3A_117 = vector.extract %slice3A_116[0] : i32 from vector<1xi32>
    %multiple_of3A_118 = tpu.assume_multiple %squeeze3A_117, 128 : i32
    %dma_start3A_119 = arith.constant 7 : i32
    %dma_start3A_120 = arith.constant 0 : i32
    %dma_start3A_121 = arith.constant 0 : i32
    %dma_start3A_122 = tpu.memref_slice %arg6[%dma_start3A_119, %dma_start3A_120, %dma_start3A_121] : memref<16x32x128xf32, #tpu.memory_space<vmem>> -> memref<1x32x128xf32, #tpu.memory_space<vmem>>
    %dma_start3A_123 = tpu.memref_squeeze %dma_start3A_122 : memref<1x32x128xf32, #tpu.memory_space<vmem>> -> memref<32x128xf32, #tpu.memory_space<vmem>>
    %dma_start3A_124 = arith.constant 0 : i32
    %dma_start3A_125 = tpu.memref_slice %arg2[%dma_start3A_124, %multiple_of3A_118] : memref<32x1000000xf32, #tpu.memory_space<hbm>> -> memref<32x128xf32, #tpu.memory_space<hbm>>
    %dma_start3A_126 = arith.constant 0 : i32
    %dma_start3A_127 = arith.constant 0 : i32
    %dma_start3A_128 = tpu.memref_slice %arg6[%dma_start3A_119, %dma_start3A_126, %dma_start3A_127] : memref<16x32x128xf32, #tpu.memory_space<vmem>> -> memref<1x32x128xf32, #tpu.memory_space<vmem>>
    %dma_start3A_129 = tpu.memref_squeeze %dma_start3A_128 : memref<1x32x128xf32, #tpu.memory_space<vmem>> -> memref<32x128xf32, #tpu.memory_space<vmem>>
    %dma_start3A_130 = arith.constant 0 : i32
    %dma_start3A_131 = tpu.memref_slice %arg2[%dma_start3A_130, %multiple_of3A_118] : memref<32x1000000xf32, #tpu.memory_space<hbm>> -> memref<32x128xf32, #tpu.memory_space<hbm>>
    tpu.enqueue_dma source(%dma_start3A_131 : memref<32x128xf32, #tpu.memory_space<hbm>>) target(%dma_start3A_129 : memref<32x128xf32, #tpu.memory_space<vmem>>) target_semaphore(%arg15 : memref<!tpu.dma_semaphore, #tpu.memory_space<semaphore_mem>>)
    %slice3A_132 = vector.extract_strided_slice %shift_left3A_7 {offsets = [8], sizes = [1], strides = [1]} : vector<16xi32> to vector<1xi32>
    %squeeze3A_133 = vector.extract %slice3A_132[0] : i32 from vector<1xi32>
    %multiple_of3A_134 = tpu.assume_multiple %squeeze3A_133, 128 : i32
    %dma_start3A_135 = arith.constant 8 : i32
    %dma_start3A_136 = arith.constant 0 : i32
    %dma_start3A_137 = arith.constant 0 : i32
    %dma_start3A_138 = tpu.memref_slice %arg6[%dma_start3A_135, %dma_start3A_136, %dma_start3A_137] : memref<16x32x128xf32, #tpu.memory_space<vmem>> -> memref<1x32x128xf32, #tpu.memory_space<vmem>>
    %dma_start3A_139 = tpu.memref_squeeze %dma_start3A_138 : memref<1x32x128xf32, #tpu.memory_space<vmem>> -> memref<32x128xf32, #tpu.memory_space<vmem>>
    %dma_start3A_140 = arith.constant 0 : i32
    %dma_start3A_141 = tpu.memref_slice %arg2[%dma_start3A_140, %multiple_of3A_134] : memref<32x1000000xf32, #tpu.memory_space<hbm>> -> memref<32x128xf32, #tpu.memory_space<hbm>>
    %dma_start3A_142 = arith.constant 0 : i32
    %dma_start3A_143 = arith.constant 0 : i32
    %dma_start3A_144 = tpu.memref_slice %arg6[%dma_start3A_135, %dma_start3A_142, %dma_start3A_143] : memref<16x32x128xf32, #tpu.memory_space<vmem>> -> memref<1x32x128xf32, #tpu.memory_space<vmem>>
    %dma_start3A_145 = tpu.memref_squeeze %dma_start3A_144 : memref<1x32x128xf32, #tpu.memory_space<vmem>> -> memref<32x128xf32, #tpu.memory_space<vmem>>
    %dma_start3A_146 = arith.constant 0 : i32
    %dma_start3A_147 = tpu.memref_slice %arg2[%dma_start3A_146, %multiple_of3A_134] : memref<32x1000000xf32, #tpu.memory_space<hbm>> -> memref<32x128xf32, #tpu.memory_space<hbm>>
    tpu.enqueue_dma source(%dma_start3A_147 : memref<32x128xf32, #tpu.memory_space<hbm>>) target(%dma_start3A_145 : memref<32x128xf32, #tpu.memory_space<vmem>>) target_semaphore(%arg16 : memref<!tpu.dma_semaphore, #tpu.memory_space<semaphore_mem>>)
    %slice3A_148 = vector.extract_strided_slice %shift_left3A_7 {offsets = [9], sizes = [1], strides = [1]} : vector<16xi32> to vector<1xi32>
    %squeeze3A_149 = vector.extract %slice3A_148[0] : i32 from vector<1xi32>
    %multiple_of3A_150 = tpu.assume_multiple %squeeze3A_149, 128 : i32
    %dma_start3A_151 = arith.constant 9 : i32
    %dma_start3A_152 = arith.constant 0 : i32
    %dma_start3A_153 = arith.constant 0 : i32
    %dma_start3A_154 = tpu.memref_slice %arg6[%dma_start3A_151, %dma_start3A_152, %dma_start3A_153] : memref<16x32x128xf32, #tpu.memory_space<vmem>> -> memref<1x32x128xf32, #tpu.memory_space<vmem>>
    %dma_start3A_155 = tpu.memref_squeeze %dma_start3A_154 : memref<1x32x128xf32, #tpu.memory_space<vmem>> -> memref<32x128xf32, #tpu.memory_space<vmem>>
    %dma_start3A_156 = arith.constant 0 : i32
    %dma_start3A_157 = tpu.memref_slice %arg2[%dma_start3A_156, %multiple_of3A_150] : memref<32x1000000xf32, #tpu.memory_space<hbm>> -> memref<32x128xf32, #tpu.memory_space<hbm>>
    %dma_start3A_158 = arith.constant 0 : i32
    %dma_start3A_159 = arith.constant 0 : i32
    %dma_start3A_160 = tpu.memref_slice %arg6[%dma_start3A_151, %dma_start3A_158, %dma_start3A_159] : memref<16x32x128xf32, #tpu.memory_space<vmem>> -> memref<1x32x128xf32, #tpu.memory_space<vmem>>
    %dma_start3A_161 = tpu.memref_squeeze %dma_start3A_160 : memref<1x32x128xf32, #tpu.memory_space<vmem>> -> memref<32x128xf32, #tpu.memory_space<vmem>>
    %dma_start3A_162 = arith.constant 0 : i32
    %dma_start3A_163 = tpu.memref_slice %arg2[%dma_start3A_162, %multiple_of3A_150] : memref<32x1000000xf32, #tpu.memory_space<hbm>> -> memref<32x128xf32, #tpu.memory_space<hbm>>
    tpu.enqueue_dma source(%dma_start3A_163 : memref<32x128xf32, #tpu.memory_space<hbm>>) target(%dma_start3A_161 : memref<32x128xf32, #tpu.memory_space<vmem>>) target_semaphore(%arg17 : memref<!tpu.dma_semaphore, #tpu.memory_space<semaphore_mem>>)
    %slice3A_164 = vector.extract_strided_slice %shift_left3A_7 {offsets = [10], sizes = [1], strides = [1]} : vector<16xi32> to vector<1xi32>
    %squeeze3A_165 = vector.extract %slice3A_164[0] : i32 from vector<1xi32>
    %multiple_of3A_166 = tpu.assume_multiple %squeeze3A_165, 128 : i32
    %dma_start3A_167 = arith.constant 10 : i32
    %dma_start3A_168 = arith.constant 0 : i32
    %dma_start3A_169 = arith.constant 0 : i32
    %dma_start3A_170 = tpu.memref_slice %arg6[%dma_start3A_167, %dma_start3A_168, %dma_start3A_169] : memref<16x32x128xf32, #tpu.memory_space<vmem>> -> memref<1x32x128xf32, #tpu.memory_space<vmem>>
    %dma_start3A_171 = tpu.memref_squeeze %dma_start3A_170 : memref<1x32x128xf32, #tpu.memory_space<vmem>> -> memref<32x128xf32, #tpu.memory_space<vmem>>
    %dma_start3A_172 = arith.constant 0 : i32
    %dma_start3A_173 = tpu.memref_slice %arg2[%dma_start3A_172, %multiple_of3A_166] : memref<32x1000000xf32, #tpu.memory_space<hbm>> -> memref<32x128xf32, #tpu.memory_space<hbm>>
    %dma_start3A_174 = arith.constant 0 : i32
    %dma_start3A_175 = arith.constant 0 : i32
    %dma_start3A_176 = tpu.memref_slice %arg6[%dma_start3A_167, %dma_start3A_174, %dma_start3A_175] : memref<16x32x128xf32, #tpu.memory_space<vmem>> -> memref<1x32x128xf32, #tpu.memory_space<vmem>>
    %dma_start3A_177 = tpu.memref_squeeze %dma_start3A_176 : memref<1x32x128xf32, #tpu.memory_space<vmem>> -> memref<32x128xf32, #tpu.memory_space<vmem>>
    %dma_start3A_178 = arith.constant 0 : i32
    %dma_start3A_179 = tpu.memref_slice %arg2[%dma_start3A_178, %multiple_of3A_166] : memref<32x1000000xf32, #tpu.memory_space<hbm>> -> memref<32x128xf32, #tpu.memory_space<hbm>>
    tpu.enqueue_dma source(%dma_start3A_179 : memref<32x128xf32, #tpu.memory_space<hbm>>) target(%dma_start3A_177 : memref<32x128xf32, #tpu.memory_space<vmem>>) target_semaphore(%arg18 : memref<!tpu.dma_semaphore, #tpu.memory_space<semaphore_mem>>)
    %slice3A_180 = vector.extract_strided_slice %shift_left3A_7 {offsets = [11], sizes = [1], strides = [1]} : vector<16xi32> to vector<1xi32>
    %squeeze3A_181 = vector.extract %slice3A_180[0] : i32 from vector<1xi32>
    %multiple_of3A_182 = tpu.assume_multiple %squeeze3A_181, 128 : i32
    %dma_start3A_183 = arith.constant 11 : i32
    %dma_start3A_184 = arith.constant 0 : i32
    %dma_start3A_185 = arith.constant 0 : i32
    %dma_start3A_186 = tpu.memref_slice %arg6[%dma_start3A_183, %dma_start3A_184, %dma_start3A_185] : memref<16x32x128xf32, #tpu.memory_space<vmem>> -> memref<1x32x128xf32, #tpu.memory_space<vmem>>
    %dma_start3A_187 = tpu.memref_squeeze %dma_start3A_186 : memref<1x32x128xf32, #tpu.memory_space<vmem>> -> memref<32x128xf32, #tpu.memory_space<vmem>>
    %dma_start3A_188 = arith.constant 0 : i32
    %dma_start3A_189 = tpu.memref_slice %arg2[%dma_start3A_188, %multiple_of3A_182] : memref<32x1000000xf32, #tpu.memory_space<hbm>> -> memref<32x128xf32, #tpu.memory_space<hbm>>
    %dma_start3A_190 = arith.constant 0 : i32
    %dma_start3A_191 = arith.constant 0 : i32
    %dma_start3A_192 = tpu.memref_slice %arg6[%dma_start3A_183, %dma_start3A_190, %dma_start3A_191] : memref<16x32x128xf32, #tpu.memory_space<vmem>> -> memref<1x32x128xf32, #tpu.memory_space<vmem>>
    %dma_start3A_193 = tpu.memref_squeeze %dma_start3A_192 : memref<1x32x128xf32, #tpu.memory_space<vmem>> -> memref<32x128xf32, #tpu.memory_space<vmem>>
    %dma_start3A_194 = arith.constant 0 : i32
    %dma_start3A_195 = tpu.memref_slice %arg2[%dma_start3A_194, %multiple_of3A_182] : memref<32x1000000xf32, #tpu.memory_space<hbm>> -> memref<32x128xf32, #tpu.memory_space<hbm>>
    tpu.enqueue_dma source(%dma_start3A_195 : memref<32x128xf32, #tpu.memory_space<hbm>>) target(%dma_start3A_193 : memref<32x128xf32, #tpu.memory_space<vmem>>) target_semaphore(%arg19 : memref<!tpu.dma_semaphore, #tpu.memory_space<semaphore_mem>>)
    %slice3A_196 = vector.extract_strided_slice %shift_left3A_7 {offsets = [12], sizes = [1], strides = [1]} : vector<16xi32> to vector<1xi32>
    %squeeze3A_197 = vector.extract %slice3A_196[0] : i32 from vector<1xi32>
    %multiple_of3A_198 = tpu.assume_multiple %squeeze3A_197, 128 : i32
    %dma_start3A_199 = arith.constant 12 : i32
    %dma_start3A_200 = arith.constant 0 : i32
    %dma_start3A_201 = arith.constant 0 : i32
    %dma_start3A_202 = tpu.memref_slice %arg6[%dma_start3A_199, %dma_start3A_200, %dma_start3A_201] : memref<16x32x128xf32, #tpu.memory_space<vmem>> -> memref<1x32x128xf32, #tpu.memory_space<vmem>>
    %dma_start3A_203 = tpu.memref_squeeze %dma_start3A_202 : memref<1x32x128xf32, #tpu.memory_space<vmem>> -> memref<32x128xf32, #tpu.memory_space<vmem>>
    %dma_start3A_204 = arith.constant 0 : i32
    %dma_start3A_205 = tpu.memref_slice %arg2[%dma_start3A_204, %multiple_of3A_198] : memref<32x1000000xf32, #tpu.memory_space<hbm>> -> memref<32x128xf32, #tpu.memory_space<hbm>>
    %dma_start3A_206 = arith.constant 0 : i32
    %dma_start3A_207 = arith.constant 0 : i32
    %dma_start3A_208 = tpu.memref_slice %arg6[%dma_start3A_199, %dma_start3A_206, %dma_start3A_207] : memref<16x32x128xf32, #tpu.memory_space<vmem>> -> memref<1x32x128xf32, #tpu.memory_space<vmem>>
    %dma_start3A_209 = tpu.memref_squeeze %dma_start3A_208 : memref<1x32x128xf32, #tpu.memory_space<vmem>> -> memref<32x128xf32, #tpu.memory_space<vmem>>
    %dma_start3A_210 = arith.constant 0 : i32
    %dma_start3A_211 = tpu.memref_slice %arg2[%dma_start3A_210, %multiple_of3A_198] : memref<32x1000000xf32, #tpu.memory_space<hbm>> -> memref<32x128xf32, #tpu.memory_space<hbm>>
    tpu.enqueue_dma source(%dma_start3A_211 : memref<32x128xf32, #tpu.memory_space<hbm>>) target(%dma_start3A_209 : memref<32x128xf32, #tpu.memory_space<vmem>>) target_semaphore(%arg20 : memref<!tpu.dma_semaphore, #tpu.memory_space<semaphore_mem>>)
    %slice3A_212 = vector.extract_strided_slice %shift_left3A_7 {offsets = [13], sizes = [1], strides = [1]} : vector<16xi32> to vector<1xi32>
    %squeeze3A_213 = vector.extract %slice3A_212[0] : i32 from vector<1xi32>
    %multiple_of3A_214 = tpu.assume_multiple %squeeze3A_213, 128 : i32
    %dma_start3A_215 = arith.constant 13 : i32
    %dma_start3A_216 = arith.constant 0 : i32
    %dma_start3A_217 = arith.constant 0 : i32
    %dma_start3A_218 = tpu.memref_slice %arg6[%dma_start3A_215, %dma_start3A_216, %dma_start3A_217] : memref<16x32x128xf32, #tpu.memory_space<vmem>> -> memref<1x32x128xf32, #tpu.memory_space<vmem>>
    %dma_start3A_219 = tpu.memref_squeeze %dma_start3A_218 : memref<1x32x128xf32, #tpu.memory_space<vmem>> -> memref<32x128xf32, #tpu.memory_space<vmem>>
    %dma_start3A_220 = arith.constant 0 : i32
    %dma_start3A_221 = tpu.memref_slice %arg2[%dma_start3A_220, %multiple_of3A_214] : memref<32x1000000xf32, #tpu.memory_space<hbm>> -> memref<32x128xf32, #tpu.memory_space<hbm>>
    %dma_start3A_222 = arith.constant 0 : i32
    %dma_start3A_223 = arith.constant 0 : i32
    %dma_start3A_224 = tpu.memref_slice %arg6[%dma_start3A_215, %dma_start3A_222, %dma_start3A_223] : memref<16x32x128xf32, #tpu.memory_space<vmem>> -> memref<1x32x128xf32, #tpu.memory_space<vmem>>
    %dma_start3A_225 = tpu.memref_squeeze %dma_start3A_224 : memref<1x32x128xf32, #tpu.memory_space<vmem>> -> memref<32x128xf32, #tpu.memory_space<vmem>>
    %dma_start3A_226 = arith.constant 0 : i32
    %dma_start3A_227 = tpu.memref_slice %arg2[%dma_start3A_226, %multiple_of3A_214] : memref<32x1000000xf32, #tpu.memory_space<hbm>> -> memref<32x128xf32, #tpu.memory_space<hbm>>
    tpu.enqueue_dma source(%dma_start3A_227 : memref<32x128xf32, #tpu.memory_space<hbm>>) target(%dma_start3A_225 : memref<32x128xf32, #tpu.memory_space<vmem>>) target_semaphore(%arg21 : memref<!tpu.dma_semaphore, #tpu.memory_space<semaphore_mem>>)
    %slice3A_228 = vector.extract_strided_slice %shift_left3A_7 {offsets = [14], sizes = [1], strides = [1]} : vector<16xi32> to vector<1xi32>
    %squeeze3A_229 = vector.extract %slice3A_228[0] : i32 from vector<1xi32>
    %multiple_of3A_230 = tpu.assume_multiple %squeeze3A_229, 128 : i32
    %dma_start3A_231 = arith.constant 14 : i32
    %dma_start3A_232 = arith.constant 0 : i32
    %dma_start3A_233 = arith.constant 0 : i32
    %dma_start3A_234 = tpu.memref_slice %arg6[%dma_start3A_231, %dma_start3A_232, %dma_start3A_233] : memref<16x32x128xf32, #tpu.memory_space<vmem>> -> memref<1x32x128xf32, #tpu.memory_space<vmem>>
    %dma_start3A_235 = tpu.memref_squeeze %dma_start3A_234 : memref<1x32x128xf32, #tpu.memory_space<vmem>> -> memref<32x128xf32, #tpu.memory_space<vmem>>
    %dma_start3A_236 = arith.constant 0 : i32
    %dma_start3A_237 = tpu.memref_slice %arg2[%dma_start3A_236, %multiple_of3A_230] : memref<32x1000000xf32, #tpu.memory_space<hbm>> -> memref<32x128xf32, #tpu.memory_space<hbm>>
    %dma_start3A_238 = arith.constant 0 : i32
    %dma_start3A_239 = arith.constant 0 : i32
    %dma_start3A_240 = tpu.memref_slice %arg6[%dma_start3A_231, %dma_start3A_238, %dma_start3A_239] : memref<16x32x128xf32, #tpu.memory_space<vmem>> -> memref<1x32x128xf32, #tpu.memory_space<vmem>>
    %dma_start3A_241 = tpu.memref_squeeze %dma_start3A_240 : memref<1x32x128xf32, #tpu.memory_space<vmem>> -> memref<32x128xf32, #tpu.memory_space<vmem>>
    %dma_start3A_242 = arith.constant 0 : i32
    %dma_start3A_243 = tpu.memref_slice %arg2[%dma_start3A_242, %multiple_of3A_230] : memref<32x1000000xf32, #tpu.memory_space<hbm>> -> memref<32x128xf32, #tpu.memory_space<hbm>>
    tpu.enqueue_dma source(%dma_start3A_243 : memref<32x128xf32, #tpu.memory_space<hbm>>) target(%dma_start3A_241 : memref<32x128xf32, #tpu.memory_space<vmem>>) target_semaphore(%arg22 : memref<!tpu.dma_semaphore, #tpu.memory_space<semaphore_mem>>)
    %slice3A_244 = vector.extract_strided_slice %shift_left3A_7 {offsets = [15], sizes = [1], strides = [1]} : vector<16xi32> to vector<1xi32>
    %squeeze3A_245 = vector.extract %slice3A_244[0] : i32 from vector<1xi32>
    %multiple_of3A_246 = tpu.assume_multiple %squeeze3A_245, 128 : i32
    %dma_start3A_247 = arith.constant 15 : i32
    %dma_start3A_248 = arith.constant 0 : i32
    %dma_start3A_249 = arith.constant 0 : i32
    %dma_start3A_250 = tpu.memref_slice %arg6[%dma_start3A_247, %dma_start3A_248, %dma_start3A_249] : memref<16x32x128xf32, #tpu.memory_space<vmem>> -> memref<1x32x128xf32, #tpu.memory_space<vmem>>
    %dma_start3A_251 = tpu.memref_squeeze %dma_start3A_250 : memref<1x32x128xf32, #tpu.memory_space<vmem>> -> memref<32x128xf32, #tpu.memory_space<vmem>>
    %dma_start3A_252 = arith.constant 0 : i32
    %dma_start3A_253 = tpu.memref_slice %arg2[%dma_start3A_252, %multiple_of3A_246] : memref<32x1000000xf32, #tpu.memory_space<hbm>> -> memref<32x128xf32, #tpu.memory_space<hbm>>
    %dma_start3A_254 = arith.constant 0 : i32
    %dma_start3A_255 = arith.constant 0 : i32
    %dma_start3A_256 = tpu.memref_slice %arg6[%dma_start3A_247, %dma_start3A_254, %dma_start3A_255] : memref<16x32x128xf32, #tpu.memory_space<vmem>> -> memref<1x32x128xf32, #tpu.memory_space<vmem>>
    %dma_start3A_257 = tpu.memref_squeeze %dma_start3A_256 : memref<1x32x128xf32, #tpu.memory_space<vmem>> -> memref<32x128xf32, #tpu.memory_space<vmem>>
    %dma_start3A_258 = arith.constant 0 : i32
    %dma_start3A_259 = tpu.memref_slice %arg2[%dma_start3A_258, %multiple_of3A_246] : memref<32x1000000xf32, #tpu.memory_space<hbm>> -> memref<32x128xf32, #tpu.memory_space<hbm>>
    tpu.enqueue_dma source(%dma_start3A_259 : memref<32x128xf32, #tpu.memory_space<hbm>>) target(%dma_start3A_257 : memref<32x128xf32, #tpu.memory_space<vmem>>) target_semaphore(%arg23 : memref<!tpu.dma_semaphore, #tpu.memory_space<semaphore_mem>>)
    %scan3A = arith.constant 0 : i32
    %scan3A_260 = arith.constant 31 : i32
    %scan3A_261 = arith.addi %scan3A, %scan3A_260 : i32
    %scan3A_262 = arith.constant 1 : i32
    scf.for %scan3A_969 = %scan3A to %scan3A_261 step %scan3A_262  : i32 {
      %mul3A_970 = arith.constant 1 : i32
      %mul3A_971 = arith.muli %scan3A_969, %mul3A_970 : i32
      %add3A_972 = arith.constant 1 : i32
      %add3A_973 = arith.addi %add3A_972, %mul3A_971 : i32
      %sub3A = arith.constant 1 : i32
      %sub3A_974 = arith.subi %add3A_973, %sub3A : i32
      %mul3A_975 = arith.constant 16 : i32
      %mul3A_976 = arith.muli %sub3A_974, %mul3A_975 : i32
      %mul3A_977 = arith.constant 16 : i32
      %mul3A_978 = arith.muli %add3A_973, %mul3A_977 : i32
      %get3A_979 = arith.index_cast %mul3A_976 : i32 to index
      %get3A_980 = tpu.vector_load %arg5[%get3A_979] {strides = array<i32>} : memref<512xi32, #tpu.memory_space<vmem>>, vector<16xi32>,
      %and3A_981 = arith.constant 127 : i32
      %and3A_982 = vector.broadcast %and3A_981 : i32 to vector<16xi32>
      %and3A_983 = arith.andi %get3A_980, %and3A_982 : vector<16xi32>
      %get3A_984 = arith.index_cast %mul3A_978 : i32 to index
      %get3A_985 = tpu.vector_load %arg5[%get3A_984] {strides = array<i32>} : memref<512xi32, #tpu.memory_space<vmem>>, vector<16xi32>,
      %shift_right_arithmetic3A_986 = arith.constant 7 : i32
      %shift_right_arithmetic3A_987 = vector.broadcast %shift_right_arithmetic3A_986 : i32 to vector<16xi32>
      %shift_right_arithmetic3A_988 = arith.shrsi %get3A_985, %shift_right_arithmetic3A_987 : vector<16xi32>
      %shift_left3A_989 = arith.constant 7 : i32
      %shift_left3A_990 = vector.broadcast %shift_left3A_989 : i32 to vector<16xi32>
      %shift_left3A_991 = arith.shli %shift_right_arithmetic3A_988, %shift_left3A_990 : vector<16xi32>
      %dma_wait3A_992 = arith.constant 0 : i32
      %dma_wait3A_993 = arith.constant 0 : i32
      %dma_wait3A_994 = arith.constant 0 : i32
      %dma_wait3A_995 = tpu.memref_slice %arg6[%dma_wait3A_992, %dma_wait3A_993, %dma_wait3A_994] : memref<16x32x128xf32, #tpu.memory_space<vmem>> -> memref<1x32x128xf32, #tpu.memory_space<vmem>>
      %dma_wait3A_996 = tpu.memref_squeeze %dma_wait3A_995 : memref<1x32x128xf32, #tpu.memory_space<vmem>> -> memref<32x128xf32, #tpu.memory_space<vmem>>
      %dma_wait3A_997 = arith.constant 0 : i32
      %dma_wait3A_998 = arith.constant 0 : i32
      %dma_wait3A_999 = tpu.memref_slice %arg2[%dma_wait3A_997, %dma_wait3A_998] : memref<32x1000000xf32, #tpu.memory_space<hbm>> -> memref<32x128xf32, #tpu.memory_space<hbm>>
      %dma_wait3A_1000 = arith.constant 0 : i32
      %dma_wait3A_1001 = arith.constant 0 : i32
      %dma_wait3A_1002 = tpu.memref_slice %arg6[%dma_wait3A_992, %dma_wait3A_1000, %dma_wait3A_1001] : memref<16x32x128xf32, #tpu.memory_space<vmem>> -> memref<1x32x128xf32, #tpu.memory_space<vmem>>
      %dma_wait3A_1003 = tpu.memref_squeeze %dma_wait3A_1002 : memref<1x32x128xf32, #tpu.memory_space<vmem>> -> memref<32x128xf32, #tpu.memory_space<vmem>>
      %dma_wait3A_1004 = arith.constant 0 : i32
      %dma_wait3A_1005 = arith.constant 0 : i32
      %dma_wait3A_1006 = tpu.memref_slice %arg2[%dma_wait3A_1004, %dma_wait3A_1005] : memref<32x1000000xf32, #tpu.memory_space<hbm>> -> memref<32x128xf32, #tpu.memory_space<hbm>>
      tpu.wait_dma2 semaphore(%arg8 : memref<!tpu.dma_semaphore, #tpu.memory_space<semaphore_mem>>) src(%dma_wait3A_1006 : memref<32x128xf32, #tpu.memory_space<hbm>>) dst(%dma_wait3A_1003 : memref<32x128xf32, #tpu.memory_space<vmem>>)
      %slice3A_1007 = vector.extract_strided_slice %and3A_983 {offsets = [0], sizes = [1], strides = [1]} : vector<16xi32> to vector<1xi32>
      %squeeze3A_1008 = vector.extract %slice3A_1007[0] : i32 from vector<1xi32>
      %broadcast_in_dim3A_1009 = vector.broadcast %squeeze3A_1008 : i32 to vector<16xi32>
      %add3A_1010 = arith.constant 0 : i32
      %add3A_1011 = arith.addi %mul3A_976, %add3A_1010 : i32
      %broadcast_in_dim3A_1012 = vector.broadcast %add3A_1011 : i32 to vector<16xi32>
      %add3A_1013 = arith.constant 0 : i32
      %add3A_1014 = vector.broadcast %add3A_1013 : i32 to vector<16xi32>
      %add3A_1015 = arith.addi %add3A_1014, %iota3A : vector<16xi32>
      %gather3A_1016 = arith.constant 0 : i32
      %gather3A_1017 = arith.constant 0 : i32
      %gather3A_1018 = arith.constant 0 : i32
      %gather3A_1019 = tpu.memref_slice %arg6[%gather3A_1016, %gather3A_1017, %gather3A_1018] : memref<16x32x128xf32, #tpu.memory_space<vmem>> -> memref<1x32x128xf32, #tpu.memory_space<vmem>>
      %gather3A_1020 = tpu.memref_squeeze %gather3A_1019 : memref<1x32x128xf32, #tpu.memory_space<vmem>> -> memref<32x128xf32, #tpu.memory_space<vmem>>
      %gather3A_1021 = tpu.vector_load_idx %gather3A_1020[%add3A_1015, %broadcast_in_dim3A_1009] : memref<32x128xf32, #tpu.memory_space<vmem>>[vector<16xi32>, vector<16xi32>], vector<16xf32>,
      %add3A_1022 = arith.constant 0 : i32
      %add3A_1023 = vector.broadcast %add3A_1022 : i32 to vector<16xi32>
      %add3A_1024 = arith.addi %add3A_1023, %iota3A : vector<16xi32>
      tpu.vector_store_idx %arg7[%add3A_1024, %broadcast_in_dim3A_1012], %gather3A_1021 : memref<32x512xf32, #tpu.memory_space<vmem>>[vector<16xi32>, vector<16xi32>], vector<16xf32>,
      %add3A_1025 = arith.constant 16 : i32
      %add3A_1026 = vector.broadcast %add3A_1025 : i32 to vector<16xi32>
      %add3A_1027 = arith.addi %add3A_1026, %iota3A : vector<16xi32>
      %gather3A_1028 = arith.constant 0 : i32
      %gather3A_1029 = arith.constant 0 : i32
      %gather3A_1030 = arith.constant 0 : i32
      %gather3A_1031 = tpu.memref_slice %arg6[%gather3A_1028, %gather3A_1029, %gather3A_1030] : memref<16x32x128xf32, #tpu.memory_space<vmem>> -> memref<1x32x128xf32, #tpu.memory_space<vmem>>
      %gather3A_1032 = tpu.memref_squeeze %gather3A_1031 : memref<1x32x128xf32, #tpu.memory_space<vmem>> -> memref<32x128xf32, #tpu.memory_space<vmem>>
      %gather3A_1033 = tpu.vector_load_idx %gather3A_1032[%add3A_1027, %broadcast_in_dim3A_1009] : memref<32x128xf32, #tpu.memory_space<vmem>>[vector<16xi32>, vector<16xi32>], vector<16xf32>,
      %add3A_1034 = arith.constant 16 : i32
      %add3A_1035 = vector.broadcast %add3A_1034 : i32 to vector<16xi32>
      %add3A_1036 = arith.addi %add3A_1035, %iota3A : vector<16xi32>
      tpu.vector_store_idx %arg7[%add3A_1036, %broadcast_in_dim3A_1012], %gather3A_1033 : memref<32x512xf32, #tpu.memory_space<vmem>>[vector<16xi32>, vector<16xi32>], vector<16xf32>,
      %slice3A_1037 = vector.extract_strided_slice %shift_left3A_991 {offsets = [0], sizes = [1], strides = [1]} : vector<16xi32> to vector<1xi32>
      %squeeze3A_1038 = vector.extract %slice3A_1037[0] : i32 from vector<1xi32>
      %multiple_of3A_1039 = tpu.assume_multiple %squeeze3A_1038, 128 : i32
      %dma_start3A_1040 = arith.constant 0 : i32
      %dma_start3A_1041 = arith.constant 0 : i32
      %dma_start3A_1042 = arith.constant 0 : i32
      %dma_start3A_1043 = tpu.memref_slice %arg6[%dma_start3A_1040, %dma_start3A_1041, %dma_start3A_1042] : memref<16x32x128xf32, #tpu.memory_space<vmem>> -> memref<1x32x128xf32, #tpu.memory_space<vmem>>
      %dma_start3A_1044 = tpu.memref_squeeze %dma_start3A_1043 : memref<1x32x128xf32, #tpu.memory_space<vmem>> -> memref<32x128xf32, #tpu.memory_space<vmem>>
      %dma_start3A_1045 = arith.constant 0 : i32
      %dma_start3A_1046 = tpu.memref_slice %arg2[%dma_start3A_1045, %multiple_of3A_1039] : memref<32x1000000xf32, #tpu.memory_space<hbm>> -> memref<32x128xf32, #tpu.memory_space<hbm>>
      %dma_start3A_1047 = arith.constant 0 : i32
      %dma_start3A_1048 = arith.constant 0 : i32
      %dma_start3A_1049 = tpu.memref_slice %arg6[%dma_start3A_1040, %dma_start3A_1047, %dma_start3A_1048] : memref<16x32x128xf32, #tpu.memory_space<vmem>> -> memref<1x32x128xf32, #tpu.memory_space<vmem>>
      %dma_start3A_1050 = tpu.memref_squeeze %dma_start3A_1049 : memref<1x32x128xf32, #tpu.memory_space<vmem>> -> memref<32x128xf32, #tpu.memory_space<vmem>>
      %dma_start3A_1051 = arith.constant 0 : i32
      %dma_start3A_1052 = tpu.memref_slice %arg2[%dma_start3A_1051, %multiple_of3A_1039] : memref<32x1000000xf32, #tpu.memory_space<hbm>> -> memref<32x128xf32, #tpu.memory_space<hbm>>
      tpu.enqueue_dma source(%dma_start3A_1052 : memref<32x128xf32, #tpu.memory_space<hbm>>) target(%dma_start3A_1050 : memref<32x128xf32, #tpu.memory_space<vmem>>) target_semaphore(%arg8 : memref<!tpu.dma_semaphore, #tpu.memory_space<semaphore_mem>>)
      %dma_wait3A_1053 = arith.constant 1 : i32
      %dma_wait3A_1054 = arith.constant 0 : i32
      %dma_wait3A_1055 = arith.constant 0 : i32
      %dma_wait3A_1056 = tpu.memref_slice %arg6[%dma_wait3A_1053, %dma_wait3A_1054, %dma_wait3A_1055] : memref<16x32x128xf32, #tpu.memory_space<vmem>> -> memref<1x32x128xf32, #tpu.memory_space<vmem>>
      %dma_wait3A_1057 = tpu.memref_squeeze %dma_wait3A_1056 : memref<1x32x128xf32, #tpu.memory_space<vmem>> -> memref<32x128xf32, #tpu.memory_space<vmem>>
      %dma_wait3A_1058 = arith.constant 0 : i32
      %dma_wait3A_1059 = arith.constant 0 : i32
      %dma_wait3A_1060 = tpu.memref_slice %arg2[%dma_wait3A_1058, %dma_wait3A_1059] : memref<32x1000000xf32, #tpu.memory_space<hbm>> -> memref<32x128xf32, #tpu.memory_space<hbm>>
      %dma_wait3A_1061 = arith.constant 0 : i32
      %dma_wait3A_1062 = arith.constant 0 : i32
      %dma_wait3A_1063 = tpu.memref_slice %arg6[%dma_wait3A_1053, %dma_wait3A_1061, %dma_wait3A_1062] : memref<16x32x128xf32, #tpu.memory_space<vmem>> -> memref<1x32x128xf32, #tpu.memory_space<vmem>>
      %dma_wait3A_1064 = tpu.memref_squeeze %dma_wait3A_1063 : memref<1x32x128xf32, #tpu.memory_space<vmem>> -> memref<32x128xf32, #tpu.memory_space<vmem>>
      %dma_wait3A_1065 = arith.constant 0 : i32
      %dma_wait3A_1066 = arith.constant 0 : i32
      %dma_wait3A_1067 = tpu.memref_slice %arg2[%dma_wait3A_1065, %dma_wait3A_1066] : memref<32x1000000xf32, #tpu.memory_space<hbm>> -> memref<32x128xf32, #tpu.memory_space<hbm>>
      tpu.wait_dma2 semaphore(%arg9 : memref<!tpu.dma_semaphore, #tpu.memory_space<semaphore_mem>>) src(%dma_wait3A_1067 : memref<32x128xf32, #tpu.memory_space<hbm>>) dst(%dma_wait3A_1064 : memref<32x128xf32, #tpu.memory_space<vmem>>)
      %slice3A_1068 = vector.extract_strided_slice %and3A_983 {offsets = [1], sizes = [1], strides = [1]} : vector<16xi32> to vector<1xi32>
      %squeeze3A_1069 = vector.extract %slice3A_1068[0] : i32 from vector<1xi32>
      %broadcast_in_dim3A_1070 = vector.broadcast %squeeze3A_1069 : i32 to vector<16xi32>
      %add3A_1071 = arith.constant 1 : i32
      %add3A_1072 = arith.addi %mul3A_976, %add3A_1071 : i32
      %broadcast_in_dim3A_1073 = vector.broadcast %add3A_1072 : i32 to vector<16xi32>
      %add3A_1074 = arith.constant 0 : i32
      %add3A_1075 = vector.broadcast %add3A_1074 : i32 to vector<16xi32>
      %add3A_1076 = arith.addi %add3A_1075, %iota3A : vector<16xi32>
      %gather3A_1077 = arith.constant 1 : i32
      %gather3A_1078 = arith.constant 0 : i32
      %gather3A_1079 = arith.constant 0 : i32
      %gather3A_1080 = tpu.memref_slice %arg6[%gather3A_1077, %gather3A_1078, %gather3A_1079] : memref<16x32x128xf32, #tpu.memory_space<vmem>> -> memref<1x32x128xf32, #tpu.memory_space<vmem>>
      %gather3A_1081 = tpu.memref_squeeze %gather3A_1080 : memref<1x32x128xf32, #tpu.memory_space<vmem>> -> memref<32x128xf32, #tpu.memory_space<vmem>>
      %gather3A_1082 = tpu.vector_load_idx %gather3A_1081[%add3A_1076, %broadcast_in_dim3A_1070] : memref<32x128xf32, #tpu.memory_space<vmem>>[vector<16xi32>, vector<16xi32>], vector<16xf32>,
      %add3A_1083 = arith.constant 0 : i32
      %add3A_1084 = vector.broadcast %add3A_1083 : i32 to vector<16xi32>
      %add3A_1085 = arith.addi %add3A_1084, %iota3A : vector<16xi32>
      tpu.vector_store_idx %arg7[%add3A_1085, %broadcast_in_dim3A_1073], %gather3A_1082 : memref<32x512xf32, #tpu.memory_space<vmem>>[vector<16xi32>, vector<16xi32>], vector<16xf32>,
      %add3A_1086 = arith.constant 16 : i32
      %add3A_1087 = vector.broadcast %add3A_1086 : i32 to vector<16xi32>
      %add3A_1088 = arith.addi %add3A_1087, %iota3A : vector<16xi32>
      %gather3A_1089 = arith.constant 1 : i32
      %gather3A_1090 = arith.constant 0 : i32
      %gather3A_1091 = arith.constant 0 : i32
      %gather3A_1092 = tpu.memref_slice %arg6[%gather3A_1089, %gather3A_1090, %gather3A_1091] : memref<16x32x128xf32, #tpu.memory_space<vmem>> -> memref<1x32x128xf32, #tpu.memory_space<vmem>>
      %gather3A_1093 = tpu.memref_squeeze %gather3A_1092 : memref<1x32x128xf32, #tpu.memory_space<vmem>> -> memref<32x128xf32, #tpu.memory_space<vmem>>
      %gather3A_1094 = tpu.vector_load_idx %gather3A_1093[%add3A_1088, %broadcast_in_dim3A_1070] : memref<32x128xf32, #tpu.memory_space<vmem>>[vector<16xi32>, vector<16xi32>], vector<16xf32>,
      %add3A_1095 = arith.constant 16 : i32
      %add3A_1096 = vector.broadcast %add3A_1095 : i32 to vector<16xi32>
      %add3A_1097 = arith.addi %add3A_1096, %iota3A : vector<16xi32>
      tpu.vector_store_idx %arg7[%add3A_1097, %broadcast_in_dim3A_1073], %gather3A_1094 : memref<32x512xf32, #tpu.memory_space<vmem>>[vector<16xi32>, vector<16xi32>], vector<16xf32>,
      %slice3A_1098 = vector.extract_strided_slice %shift_left3A_991 {offsets = [1], sizes = [1], strides = [1]} : vector<16xi32> to vector<1xi32>
      %squeeze3A_1099 = vector.extract %slice3A_1098[0] : i32 from vector<1xi32>
      %multiple_of3A_1100 = tpu.assume_multiple %squeeze3A_1099, 128 : i32
      %dma_start3A_1101 = arith.constant 1 : i32
      %dma_start3A_1102 = arith.constant 0 : i32
      %dma_start3A_1103 = arith.constant 0 : i32
      %dma_start3A_1104 = tpu.memref_slice %arg6[%dma_start3A_1101, %dma_start3A_1102, %dma_start3A_1103] : memref<16x32x128xf32, #tpu.memory_space<vmem>> -> memref<1x32x128xf32, #tpu.memory_space<vmem>>
      %dma_start3A_1105 = tpu.memref_squeeze %dma_start3A_1104 : memref<1x32x128xf32, #tpu.memory_space<vmem>> -> memref<32x128xf32, #tpu.memory_space<vmem>>
      %dma_start3A_1106 = arith.constant 0 : i32
      %dma_start3A_1107 = tpu.memref_slice %arg2[%dma_start3A_1106, %multiple_of3A_1100] : memref<32x1000000xf32, #tpu.memory_space<hbm>> -> memref<32x128xf32, #tpu.memory_space<hbm>>
      %dma_start3A_1108 = arith.constant 0 : i32
      %dma_start3A_1109 = arith.constant 0 : i32
      %dma_start3A_1110 = tpu.memref_slice %arg6[%dma_start3A_1101, %dma_start3A_1108, %dma_start3A_1109] : memref<16x32x128xf32, #tpu.memory_space<vmem>> -> memref<1x32x128xf32, #tpu.memory_space<vmem>>
      %dma_start3A_1111 = tpu.memref_squeeze %dma_start3A_1110 : memref<1x32x128xf32, #tpu.memory_space<vmem>> -> memref<32x128xf32, #tpu.memory_space<vmem>>
      %dma_start3A_1112 = arith.constant 0 : i32
      %dma_start3A_1113 = tpu.memref_slice %arg2[%dma_start3A_1112, %multiple_of3A_1100] : memref<32x1000000xf32, #tpu.memory_space<hbm>> -> memref<32x128xf32, #tpu.memory_space<hbm>>
      tpu.enqueue_dma source(%dma_start3A_1113 : memref<32x128xf32, #tpu.memory_space<hbm>>) target(%dma_start3A_1111 : memref<32x128xf32, #tpu.memory_space<vmem>>) target_semaphore(%arg9 : memref<!tpu.dma_semaphore, #tpu.memory_space<semaphore_mem>>)
      %dma_wait3A_1114 = arith.constant 2 : i32
      %dma_wait3A_1115 = arith.constant 0 : i32
      %dma_wait3A_1116 = arith.constant 0 : i32
      %dma_wait3A_1117 = tpu.memref_slice %arg6[%dma_wait3A_1114, %dma_wait3A_1115, %dma_wait3A_1116] : memref<16x32x128xf32, #tpu.memory_space<vmem>> -> memref<1x32x128xf32, #tpu.memory_space<vmem>>
      %dma_wait3A_1118 = tpu.memref_squeeze %dma_wait3A_1117 : memref<1x32x128xf32, #tpu.memory_space<vmem>> -> memref<32x128xf32, #tpu.memory_space<vmem>>
      %dma_wait3A_1119 = arith.constant 0 : i32
      %dma_wait3A_1120 = arith.constant 0 : i32
      %dma_wait3A_1121 = tpu.memref_slice %arg2[%dma_wait3A_1119, %dma_wait3A_1120] : memref<32x1000000xf32, #tpu.memory_space<hbm>> -> memref<32x128xf32, #tpu.memory_space<hbm>>
      %dma_wait3A_1122 = arith.constant 0 : i32
      %dma_wait3A_1123 = arith.constant 0 : i32
      %dma_wait3A_1124 = tpu.memref_slice %arg6[%dma_wait3A_1114, %dma_wait3A_1122, %dma_wait3A_1123] : memref<16x32x128xf32, #tpu.memory_space<vmem>> -> memref<1x32x128xf32, #tpu.memory_space<vmem>>
      %dma_wait3A_1125 = tpu.memref_squeeze %dma_wait3A_1124 : memref<1x32x128xf32, #tpu.memory_space<vmem>> -> memref<32x128xf32, #tpu.memory_space<vmem>>
      %dma_wait3A_1126 = arith.constant 0 : i32
      %dma_wait3A_1127 = arith.constant 0 : i32
      %dma_wait3A_1128 = tpu.memref_slice %arg2[%dma_wait3A_1126, %dma_wait3A_1127] : memref<32x1000000xf32, #tpu.memory_space<hbm>> -> memref<32x128xf32, #tpu.memory_space<hbm>>
      tpu.wait_dma2 semaphore(%arg10 : memref<!tpu.dma_semaphore, #tpu.memory_space<semaphore_mem>>) src(%dma_wait3A_1128 : memref<32x128xf32, #tpu.memory_space<hbm>>) dst(%dma_wait3A_1125 : memref<32x128xf32, #tpu.memory_space<vmem>>)
      %slice3A_1129 = vector.extract_strided_slice %and3A_983 {offsets = [2], sizes = [1], strides = [1]} : vector<16xi32> to vector<1xi32>
      %squeeze3A_1130 = vector.extract %slice3A_1129[0] : i32 from vector<1xi32>
      %broadcast_in_dim3A_1131 = vector.broadcast %squeeze3A_1130 : i32 to vector<16xi32>
      %add3A_1132 = arith.constant 2 : i32
      %add3A_1133 = arith.addi %mul3A_976, %add3A_1132 : i32
      %broadcast_in_dim3A_1134 = vector.broadcast %add3A_1133 : i32 to vector<16xi32>
      %add3A_1135 = arith.constant 0 : i32
      %add3A_1136 = vector.broadcast %add3A_1135 : i32 to vector<16xi32>
      %add3A_1137 = arith.addi %add3A_1136, %iota3A : vector<16xi32>
      %gather3A_1138 = arith.constant 2 : i32
      %gather3A_1139 = arith.constant 0 : i32
      %gather3A_1140 = arith.constant 0 : i32
      %gather3A_1141 = tpu.memref_slice %arg6[%gather3A_1138, %gather3A_1139, %gather3A_1140] : memref<16x32x128xf32, #tpu.memory_space<vmem>> -> memref<1x32x128xf32, #tpu.memory_space<vmem>>
      %gather3A_1142 = tpu.memref_squeeze %gather3A_1141 : memref<1x32x128xf32, #tpu.memory_space<vmem>> -> memref<32x128xf32, #tpu.memory_space<vmem>>
      %gather3A_1143 = tpu.vector_load_idx %gather3A_1142[%add3A_1137, %broadcast_in_dim3A_1131] : memref<32x128xf32, #tpu.memory_space<vmem>>[vector<16xi32>, vector<16xi32>], vector<16xf32>,
      %add3A_1144 = arith.constant 0 : i32
      %add3A_1145 = vector.broadcast %add3A_1144 : i32 to vector<16xi32>
      %add3A_1146 = arith.addi %add3A_1145, %iota3A : vector<16xi32>
      tpu.vector_store_idx %arg7[%add3A_1146, %broadcast_in_dim3A_1134], %gather3A_1143 : memref<32x512xf32, #tpu.memory_space<vmem>>[vector<16xi32>, vector<16xi32>], vector<16xf32>,
      %add3A_1147 = arith.constant 16 : i32
      %add3A_1148 = vector.broadcast %add3A_1147 : i32 to vector<16xi32>
      %add3A_1149 = arith.addi %add3A_1148, %iota3A : vector<16xi32>
      %gather3A_1150 = arith.constant 2 : i32
      %gather3A_1151 = arith.constant 0 : i32
      %gather3A_1152 = arith.constant 0 : i32
      %gather3A_1153 = tpu.memref_slice %arg6[%gather3A_1150, %gather3A_1151, %gather3A_1152] : memref<16x32x128xf32, #tpu.memory_space<vmem>> -> memref<1x32x128xf32, #tpu.memory_space<vmem>>
      %gather3A_1154 = tpu.memref_squeeze %gather3A_1153 : memref<1x32x128xf32, #tpu.memory_space<vmem>> -> memref<32x128xf32, #tpu.memory_space<vmem>>
      %gather3A_1155 = tpu.vector_load_idx %gather3A_1154[%add3A_1149, %broadcast_in_dim3A_1131] : memref<32x128xf32, #tpu.memory_space<vmem>>[vector<16xi32>, vector<16xi32>], vector<16xf32>,
      %add3A_1156 = arith.constant 16 : i32
      %add3A_1157 = vector.broadcast %add3A_1156 : i32 to vector<16xi32>
      %add3A_1158 = arith.addi %add3A_1157, %iota3A : vector<16xi32>
      tpu.vector_store_idx %arg7[%add3A_1158, %broadcast_in_dim3A_1134], %gather3A_1155 : memref<32x512xf32, #tpu.memory_space<vmem>>[vector<16xi32>, vector<16xi32>], vector<16xf32>,
      %slice3A_1159 = vector.extract_strided_slice %shift_left3A_991 {offsets = [2], sizes = [1], strides = [1]} : vector<16xi32> to vector<1xi32>
      %squeeze3A_1160 = vector.extract %slice3A_1159[0] : i32 from vector<1xi32>
      %multiple_of3A_1161 = tpu.assume_multiple %squeeze3A_1160, 128 : i32
      %dma_start3A_1162 = arith.constant 2 : i32
      %dma_start3A_1163 = arith.constant 0 : i32
      %dma_start3A_1164 = arith.constant 0 : i32
      %dma_start3A_1165 = tpu.memref_slice %arg6[%dma_start3A_1162, %dma_start3A_1163, %dma_start3A_1164] : memref<16x32x128xf32, #tpu.memory_space<vmem>> -> memref<1x32x128xf32, #tpu.memory_space<vmem>>
      %dma_start3A_1166 = tpu.memref_squeeze %dma_start3A_1165 : memref<1x32x128xf32, #tpu.memory_space<vmem>> -> memref<32x128xf32, #tpu.memory_space<vmem>>
      %dma_start3A_1167 = arith.constant 0 : i32
      %dma_start3A_1168 = tpu.memref_slice %arg2[%dma_start3A_1167, %multiple_of3A_1161] : memref<32x1000000xf32, #tpu.memory_space<hbm>> -> memref<32x128xf32, #tpu.memory_space<hbm>>
      %dma_start3A_1169 = arith.constant 0 : i32
      %dma_start3A_1170 = arith.constant 0 : i32
      %dma_start3A_1171 = tpu.memref_slice %arg6[%dma_start3A_1162, %dma_start3A_1169, %dma_start3A_1170] : memref<16x32x128xf32, #tpu.memory_space<vmem>> -> memref<1x32x128xf32, #tpu.memory_space<vmem>>
      %dma_start3A_1172 = tpu.memref_squeeze %dma_start3A_1171 : memref<1x32x128xf32, #tpu.memory_space<vmem>> -> memref<32x128xf32, #tpu.memory_space<vmem>>
      %dma_start3A_1173 = arith.constant 0 : i32
      %dma_start3A_1174 = tpu.memref_slice %arg2[%dma_start3A_1173, %multiple_of3A_1161] : memref<32x1000000xf32, #tpu.memory_space<hbm>> -> memref<32x128xf32, #tpu.memory_space<hbm>>
      tpu.enqueue_dma source(%dma_start3A_1174 : memref<32x128xf32, #tpu.memory_space<hbm>>) target(%dma_start3A_1172 : memref<32x128xf32, #tpu.memory_space<vmem>>) target_semaphore(%arg10 : memref<!tpu.dma_semaphore, #tpu.memory_space<semaphore_mem>>)
      %dma_wait3A_1175 = arith.constant 3 : i32
      %dma_wait3A_1176 = arith.constant 0 : i32
      %dma_wait3A_1177 = arith.constant 0 : i32
      %dma_wait3A_1178 = tpu.memref_slice %arg6[%dma_wait3A_1175, %dma_wait3A_1176, %dma_wait3A_1177] : memref<16x32x128xf32, #tpu.memory_space<vmem>> -> memref<1x32x128xf32, #tpu.memory_space<vmem>>
      %dma_wait3A_1179 = tpu.memref_squeeze %dma_wait3A_1178 : memref<1x32x128xf32, #tpu.memory_space<vmem>> -> memref<32x128xf32, #tpu.memory_space<vmem>>
      %dma_wait3A_1180 = arith.constant 0 : i32
      %dma_wait3A_1181 = arith.constant 0 : i32
      %dma_wait3A_1182 = tpu.memref_slice %arg2[%dma_wait3A_1180, %dma_wait3A_1181] : memref<32x1000000xf32, #tpu.memory_space<hbm>> -> memref<32x128xf32, #tpu.memory_space<hbm>>
      %dma_wait3A_1183 = arith.constant 0 : i32
      %dma_wait3A_1184 = arith.constant 0 : i32
      %dma_wait3A_1185 = tpu.memref_slice %arg6[%dma_wait3A_1175, %dma_wait3A_1183, %dma_wait3A_1184] : memref<16x32x128xf32, #tpu.memory_space<vmem>> -> memref<1x32x128xf32, #tpu.memory_space<vmem>>
      %dma_wait3A_1186 = tpu.memref_squeeze %dma_wait3A_1185 : memref<1x32x128xf32, #tpu.memory_space<vmem>> -> memref<32x128xf32, #tpu.memory_space<vmem>>
      %dma_wait3A_1187 = arith.constant 0 : i32
      %dma_wait3A_1188 = arith.constant 0 : i32
      %dma_wait3A_1189 = tpu.memref_slice %arg2[%dma_wait3A_1187, %dma_wait3A_1188] : memref<32x1000000xf32, #tpu.memory_space<hbm>> -> memref<32x128xf32, #tpu.memory_space<hbm>>
      tpu.wait_dma2 semaphore(%arg11 : memref<!tpu.dma_semaphore, #tpu.memory_space<semaphore_mem>>) src(%dma_wait3A_1189 : memref<32x128xf32, #tpu.memory_space<hbm>>) dst(%dma_wait3A_1186 : memref<32x128xf32, #tpu.memory_space<vmem>>)
      %slice3A_1190 = vector.extract_strided_slice %and3A_983 {offsets = [3], sizes = [1], strides = [1]} : vector<16xi32> to vector<1xi32>
      %squeeze3A_1191 = vector.extract %slice3A_1190[0] : i32 from vector<1xi32>
      %broadcast_in_dim3A_1192 = vector.broadcast %squeeze3A_1191 : i32 to vector<16xi32>
      %add3A_1193 = arith.constant 3 : i32
      %add3A_1194 = arith.addi %mul3A_976, %add3A_1193 : i32
      %broadcast_in_dim3A_1195 = vector.broadcast %add3A_1194 : i32 to vector<16xi32>
      %add3A_1196 = arith.constant 0 : i32
      %add3A_1197 = vector.broadcast %add3A_1196 : i32 to vector<16xi32>
      %add3A_1198 = arith.addi %add3A_1197, %iota3A : vector<16xi32>
      %gather3A_1199 = arith.constant 3 : i32
      %gather3A_1200 = arith.constant 0 : i32
      %gather3A_1201 = arith.constant 0 : i32
      %gather3A_1202 = tpu.memref_slice %arg6[%gather3A_1199, %gather3A_1200, %gather3A_1201] : memref<16x32x128xf32, #tpu.memory_space<vmem>> -> memref<1x32x128xf32, #tpu.memory_space<vmem>>
      %gather3A_1203 = tpu.memref_squeeze %gather3A_1202 : memref<1x32x128xf32, #tpu.memory_space<vmem>> -> memref<32x128xf32, #tpu.memory_space<vmem>>
      %gather3A_1204 = tpu.vector_load_idx %gather3A_1203[%add3A_1198, %broadcast_in_dim3A_1192] : memref<32x128xf32, #tpu.memory_space<vmem>>[vector<16xi32>, vector<16xi32>], vector<16xf32>,
      %add3A_1205 = arith.constant 0 : i32
      %add3A_1206 = vector.broadcast %add3A_1205 : i32 to vector<16xi32>
      %add3A_1207 = arith.addi %add3A_1206, %iota3A : vector<16xi32>
      tpu.vector_store_idx %arg7[%add3A_1207, %broadcast_in_dim3A_1195], %gather3A_1204 : memref<32x512xf32, #tpu.memory_space<vmem>>[vector<16xi32>, vector<16xi32>], vector<16xf32>,
      %add3A_1208 = arith.constant 16 : i32
      %add3A_1209 = vector.broadcast %add3A_1208 : i32 to vector<16xi32>
      %add3A_1210 = arith.addi %add3A_1209, %iota3A : vector<16xi32>
      %gather3A_1211 = arith.constant 3 : i32
      %gather3A_1212 = arith.constant 0 : i32
      %gather3A_1213 = arith.constant 0 : i32
      %gather3A_1214 = tpu.memref_slice %arg6[%gather3A_1211, %gather3A_1212, %gather3A_1213] : memref<16x32x128xf32, #tpu.memory_space<vmem>> -> memref<1x32x128xf32, #tpu.memory_space<vmem>>
      %gather3A_1215 = tpu.memref_squeeze %gather3A_1214 : memref<1x32x128xf32, #tpu.memory_space<vmem>> -> memref<32x128xf32, #tpu.memory_space<vmem>>
      %gather3A_1216 = tpu.vector_load_idx %gather3A_1215[%add3A_1210, %broadcast_in_dim3A_1192] : memref<32x128xf32, #tpu.memory_space<vmem>>[vector<16xi32>, vector<16xi32>], vector<16xf32>,
      %add3A_1217 = arith.constant 16 : i32
      %add3A_1218 = vector.broadcast %add3A_1217 : i32 to vector<16xi32>
      %add3A_1219 = arith.addi %add3A_1218, %iota3A : vector<16xi32>
      tpu.vector_store_idx %arg7[%add3A_1219, %broadcast_in_dim3A_1195], %gather3A_1216 : memref<32x512xf32, #tpu.memory_space<vmem>>[vector<16xi32>, vector<16xi32>], vector<16xf32>,
      %slice3A_1220 = vector.extract_strided_slice %shift_left3A_991 {offsets = [3], sizes = [1], strides = [1]} : vector<16xi32> to vector<1xi32>
      %squeeze3A_1221 = vector.extract %slice3A_1220[0] : i32 from vector<1xi32>
      %multiple_of3A_1222 = tpu.assume_multiple %squeeze3A_1221, 128 : i32
      %dma_start3A_1223 = arith.constant 3 : i32
      %dma_start3A_1224 = arith.constant 0 : i32
      %dma_start3A_1225 = arith.constant 0 : i32
      %dma_start3A_1226 = tpu.memref_slice %arg6[%dma_start3A_1223, %dma_start3A_1224, %dma_start3A_1225] : memref<16x32x128xf32, #tpu.memory_space<vmem>> -> memref<1x32x128xf32, #tpu.memory_space<vmem>>
      %dma_start3A_1227 = tpu.memref_squeeze %dma_start3A_1226 : memref<1x32x128xf32, #tpu.memory_space<vmem>> -> memref<32x128xf32, #tpu.memory_space<vmem>>
      %dma_start3A_1228 = arith.constant 0 : i32
      %dma_start3A_1229 = tpu.memref_slice %arg2[%dma_start3A_1228, %multiple_of3A_1222] : memref<32x1000000xf32, #tpu.memory_space<hbm>> -> memref<32x128xf32, #tpu.memory_space<hbm>>
      %dma_start3A_1230 = arith.constant 0 : i32
      %dma_start3A_1231 = arith.constant 0 : i32
      %dma_start3A_1232 = tpu.memref_slice %arg6[%dma_start3A_1223, %dma_start3A_1230, %dma_start3A_1231] : memref<16x32x128xf32, #tpu.memory_space<vmem>> -> memref<1x32x128xf32, #tpu.memory_space<vmem>>
      %dma_start3A_1233 = tpu.memref_squeeze %dma_start3A_1232 : memref<1x32x128xf32, #tpu.memory_space<vmem>> -> memref<32x128xf32, #tpu.memory_space<vmem>>
      %dma_start3A_1234 = arith.constant 0 : i32
      %dma_start3A_1235 = tpu.memref_slice %arg2[%dma_start3A_1234, %multiple_of3A_1222] : memref<32x1000000xf32, #tpu.memory_space<hbm>> -> memref<32x128xf32, #tpu.memory_space<hbm>>
      tpu.enqueue_dma source(%dma_start3A_1235 : memref<32x128xf32, #tpu.memory_space<hbm>>) target(%dma_start3A_1233 : memref<32x128xf32, #tpu.memory_space<vmem>>) target_semaphore(%arg11 : memref<!tpu.dma_semaphore, #tpu.memory_space<semaphore_mem>>)
      %dma_wait3A_1236 = arith.constant 4 : i32
      %dma_wait3A_1237 = arith.constant 0 : i32
      %dma_wait3A_1238 = arith.constant 0 : i32
      %dma_wait3A_1239 = tpu.memref_slice %arg6[%dma_wait3A_1236, %dma_wait3A_1237, %dma_wait3A_1238] : memref<16x32x128xf32, #tpu.memory_space<vmem>> -> memref<1x32x128xf32, #tpu.memory_space<vmem>>
      %dma_wait3A_1240 = tpu.memref_squeeze %dma_wait3A_1239 : memref<1x32x128xf32, #tpu.memory_space<vmem>> -> memref<32x128xf32, #tpu.memory_space<vmem>>
      %dma_wait3A_1241 = arith.constant 0 : i32
      %dma_wait3A_1242 = arith.constant 0 : i32
      %dma_wait3A_1243 = tpu.memref_slice %arg2[%dma_wait3A_1241, %dma_wait3A_1242] : memref<32x1000000xf32, #tpu.memory_space<hbm>> -> memref<32x128xf32, #tpu.memory_space<hbm>>
      %dma_wait3A_1244 = arith.constant 0 : i32
      %dma_wait3A_1245 = arith.constant 0 : i32
      %dma_wait3A_1246 = tpu.memref_slice %arg6[%dma_wait3A_1236, %dma_wait3A_1244, %dma_wait3A_1245] : memref<16x32x128xf32, #tpu.memory_space<vmem>> -> memref<1x32x128xf32, #tpu.memory_space<vmem>>
      %dma_wait3A_1247 = tpu.memref_squeeze %dma_wait3A_1246 : memref<1x32x128xf32, #tpu.memory_space<vmem>> -> memref<32x128xf32, #tpu.memory_space<vmem>>
      %dma_wait3A_1248 = arith.constant 0 : i32
      %dma_wait3A_1249 = arith.constant 0 : i32
      %dma_wait3A_1250 = tpu.memref_slice %arg2[%dma_wait3A_1248, %dma_wait3A_1249] : memref<32x1000000xf32, #tpu.memory_space<hbm>> -> memref<32x128xf32, #tpu.memory_space<hbm>>
      tpu.wait_dma2 semaphore(%arg12 : memref<!tpu.dma_semaphore, #tpu.memory_space<semaphore_mem>>) src(%dma_wait3A_1250 : memref<32x128xf32, #tpu.memory_space<hbm>>) dst(%dma_wait3A_1247 : memref<32x128xf32, #tpu.memory_space<vmem>>)
      %slice3A_1251 = vector.extract_strided_slice %and3A_983 {offsets = [4], sizes = [1], strides = [1]} : vector<16xi32> to vector<1xi32>
      %squeeze3A_1252 = vector.extract %slice3A_1251[0] : i32 from vector<1xi32>
      %broadcast_in_dim3A_1253 = vector.broadcast %squeeze3A_1252 : i32 to vector<16xi32>
      %add3A_1254 = arith.constant 4 : i32
      %add3A_1255 = arith.addi %mul3A_976, %add3A_1254 : i32
      %broadcast_in_dim3A_1256 = vector.broadcast %add3A_1255 : i32 to vector<16xi32>
      %add3A_1257 = arith.constant 0 : i32
      %add3A_1258 = vector.broadcast %add3A_1257 : i32 to vector<16xi32>
      %add3A_1259 = arith.addi %add3A_1258, %iota3A : vector<16xi32>
      %gather3A_1260 = arith.constant 4 : i32
      %gather3A_1261 = arith.constant 0 : i32
      %gather3A_1262 = arith.constant 0 : i32
      %gather3A_1263 = tpu.memref_slice %arg6[%gather3A_1260, %gather3A_1261, %gather3A_1262] : memref<16x32x128xf32, #tpu.memory_space<vmem>> -> memref<1x32x128xf32, #tpu.memory_space<vmem>>
      %gather3A_1264 = tpu.memref_squeeze %gather3A_1263 : memref<1x32x128xf32, #tpu.memory_space<vmem>> -> memref<32x128xf32, #tpu.memory_space<vmem>>
      %gather3A_1265 = tpu.vector_load_idx %gather3A_1264[%add3A_1259, %broadcast_in_dim3A_1253] : memref<32x128xf32, #tpu.memory_space<vmem>>[vector<16xi32>, vector<16xi32>], vector<16xf32>,
      %add3A_1266 = arith.constant 0 : i32
      %add3A_1267 = vector.broadcast %add3A_1266 : i32 to vector<16xi32>
      %add3A_1268 = arith.addi %add3A_1267, %iota3A : vector<16xi32>
      tpu.vector_store_idx %arg7[%add3A_1268, %broadcast_in_dim3A_1256], %gather3A_1265 : memref<32x512xf32, #tpu.memory_space<vmem>>[vector<16xi32>, vector<16xi32>], vector<16xf32>,
      %add3A_1269 = arith.constant 16 : i32
      %add3A_1270 = vector.broadcast %add3A_1269 : i32 to vector<16xi32>
      %add3A_1271 = arith.addi %add3A_1270, %iota3A : vector<16xi32>
      %gather3A_1272 = arith.constant 4 : i32
      %gather3A_1273 = arith.constant 0 : i32
      %gather3A_1274 = arith.constant 0 : i32
      %gather3A_1275 = tpu.memref_slice %arg6[%gather3A_1272, %gather3A_1273, %gather3A_1274] : memref<16x32x128xf32, #tpu.memory_space<vmem>> -> memref<1x32x128xf32, #tpu.memory_space<vmem>>
      %gather3A_1276 = tpu.memref_squeeze %gather3A_1275 : memref<1x32x128xf32, #tpu.memory_space<vmem>> -> memref<32x128xf32, #tpu.memory_space<vmem>>
      %gather3A_1277 = tpu.vector_load_idx %gather3A_1276[%add3A_1271, %broadcast_in_dim3A_1253] : memref<32x128xf32, #tpu.memory_space<vmem>>[vector<16xi32>, vector<16xi32>], vector<16xf32>,
      %add3A_1278 = arith.constant 16 : i32
      %add3A_1279 = vector.broadcast %add3A_1278 : i32 to vector<16xi32>
      %add3A_1280 = arith.addi %add3A_1279, %iota3A : vector<16xi32>
      tpu.vector_store_idx %arg7[%add3A_1280, %broadcast_in_dim3A_1256], %gather3A_1277 : memref<32x512xf32, #tpu.memory_space<vmem>>[vector<16xi32>, vector<16xi32>], vector<16xf32>,
      %slice3A_1281 = vector.extract_strided_slice %shift_left3A_991 {offsets = [4], sizes = [1], strides = [1]} : vector<16xi32> to vector<1xi32>
      %squeeze3A_1282 = vector.extract %slice3A_1281[0] : i32 from vector<1xi32>
      %multiple_of3A_1283 = tpu.assume_multiple %squeeze3A_1282, 128 : i32
      %dma_start3A_1284 = arith.constant 4 : i32
      %dma_start3A_1285 = arith.constant 0 : i32
      %dma_start3A_1286 = arith.constant 0 : i32
      %dma_start3A_1287 = tpu.memref_slice %arg6[%dma_start3A_1284, %dma_start3A_1285, %dma_start3A_1286] : memref<16x32x128xf32, #tpu.memory_space<vmem>> -> memref<1x32x128xf32, #tpu.memory_space<vmem>>
      %dma_start3A_1288 = tpu.memref_squeeze %dma_start3A_1287 : memref<1x32x128xf32, #tpu.memory_space<vmem>> -> memref<32x128xf32, #tpu.memory_space<vmem>>
      %dma_start3A_1289 = arith.constant 0 : i32
      %dma_start3A_1290 = tpu.memref_slice %arg2[%dma_start3A_1289, %multiple_of3A_1283] : memref<32x1000000xf32, #tpu.memory_space<hbm>> -> memref<32x128xf32, #tpu.memory_space<hbm>>
      %dma_start3A_1291 = arith.constant 0 : i32
      %dma_start3A_1292 = arith.constant 0 : i32
      %dma_start3A_1293 = tpu.memref_slice %arg6[%dma_start3A_1284, %dma_start3A_1291, %dma_start3A_1292] : memref<16x32x128xf32, #tpu.memory_space<vmem>> -> memref<1x32x128xf32, #tpu.memory_space<vmem>>
      %dma_start3A_1294 = tpu.memref_squeeze %dma_start3A_1293 : memref<1x32x128xf32, #tpu.memory_space<vmem>> -> memref<32x128xf32, #tpu.memory_space<vmem>>
      %dma_start3A_1295 = arith.constant 0 : i32
      %dma_start3A_1296 = tpu.memref_slice %arg2[%dma_start3A_1295, %multiple_of3A_1283] : memref<32x1000000xf32, #tpu.memory_space<hbm>> -> memref<32x128xf32, #tpu.memory_space<hbm>>
      tpu.enqueue_dma source(%dma_start3A_1296 : memref<32x128xf32, #tpu.memory_space<hbm>>) target(%dma_start3A_1294 : memref<32x128xf32, #tpu.memory_space<vmem>>) target_semaphore(%arg12 : memref<!tpu.dma_semaphore, #tpu.memory_space<semaphore_mem>>)
      %dma_wait3A_1297 = arith.constant 5 : i32
      %dma_wait3A_1298 = arith.constant 0 : i32
      %dma_wait3A_1299 = arith.constant 0 : i32
      %dma_wait3A_1300 = tpu.memref_slice %arg6[%dma_wait3A_1297, %dma_wait3A_1298, %dma_wait3A_1299] : memref<16x32x128xf32, #tpu.memory_space<vmem>> -> memref<1x32x128xf32, #tpu.memory_space<vmem>>
      %dma_wait3A_1301 = tpu.memref_squeeze %dma_wait3A_1300 : memref<1x32x128xf32, #tpu.memory_space<vmem>> -> memref<32x128xf32, #tpu.memory_space<vmem>>
      %dma_wait3A_1302 = arith.constant 0 : i32
      %dma_wait3A_1303 = arith.constant 0 : i32
      %dma_wait3A_1304 = tpu.memref_slice %arg2[%dma_wait3A_1302, %dma_wait3A_1303] : memref<32x1000000xf32, #tpu.memory_space<hbm>> -> memref<32x128xf32, #tpu.memory_space<hbm>>
      %dma_wait3A_1305 = arith.constant 0 : i32
      %dma_wait3A_1306 = arith.constant 0 : i32
      %dma_wait3A_1307 = tpu.memref_slice %arg6[%dma_wait3A_1297, %dma_wait3A_1305, %dma_wait3A_1306] : memref<16x32x128xf32, #tpu.memory_space<vmem>> -> memref<1x32x128xf32, #tpu.memory_space<vmem>>
      %dma_wait3A_1308 = tpu.memref_squeeze %dma_wait3A_1307 : memref<1x32x128xf32, #tpu.memory_space<vmem>> -> memref<32x128xf32, #tpu.memory_space<vmem>>
      %dma_wait3A_1309 = arith.constant 0 : i32
      %dma_wait3A_1310 = arith.constant 0 : i32
      %dma_wait3A_1311 = tpu.memref_slice %arg2[%dma_wait3A_1309, %dma_wait3A_1310] : memref<32x1000000xf32, #tpu.memory_space<hbm>> -> memref<32x128xf32, #tpu.memory_space<hbm>>
      tpu.wait_dma2 semaphore(%arg13 : memref<!tpu.dma_semaphore, #tpu.memory_space<semaphore_mem>>) src(%dma_wait3A_1311 : memref<32x128xf32, #tpu.memory_space<hbm>>) dst(%dma_wait3A_1308 : memref<32x128xf32, #tpu.memory_space<vmem>>)
      %slice3A_1312 = vector.extract_strided_slice %and3A_983 {offsets = [5], sizes = [1], strides = [1]} : vector<16xi32> to vector<1xi32>
      %squeeze3A_1313 = vector.extract %slice3A_1312[0] : i32 from vector<1xi32>
      %broadcast_in_dim3A_1314 = vector.broadcast %squeeze3A_1313 : i32 to vector<16xi32>
      %add3A_1315 = arith.constant 5 : i32
      %add3A_1316 = arith.addi %mul3A_976, %add3A_1315 : i32
      %broadcast_in_dim3A_1317 = vector.broadcast %add3A_1316 : i32 to vector<16xi32>
      %add3A_1318 = arith.constant 0 : i32
      %add3A_1319 = vector.broadcast %add3A_1318 : i32 to vector<16xi32>
      %add3A_1320 = arith.addi %add3A_1319, %iota3A : vector<16xi32>
      %gather3A_1321 = arith.constant 5 : i32
      %gather3A_1322 = arith.constant 0 : i32
      %gather3A_1323 = arith.constant 0 : i32
      %gather3A_1324 = tpu.memref_slice %arg6[%gather3A_1321, %gather3A_1322, %gather3A_1323] : memref<16x32x128xf32, #tpu.memory_space<vmem>> -> memref<1x32x128xf32, #tpu.memory_space<vmem>>
      %gather3A_1325 = tpu.memref_squeeze %gather3A_1324 : memref<1x32x128xf32, #tpu.memory_space<vmem>> -> memref<32x128xf32, #tpu.memory_space<vmem>>
      %gather3A_1326 = tpu.vector_load_idx %gather3A_1325[%add3A_1320, %broadcast_in_dim3A_1314] : memref<32x128xf32, #tpu.memory_space<vmem>>[vector<16xi32>, vector<16xi32>], vector<16xf32>,
      %add3A_1327 = arith.constant 0 : i32
      %add3A_1328 = vector.broadcast %add3A_1327 : i32 to vector<16xi32>
      %add3A_1329 = arith.addi %add3A_1328, %iota3A : vector<16xi32>
      tpu.vector_store_idx %arg7[%add3A_1329, %broadcast_in_dim3A_1317], %gather3A_1326 : memref<32x512xf32, #tpu.memory_space<vmem>>[vector<16xi32>, vector<16xi32>], vector<16xf32>,
      %add3A_1330 = arith.constant 16 : i32
      %add3A_1331 = vector.broadcast %add3A_1330 : i32 to vector<16xi32>
      %add3A_1332 = arith.addi %add3A_1331, %iota3A : vector<16xi32>
      %gather3A_1333 = arith.constant 5 : i32
      %gather3A_1334 = arith.constant 0 : i32
      %gather3A_1335 = arith.constant 0 : i32
      %gather3A_1336 = tpu.memref_slice %arg6[%gather3A_1333, %gather3A_1334, %gather3A_1335] : memref<16x32x128xf32, #tpu.memory_space<vmem>> -> memref<1x32x128xf32, #tpu.memory_space<vmem>>
      %gather3A_1337 = tpu.memref_squeeze %gather3A_1336 : memref<1x32x128xf32, #tpu.memory_space<vmem>> -> memref<32x128xf32, #tpu.memory_space<vmem>>
      %gather3A_1338 = tpu.vector_load_idx %gather3A_1337[%add3A_1332, %broadcast_in_dim3A_1314] : memref<32x128xf32, #tpu.memory_space<vmem>>[vector<16xi32>, vector<16xi32>], vector<16xf32>,
      %add3A_1339 = arith.constant 16 : i32
      %add3A_1340 = vector.broadcast %add3A_1339 : i32 to vector<16xi32>
      %add3A_1341 = arith.addi %add3A_1340, %iota3A : vector<16xi32>
      tpu.vector_store_idx %arg7[%add3A_1341, %broadcast_in_dim3A_1317], %gather3A_1338 : memref<32x512xf32, #tpu.memory_space<vmem>>[vector<16xi32>, vector<16xi32>], vector<16xf32>,
      %slice3A_1342 = vector.extract_strided_slice %shift_left3A_991 {offsets = [5], sizes = [1], strides = [1]} : vector<16xi32> to vector<1xi32>
      %squeeze3A_1343 = vector.extract %slice3A_1342[0] : i32 from vector<1xi32>
      %multiple_of3A_1344 = tpu.assume_multiple %squeeze3A_1343, 128 : i32
      %dma_start3A_1345 = arith.constant 5 : i32
      %dma_start3A_1346 = arith.constant 0 : i32
      %dma_start3A_1347 = arith.constant 0 : i32
      %dma_start3A_1348 = tpu.memref_slice %arg6[%dma_start3A_1345, %dma_start3A_1346, %dma_start3A_1347] : memref<16x32x128xf32, #tpu.memory_space<vmem>> -> memref<1x32x128xf32, #tpu.memory_space<vmem>>
      %dma_start3A_1349 = tpu.memref_squeeze %dma_start3A_1348 : memref<1x32x128xf32, #tpu.memory_space<vmem>> -> memref<32x128xf32, #tpu.memory_space<vmem>>
      %dma_start3A_1350 = arith.constant 0 : i32
      %dma_start3A_1351 = tpu.memref_slice %arg2[%dma_start3A_1350, %multiple_of3A_1344] : memref<32x1000000xf32, #tpu.memory_space<hbm>> -> memref<32x128xf32, #tpu.memory_space<hbm>>
      %dma_start3A_1352 = arith.constant 0 : i32
      %dma_start3A_1353 = arith.constant 0 : i32
      %dma_start3A_1354 = tpu.memref_slice %arg6[%dma_start3A_1345, %dma_start3A_1352, %dma_start3A_1353] : memref<16x32x128xf32, #tpu.memory_space<vmem>> -> memref<1x32x128xf32, #tpu.memory_space<vmem>>
      %dma_start3A_1355 = tpu.memref_squeeze %dma_start3A_1354 : memref<1x32x128xf32, #tpu.memory_space<vmem>> -> memref<32x128xf32, #tpu.memory_space<vmem>>
      %dma_start3A_1356 = arith.constant 0 : i32
      %dma_start3A_1357 = tpu.memref_slice %arg2[%dma_start3A_1356, %multiple_of3A_1344] : memref<32x1000000xf32, #tpu.memory_space<hbm>> -> memref<32x128xf32, #tpu.memory_space<hbm>>
      tpu.enqueue_dma source(%dma_start3A_1357 : memref<32x128xf32, #tpu.memory_space<hbm>>) target(%dma_start3A_1355 : memref<32x128xf32, #tpu.memory_space<vmem>>) target_semaphore(%arg13 : memref<!tpu.dma_semaphore, #tpu.memory_space<semaphore_mem>>)
      %dma_wait3A_1358 = arith.constant 6 : i32
      %dma_wait3A_1359 = arith.constant 0 : i32
      %dma_wait3A_1360 = arith.constant 0 : i32
      %dma_wait3A_1361 = tpu.memref_slice %arg6[%dma_wait3A_1358, %dma_wait3A_1359, %dma_wait3A_1360] : memref<16x32x128xf32, #tpu.memory_space<vmem>> -> memref<1x32x128xf32, #tpu.memory_space<vmem>>
      %dma_wait3A_1362 = tpu.memref_squeeze %dma_wait3A_1361 : memref<1x32x128xf32, #tpu.memory_space<vmem>> -> memref<32x128xf32, #tpu.memory_space<vmem>>
      %dma_wait3A_1363 = arith.constant 0 : i32
      %dma_wait3A_1364 = arith.constant 0 : i32
      %dma_wait3A_1365 = tpu.memref_slice %arg2[%dma_wait3A_1363, %dma_wait3A_1364] : memref<32x1000000xf32, #tpu.memory_space<hbm>> -> memref<32x128xf32, #tpu.memory_space<hbm>>
      %dma_wait3A_1366 = arith.constant 0 : i32
      %dma_wait3A_1367 = arith.constant 0 : i32
      %dma_wait3A_1368 = tpu.memref_slice %arg6[%dma_wait3A_1358, %dma_wait3A_1366, %dma_wait3A_1367] : memref<16x32x128xf32, #tpu.memory_space<vmem>> -> memref<1x32x128xf32, #tpu.memory_space<vmem>>
      %dma_wait3A_1369 = tpu.memref_squeeze %dma_wait3A_1368 : memref<1x32x128xf32, #tpu.memory_space<vmem>> -> memref<32x128xf32, #tpu.memory_space<vmem>>
      %dma_wait3A_1370 = arith.constant 0 : i32
      %dma_wait3A_1371 = arith.constant 0 : i32
      %dma_wait3A_1372 = tpu.memref_slice %arg2[%dma_wait3A_1370, %dma_wait3A_1371] : memref<32x1000000xf32, #tpu.memory_space<hbm>> -> memref<32x128xf32, #tpu.memory_space<hbm>>
      tpu.wait_dma2 semaphore(%arg14 : memref<!tpu.dma_semaphore, #tpu.memory_space<semaphore_mem>>) src(%dma_wait3A_1372 : memref<32x128xf32, #tpu.memory_space<hbm>>) dst(%dma_wait3A_1369 : memref<32x128xf32, #tpu.memory_space<vmem>>)
      %slice3A_1373 = vector.extract_strided_slice %and3A_983 {offsets = [6], sizes = [1], strides = [1]} : vector<16xi32> to vector<1xi32>
      %squeeze3A_1374 = vector.extract %slice3A_1373[0] : i32 from vector<1xi32>
      %broadcast_in_dim3A_1375 = vector.broadcast %squeeze3A_1374 : i32 to vector<16xi32>
      %add3A_1376 = arith.constant 6 : i32
      %add3A_1377 = arith.addi %mul3A_976, %add3A_1376 : i32
      %broadcast_in_dim3A_1378 = vector.broadcast %add3A_1377 : i32 to vector<16xi32>
      %add3A_1379 = arith.constant 0 : i32
      %add3A_1380 = vector.broadcast %add3A_1379 : i32 to vector<16xi32>
      %add3A_1381 = arith.addi %add3A_1380, %iota3A : vector<16xi32>
      %gather3A_1382 = arith.constant 6 : i32
      %gather3A_1383 = arith.constant 0 : i32
      %gather3A_1384 = arith.constant 0 : i32
      %gather3A_1385 = tpu.memref_slice %arg6[%gather3A_1382, %gather3A_1383, %gather3A_1384] : memref<16x32x128xf32, #tpu.memory_space<vmem>> -> memref<1x32x128xf32, #tpu.memory_space<vmem>>
      %gather3A_1386 = tpu.memref_squeeze %gather3A_1385 : memref<1x32x128xf32, #tpu.memory_space<vmem>> -> memref<32x128xf32, #tpu.memory_space<vmem>>
      %gather3A_1387 = tpu.vector_load_idx %gather3A_1386[%add3A_1381, %broadcast_in_dim3A_1375] : memref<32x128xf32, #tpu.memory_space<vmem>>[vector<16xi32>, vector<16xi32>], vector<16xf32>,
      %add3A_1388 = arith.constant 0 : i32
      %add3A_1389 = vector.broadcast %add3A_1388 : i32 to vector<16xi32>
      %add3A_1390 = arith.addi %add3A_1389, %iota3A : vector<16xi32>
      tpu.vector_store_idx %arg7[%add3A_1390, %broadcast_in_dim3A_1378], %gather3A_1387 : memref<32x512xf32, #tpu.memory_space<vmem>>[vector<16xi32>, vector<16xi32>], vector<16xf32>,
      %add3A_1391 = arith.constant 16 : i32
      %add3A_1392 = vector.broadcast %add3A_1391 : i32 to vector<16xi32>
      %add3A_1393 = arith.addi %add3A_1392, %iota3A : vector<16xi32>
      %gather3A_1394 = arith.constant 6 : i32
      %gather3A_1395 = arith.constant 0 : i32
      %gather3A_1396 = arith.constant 0 : i32
      %gather3A_1397 = tpu.memref_slice %arg6[%gather3A_1394, %gather3A_1395, %gather3A_1396] : memref<16x32x128xf32, #tpu.memory_space<vmem>> -> memref<1x32x128xf32, #tpu.memory_space<vmem>>
      %gather3A_1398 = tpu.memref_squeeze %gather3A_1397 : memref<1x32x128xf32, #tpu.memory_space<vmem>> -> memref<32x128xf32, #tpu.memory_space<vmem>>
      %gather3A_1399 = tpu.vector_load_idx %gather3A_1398[%add3A_1393, %broadcast_in_dim3A_1375] : memref<32x128xf32, #tpu.memory_space<vmem>>[vector<16xi32>, vector<16xi32>], vector<16xf32>,
      %add3A_1400 = arith.constant 16 : i32
      %add3A_1401 = vector.broadcast %add3A_1400 : i32 to vector<16xi32>
      %add3A_1402 = arith.addi %add3A_1401, %iota3A : vector<16xi32>
      tpu.vector_store_idx %arg7[%add3A_1402, %broadcast_in_dim3A_1378], %gather3A_1399 : memref<32x512xf32, #tpu.memory_space<vmem>>[vector<16xi32>, vector<16xi32>], vector<16xf32>,
      %slice3A_1403 = vector.extract_strided_slice %shift_left3A_991 {offsets = [6], sizes = [1], strides = [1]} : vector<16xi32> to vector<1xi32>
      %squeeze3A_1404 = vector.extract %slice3A_1403[0] : i32 from vector<1xi32>
      %multiple_of3A_1405 = tpu.assume_multiple %squeeze3A_1404, 128 : i32
      %dma_start3A_1406 = arith.constant 6 : i32
      %dma_start3A_1407 = arith.constant 0 : i32
      %dma_start3A_1408 = arith.constant 0 : i32
      %dma_start3A_1409 = tpu.memref_slice %arg6[%dma_start3A_1406, %dma_start3A_1407, %dma_start3A_1408] : memref<16x32x128xf32, #tpu.memory_space<vmem>> -> memref<1x32x128xf32, #tpu.memory_space<vmem>>
      %dma_start3A_1410 = tpu.memref_squeeze %dma_start3A_1409 : memref<1x32x128xf32, #tpu.memory_space<vmem>> -> memref<32x128xf32, #tpu.memory_space<vmem>>
      %dma_start3A_1411 = arith.constant 0 : i32
      %dma_start3A_1412 = tpu.memref_slice %arg2[%dma_start3A_1411, %multiple_of3A_1405] : memref<32x1000000xf32, #tpu.memory_space<hbm>> -> memref<32x128xf32, #tpu.memory_space<hbm>>
      %dma_start3A_1413 = arith.constant 0 : i32
      %dma_start3A_1414 = arith.constant 0 : i32
      %dma_start3A_1415 = tpu.memref_slice %arg6[%dma_start3A_1406, %dma_start3A_1413, %dma_start3A_1414] : memref<16x32x128xf32, #tpu.memory_space<vmem>> -> memref<1x32x128xf32, #tpu.memory_space<vmem>>
      %dma_start3A_1416 = tpu.memref_squeeze %dma_start3A_1415 : memref<1x32x128xf32, #tpu.memory_space<vmem>> -> memref<32x128xf32, #tpu.memory_space<vmem>>
      %dma_start3A_1417 = arith.constant 0 : i32
      %dma_start3A_1418 = tpu.memref_slice %arg2[%dma_start3A_1417, %multiple_of3A_1405] : memref<32x1000000xf32, #tpu.memory_space<hbm>> -> memref<32x128xf32, #tpu.memory_space<hbm>>
      tpu.enqueue_dma source(%dma_start3A_1418 : memref<32x128xf32, #tpu.memory_space<hbm>>) target(%dma_start3A_1416 : memref<32x128xf32, #tpu.memory_space<vmem>>) target_semaphore(%arg14 : memref<!tpu.dma_semaphore, #tpu.memory_space<semaphore_mem>>)
      %dma_wait3A_1419 = arith.constant 7 : i32
      %dma_wait3A_1420 = arith.constant 0 : i32
      %dma_wait3A_1421 = arith.constant 0 : i32
      %dma_wait3A_1422 = tpu.memref_slice %arg6[%dma_wait3A_1419, %dma_wait3A_1420, %dma_wait3A_1421] : memref<16x32x128xf32, #tpu.memory_space<vmem>> -> memref<1x32x128xf32, #tpu.memory_space<vmem>>
      %dma_wait3A_1423 = tpu.memref_squeeze %dma_wait3A_1422 : memref<1x32x128xf32, #tpu.memory_space<vmem>> -> memref<32x128xf32, #tpu.memory_space<vmem>>
      %dma_wait3A_1424 = arith.constant 0 : i32
      %dma_wait3A_1425 = arith.constant 0 : i32
      %dma_wait3A_1426 = tpu.memref_slice %arg2[%dma_wait3A_1424, %dma_wait3A_1425] : memref<32x1000000xf32, #tpu.memory_space<hbm>> -> memref<32x128xf32, #tpu.memory_space<hbm>>
      %dma_wait3A_1427 = arith.constant 0 : i32
      %dma_wait3A_1428 = arith.constant 0 : i32
      %dma_wait3A_1429 = tpu.memref_slice %arg6[%dma_wait3A_1419, %dma_wait3A_1427, %dma_wait3A_1428] : memref<16x32x128xf32, #tpu.memory_space<vmem>> -> memref<1x32x128xf32, #tpu.memory_space<vmem>>
      %dma_wait3A_1430 = tpu.memref_squeeze %dma_wait3A_1429 : memref<1x32x128xf32, #tpu.memory_space<vmem>> -> memref<32x128xf32, #tpu.memory_space<vmem>>
      %dma_wait3A_1431 = arith.constant 0 : i32
      %dma_wait3A_1432 = arith.constant 0 : i32
      %dma_wait3A_1433 = tpu.memref_slice %arg2[%dma_wait3A_1431, %dma_wait3A_1432] : memref<32x1000000xf32, #tpu.memory_space<hbm>> -> memref<32x128xf32, #tpu.memory_space<hbm>>
      tpu.wait_dma2 semaphore(%arg15 : memref<!tpu.dma_semaphore, #tpu.memory_space<semaphore_mem>>) src(%dma_wait3A_1433 : memref<32x128xf32, #tpu.memory_space<hbm>>) dst(%dma_wait3A_1430 : memref<32x128xf32, #tpu.memory_space<vmem>>)
      %slice3A_1434 = vector.extract_strided_slice %and3A_983 {offsets = [7], sizes = [1], strides = [1]} : vector<16xi32> to vector<1xi32>
      %squeeze3A_1435 = vector.extract %slice3A_1434[0] : i32 from vector<1xi32>
      %broadcast_in_dim3A_1436 = vector.broadcast %squeeze3A_1435 : i32 to vector<16xi32>
      %add3A_1437 = arith.constant 7 : i32
      %add3A_1438 = arith.addi %mul3A_976, %add3A_1437 : i32
      %broadcast_in_dim3A_1439 = vector.broadcast %add3A_1438 : i32 to vector<16xi32>
      %add3A_1440 = arith.constant 0 : i32
      %add3A_1441 = vector.broadcast %add3A_1440 : i32 to vector<16xi32>
      %add3A_1442 = arith.addi %add3A_1441, %iota3A : vector<16xi32>
      %gather3A_1443 = arith.constant 7 : i32
      %gather3A_1444 = arith.constant 0 : i32
      %gather3A_1445 = arith.constant 0 : i32
      %gather3A_1446 = tpu.memref_slice %arg6[%gather3A_1443, %gather3A_1444, %gather3A_1445] : memref<16x32x128xf32, #tpu.memory_space<vmem>> -> memref<1x32x128xf32, #tpu.memory_space<vmem>>
      %gather3A_1447 = tpu.memref_squeeze %gather3A_1446 : memref<1x32x128xf32, #tpu.memory_space<vmem>> -> memref<32x128xf32, #tpu.memory_space<vmem>>
      %gather3A_1448 = tpu.vector_load_idx %gather3A_1447[%add3A_1442, %broadcast_in_dim3A_1436] : memref<32x128xf32, #tpu.memory_space<vmem>>[vector<16xi32>, vector<16xi32>], vector<16xf32>,
      %add3A_1449 = arith.constant 0 : i32
      %add3A_1450 = vector.broadcast %add3A_1449 : i32 to vector<16xi32>
      %add3A_1451 = arith.addi %add3A_1450, %iota3A : vector<16xi32>
      tpu.vector_store_idx %arg7[%add3A_1451, %broadcast_in_dim3A_1439], %gather3A_1448 : memref<32x512xf32, #tpu.memory_space<vmem>>[vector<16xi32>, vector<16xi32>], vector<16xf32>,
      %add3A_1452 = arith.constant 16 : i32
      %add3A_1453 = vector.broadcast %add3A_1452 : i32 to vector<16xi32>
      %add3A_1454 = arith.addi %add3A_1453, %iota3A : vector<16xi32>
      %gather3A_1455 = arith.constant 7 : i32
      %gather3A_1456 = arith.constant 0 : i32
      %gather3A_1457 = arith.constant 0 : i32
      %gather3A_1458 = tpu.memref_slice %arg6[%gather3A_1455, %gather3A_1456, %gather3A_1457] : memref<16x32x128xf32, #tpu.memory_space<vmem>> -> memref<1x32x128xf32, #tpu.memory_space<vmem>>
      %gather3A_1459 = tpu.memref_squeeze %gather3A_1458 : memref<1x32x128xf32, #tpu.memory_space<vmem>> -> memref<32x128xf32, #tpu.memory_space<vmem>>
      %gather3A_1460 = tpu.vector_load_idx %gather3A_1459[%add3A_1454, %broadcast_in_dim3A_1436] : memref<32x128xf32, #tpu.memory_space<vmem>>[vector<16xi32>, vector<16xi32>], vector<16xf32>,
      %add3A_1461 = arith.constant 16 : i32
      %add3A_1462 = vector.broadcast %add3A_1461 : i32 to vector<16xi32>
      %add3A_1463 = arith.addi %add3A_1462, %iota3A : vector<16xi32>
      tpu.vector_store_idx %arg7[%add3A_1463, %broadcast_in_dim3A_1439], %gather3A_1460 : memref<32x512xf32, #tpu.memory_space<vmem>>[vector<16xi32>, vector<16xi32>], vector<16xf32>,
      %slice3A_1464 = vector.extract_strided_slice %shift_left3A_991 {offsets = [7], sizes = [1], strides = [1]} : vector<16xi32> to vector<1xi32>
      %squeeze3A_1465 = vector.extract %slice3A_1464[0] : i32 from vector<1xi32>
      %multiple_of3A_1466 = tpu.assume_multiple %squeeze3A_1465, 128 : i32
      %dma_start3A_1467 = arith.constant 7 : i32
      %dma_start3A_1468 = arith.constant 0 : i32
      %dma_start3A_1469 = arith.constant 0 : i32
      %dma_start3A_1470 = tpu.memref_slice %arg6[%dma_start3A_1467, %dma_start3A_1468, %dma_start3A_1469] : memref<16x32x128xf32, #tpu.memory_space<vmem>> -> memref<1x32x128xf32, #tpu.memory_space<vmem>>
      %dma_start3A_1471 = tpu.memref_squeeze %dma_start3A_1470 : memref<1x32x128xf32, #tpu.memory_space<vmem>> -> memref<32x128xf32, #tpu.memory_space<vmem>>
      %dma_start3A_1472 = arith.constant 0 : i32
      %dma_start3A_1473 = tpu.memref_slice %arg2[%dma_start3A_1472, %multiple_of3A_1466] : memref<32x1000000xf32, #tpu.memory_space<hbm>> -> memref<32x128xf32, #tpu.memory_space<hbm>>
      %dma_start3A_1474 = arith.constant 0 : i32
      %dma_start3A_1475 = arith.constant 0 : i32
      %dma_start3A_1476 = tpu.memref_slice %arg6[%dma_start3A_1467, %dma_start3A_1474, %dma_start3A_1475] : memref<16x32x128xf32, #tpu.memory_space<vmem>> -> memref<1x32x128xf32, #tpu.memory_space<vmem>>
      %dma_start3A_1477 = tpu.memref_squeeze %dma_start3A_1476 : memref<1x32x128xf32, #tpu.memory_space<vmem>> -> memref<32x128xf32, #tpu.memory_space<vmem>>
      %dma_start3A_1478 = arith.constant 0 : i32
      %dma_start3A_1479 = tpu.memref_slice %arg2[%dma_start3A_1478, %multiple_of3A_1466] : memref<32x1000000xf32, #tpu.memory_space<hbm>> -> memref<32x128xf32, #tpu.memory_space<hbm>>
      tpu.enqueue_dma source(%dma_start3A_1479 : memref<32x128xf32, #tpu.memory_space<hbm>>) target(%dma_start3A_1477 : memref<32x128xf32, #tpu.memory_space<vmem>>) target_semaphore(%arg15 : memref<!tpu.dma_semaphore, #tpu.memory_space<semaphore_mem>>)
      %dma_wait3A_1480 = arith.constant 8 : i32
      %dma_wait3A_1481 = arith.constant 0 : i32
      %dma_wait3A_1482 = arith.constant 0 : i32
      %dma_wait3A_1483 = tpu.memref_slice %arg6[%dma_wait3A_1480, %dma_wait3A_1481, %dma_wait3A_1482] : memref<16x32x128xf32, #tpu.memory_space<vmem>> -> memref<1x32x128xf32, #tpu.memory_space<vmem>>
      %dma_wait3A_1484 = tpu.memref_squeeze %dma_wait3A_1483 : memref<1x32x128xf32, #tpu.memory_space<vmem>> -> memref<32x128xf32, #tpu.memory_space<vmem>>
      %dma_wait3A_1485 = arith.constant 0 : i32
      %dma_wait3A_1486 = arith.constant 0 : i32
      %dma_wait3A_1487 = tpu.memref_slice %arg2[%dma_wait3A_1485, %dma_wait3A_1486] : memref<32x1000000xf32, #tpu.memory_space<hbm>> -> memref<32x128xf32, #tpu.memory_space<hbm>>
      %dma_wait3A_1488 = arith.constant 0 : i32
      %dma_wait3A_1489 = arith.constant 0 : i32
      %dma_wait3A_1490 = tpu.memref_slice %arg6[%dma_wait3A_1480, %dma_wait3A_1488, %dma_wait3A_1489] : memref<16x32x128xf32, #tpu.memory_space<vmem>> -> memref<1x32x128xf32, #tpu.memory_space<vmem>>
      %dma_wait3A_1491 = tpu.memref_squeeze %dma_wait3A_1490 : memref<1x32x128xf32, #tpu.memory_space<vmem>> -> memref<32x128xf32, #tpu.memory_space<vmem>>
      %dma_wait3A_1492 = arith.constant 0 : i32
      %dma_wait3A_1493 = arith.constant 0 : i32
      %dma_wait3A_1494 = tpu.memref_slice %arg2[%dma_wait3A_1492, %dma_wait3A_1493] : memref<32x1000000xf32, #tpu.memory_space<hbm>> -> memref<32x128xf32, #tpu.memory_space<hbm>>
      tpu.wait_dma2 semaphore(%arg16 : memref<!tpu.dma_semaphore, #tpu.memory_space<semaphore_mem>>) src(%dma_wait3A_1494 : memref<32x128xf32, #tpu.memory_space<hbm>>) dst(%dma_wait3A_1491 : memref<32x128xf32, #tpu.memory_space<vmem>>)
      %slice3A_1495 = vector.extract_strided_slice %and3A_983 {offsets = [8], sizes = [1], strides = [1]} : vector<16xi32> to vector<1xi32>
      %squeeze3A_1496 = vector.extract %slice3A_1495[0] : i32 from vector<1xi32>
      %broadcast_in_dim3A_1497 = vector.broadcast %squeeze3A_1496 : i32 to vector<16xi32>
      %add3A_1498 = arith.constant 8 : i32
      %add3A_1499 = arith.addi %mul3A_976, %add3A_1498 : i32
      %broadcast_in_dim3A_1500 = vector.broadcast %add3A_1499 : i32 to vector<16xi32>
      %add3A_1501 = arith.constant 0 : i32
      %add3A_1502 = vector.broadcast %add3A_1501 : i32 to vector<16xi32>
      %add3A_1503 = arith.addi %add3A_1502, %iota3A : vector<16xi32>
      %gather3A_1504 = arith.constant 8 : i32
      %gather3A_1505 = arith.constant 0 : i32
      %gather3A_1506 = arith.constant 0 : i32
      %gather3A_1507 = tpu.memref_slice %arg6[%gather3A_1504, %gather3A_1505, %gather3A_1506] : memref<16x32x128xf32, #tpu.memory_space<vmem>> -> memref<1x32x128xf32, #tpu.memory_space<vmem>>
      %gather3A_1508 = tpu.memref_squeeze %gather3A_1507 : memref<1x32x128xf32, #tpu.memory_space<vmem>> -> memref<32x128xf32, #tpu.memory_space<vmem>>
      %gather3A_1509 = tpu.vector_load_idx %gather3A_1508[%add3A_1503, %broadcast_in_dim3A_1497] : memref<32x128xf32, #tpu.memory_space<vmem>>[vector<16xi32>, vector<16xi32>], vector<16xf32>,
      %add3A_1510 = arith.constant 0 : i32
      %add3A_1511 = vector.broadcast %add3A_1510 : i32 to vector<16xi32>
      %add3A_1512 = arith.addi %add3A_1511, %iota3A : vector<16xi32>
      tpu.vector_store_idx %arg7[%add3A_1512, %broadcast_in_dim3A_1500], %gather3A_1509 : memref<32x512xf32, #tpu.memory_space<vmem>>[vector<16xi32>, vector<16xi32>], vector<16xf32>,
      %add3A_1513 = arith.constant 16 : i32
      %add3A_1514 = vector.broadcast %add3A_1513 : i32 to vector<16xi32>
      %add3A_1515 = arith.addi %add3A_1514, %iota3A : vector<16xi32>
      %gather3A_1516 = arith.constant 8 : i32
      %gather3A_1517 = arith.constant 0 : i32
      %gather3A_1518 = arith.constant 0 : i32
      %gather3A_1519 = tpu.memref_slice %arg6[%gather3A_1516, %gather3A_1517, %gather3A_1518] : memref<16x32x128xf32, #tpu.memory_space<vmem>> -> memref<1x32x128xf32, #tpu.memory_space<vmem>>
      %gather3A_1520 = tpu.memref_squeeze %gather3A_1519 : memref<1x32x128xf32, #tpu.memory_space<vmem>> -> memref<32x128xf32, #tpu.memory_space<vmem>>
      %gather3A_1521 = tpu.vector_load_idx %gather3A_1520[%add3A_1515, %broadcast_in_dim3A_1497] : memref<32x128xf32, #tpu.memory_space<vmem>>[vector<16xi32>, vector<16xi32>], vector<16xf32>,
      %add3A_1522 = arith.constant 16 : i32
      %add3A_1523 = vector.broadcast %add3A_1522 : i32 to vector<16xi32>
      %add3A_1524 = arith.addi %add3A_1523, %iota3A : vector<16xi32>
      tpu.vector_store_idx %arg7[%add3A_1524, %broadcast_in_dim3A_1500], %gather3A_1521 : memref<32x512xf32, #tpu.memory_space<vmem>>[vector<16xi32>, vector<16xi32>], vector<16xf32>,
      %slice3A_1525 = vector.extract_strided_slice %shift_left3A_991 {offsets = [8], sizes = [1], strides = [1]} : vector<16xi32> to vector<1xi32>
      %squeeze3A_1526 = vector.extract %slice3A_1525[0] : i32 from vector<1xi32>
      %multiple_of3A_1527 = tpu.assume_multiple %squeeze3A_1526, 128 : i32
      %dma_start3A_1528 = arith.constant 8 : i32
      %dma_start3A_1529 = arith.constant 0 : i32
      %dma_start3A_1530 = arith.constant 0 : i32
      %dma_start3A_1531 = tpu.memref_slice %arg6[%dma_start3A_1528, %dma_start3A_1529, %dma_start3A_1530] : memref<16x32x128xf32, #tpu.memory_space<vmem>> -> memref<1x32x128xf32, #tpu.memory_space<vmem>>
      %dma_start3A_1532 = tpu.memref_squeeze %dma_start3A_1531 : memref<1x32x128xf32, #tpu.memory_space<vmem>> -> memref<32x128xf32, #tpu.memory_space<vmem>>
      %dma_start3A_1533 = arith.constant 0 : i32
      %dma_start3A_1534 = tpu.memref_slice %arg2[%dma_start3A_1533, %multiple_of3A_1527] : memref<32x1000000xf32, #tpu.memory_space<hbm>> -> memref<32x128xf32, #tpu.memory_space<hbm>>
      %dma_start3A_1535 = arith.constant 0 : i32
      %dma_start3A_1536 = arith.constant 0 : i32
      %dma_start3A_1537 = tpu.memref_slice %arg6[%dma_start3A_1528, %dma_start3A_1535, %dma_start3A_1536] : memref<16x32x128xf32, #tpu.memory_space<vmem>> -> memref<1x32x128xf32, #tpu.memory_space<vmem>>
      %dma_start3A_1538 = tpu.memref_squeeze %dma_start3A_1537 : memref<1x32x128xf32, #tpu.memory_space<vmem>> -> memref<32x128xf32, #tpu.memory_space<vmem>>
      %dma_start3A_1539 = arith.constant 0 : i32
      %dma_start3A_1540 = tpu.memref_slice %arg2[%dma_start3A_1539, %multiple_of3A_1527] : memref<32x1000000xf32, #tpu.memory_space<hbm>> -> memref<32x128xf32, #tpu.memory_space<hbm>>
      tpu.enqueue_dma source(%dma_start3A_1540 : memref<32x128xf32, #tpu.memory_space<hbm>>) target(%dma_start3A_1538 : memref<32x128xf32, #tpu.memory_space<vmem>>) target_semaphore(%arg16 : memref<!tpu.dma_semaphore, #tpu.memory_space<semaphore_mem>>)
      %dma_wait3A_1541 = arith.constant 9 : i32
      %dma_wait3A_1542 = arith.constant 0 : i32
      %dma_wait3A_1543 = arith.constant 0 : i32
      %dma_wait3A_1544 = tpu.memref_slice %arg6[%dma_wait3A_1541, %dma_wait3A_1542, %dma_wait3A_1543] : memref<16x32x128xf32, #tpu.memory_space<vmem>> -> memref<1x32x128xf32, #tpu.memory_space<vmem>>
      %dma_wait3A_1545 = tpu.memref_squeeze %dma_wait3A_1544 : memref<1x32x128xf32, #tpu.memory_space<vmem>> -> memref<32x128xf32, #tpu.memory_space<vmem>>
      %dma_wait3A_1546 = arith.constant 0 : i32
      %dma_wait3A_1547 = arith.constant 0 : i32
      %dma_wait3A_1548 = tpu.memref_slice %arg2[%dma_wait3A_1546, %dma_wait3A_1547] : memref<32x1000000xf32, #tpu.memory_space<hbm>> -> memref<32x128xf32, #tpu.memory_space<hbm>>
      %dma_wait3A_1549 = arith.constant 0 : i32
      %dma_wait3A_1550 = arith.constant 0 : i32
      %dma_wait3A_1551 = tpu.memref_slice %arg6[%dma_wait3A_1541, %dma_wait3A_1549, %dma_wait3A_1550] : memref<16x32x128xf32, #tpu.memory_space<vmem>> -> memref<1x32x128xf32, #tpu.memory_space<vmem>>
      %dma_wait3A_1552 = tpu.memref_squeeze %dma_wait3A_1551 : memref<1x32x128xf32, #tpu.memory_space<vmem>> -> memref<32x128xf32, #tpu.memory_space<vmem>>
      %dma_wait3A_1553 = arith.constant 0 : i32
      %dma_wait3A_1554 = arith.constant 0 : i32
      %dma_wait3A_1555 = tpu.memref_slice %arg2[%dma_wait3A_1553, %dma_wait3A_1554] : memref<32x1000000xf32, #tpu.memory_space<hbm>> -> memref<32x128xf32, #tpu.memory_space<hbm>>
      tpu.wait_dma2 semaphore(%arg17 : memref<!tpu.dma_semaphore, #tpu.memory_space<semaphore_mem>>) src(%dma_wait3A_1555 : memref<32x128xf32, #tpu.memory_space<hbm>>) dst(%dma_wait3A_1552 : memref<32x128xf32, #tpu.memory_space<vmem>>)
      %slice3A_1556 = vector.extract_strided_slice %and3A_983 {offsets = [9], sizes = [1], strides = [1]} : vector<16xi32> to vector<1xi32>
      %squeeze3A_1557 = vector.extract %slice3A_1556[0] : i32 from vector<1xi32>
      %broadcast_in_dim3A_1558 = vector.broadcast %squeeze3A_1557 : i32 to vector<16xi32>
      %add3A_1559 = arith.constant 9 : i32
      %add3A_1560 = arith.addi %mul3A_976, %add3A_1559 : i32
      %broadcast_in_dim3A_1561 = vector.broadcast %add3A_1560 : i32 to vector<16xi32>
      %add3A_1562 = arith.constant 0 : i32
      %add3A_1563 = vector.broadcast %add3A_1562 : i32 to vector<16xi32>
      %add3A_1564 = arith.addi %add3A_1563, %iota3A : vector<16xi32>
      %gather3A_1565 = arith.constant 9 : i32
      %gather3A_1566 = arith.constant 0 : i32
      %gather3A_1567 = arith.constant 0 : i32
      %gather3A_1568 = tpu.memref_slice %arg6[%gather3A_1565, %gather3A_1566, %gather3A_1567] : memref<16x32x128xf32, #tpu.memory_space<vmem>> -> memref<1x32x128xf32, #tpu.memory_space<vmem>>
      %gather3A_1569 = tpu.memref_squeeze %gather3A_1568 : memref<1x32x128xf32, #tpu.memory_space<vmem>> -> memref<32x128xf32, #tpu.memory_space<vmem>>
      %gather3A_1570 = tpu.vector_load_idx %gather3A_1569[%add3A_1564, %broadcast_in_dim3A_1558] : memref<32x128xf32, #tpu.memory_space<vmem>>[vector<16xi32>, vector<16xi32>], vector<16xf32>,
      %add3A_1571 = arith.constant 0 : i32
      %add3A_1572 = vector.broadcast %add3A_1571 : i32 to vector<16xi32>
      %add3A_1573 = arith.addi %add3A_1572, %iota3A : vector<16xi32>
      tpu.vector_store_idx %arg7[%add3A_1573, %broadcast_in_dim3A_1561], %gather3A_1570 : memref<32x512xf32, #tpu.memory_space<vmem>>[vector<16xi32>, vector<16xi32>], vector<16xf32>,
      %add3A_1574 = arith.constant 16 : i32
      %add3A_1575 = vector.broadcast %add3A_1574 : i32 to vector<16xi32>
      %add3A_1576 = arith.addi %add3A_1575, %iota3A : vector<16xi32>
      %gather3A_1577 = arith.constant 9 : i32
      %gather3A_1578 = arith.constant 0 : i32
      %gather3A_1579 = arith.constant 0 : i32
      %gather3A_1580 = tpu.memref_slice %arg6[%gather3A_1577, %gather3A_1578, %gather3A_1579] : memref<16x32x128xf32, #tpu.memory_space<vmem>> -> memref<1x32x128xf32, #tpu.memory_space<vmem>>
      %gather3A_1581 = tpu.memref_squeeze %gather3A_1580 : memref<1x32x128xf32, #tpu.memory_space<vmem>> -> memref<32x128xf32, #tpu.memory_space<vmem>>
      %gather3A_1582 = tpu.vector_load_idx %gather3A_1581[%add3A_1576, %broadcast_in_dim3A_1558] : memref<32x128xf32, #tpu.memory_space<vmem>>[vector<16xi32>, vector<16xi32>], vector<16xf32>,
      %add3A_1583 = arith.constant 16 : i32
      %add3A_1584 = vector.broadcast %add3A_1583 : i32 to vector<16xi32>
      %add3A_1585 = arith.addi %add3A_1584, %iota3A : vector<16xi32>
      tpu.vector_store_idx %arg7[%add3A_1585, %broadcast_in_dim3A_1561], %gather3A_1582 : memref<32x512xf32, #tpu.memory_space<vmem>>[vector<16xi32>, vector<16xi32>], vector<16xf32>,
      %slice3A_1586 = vector.extract_strided_slice %shift_left3A_991 {offsets = [9], sizes = [1], strides = [1]} : vector<16xi32> to vector<1xi32>
      %squeeze3A_1587 = vector.extract %slice3A_1586[0] : i32 from vector<1xi32>
      %multiple_of3A_1588 = tpu.assume_multiple %squeeze3A_1587, 128 : i32
      %dma_start3A_1589 = arith.constant 9 : i32
      %dma_start3A_1590 = arith.constant 0 : i32
      %dma_start3A_1591 = arith.constant 0 : i32
      %dma_start3A_1592 = tpu.memref_slice %arg6[%dma_start3A_1589, %dma_start3A_1590, %dma_start3A_1591] : memref<16x32x128xf32, #tpu.memory_space<vmem>> -> memref<1x32x128xf32, #tpu.memory_space<vmem>>
      %dma_start3A_1593 = tpu.memref_squeeze %dma_start3A_1592 : memref<1x32x128xf32, #tpu.memory_space<vmem>> -> memref<32x128xf32, #tpu.memory_space<vmem>>
      %dma_start3A_1594 = arith.constant 0 : i32
      %dma_start3A_1595 = tpu.memref_slice %arg2[%dma_start3A_1594, %multiple_of3A_1588] : memref<32x1000000xf32, #tpu.memory_space<hbm>> -> memref<32x128xf32, #tpu.memory_space<hbm>>
      %dma_start3A_1596 = arith.constant 0 : i32
      %dma_start3A_1597 = arith.constant 0 : i32
      %dma_start3A_1598 = tpu.memref_slice %arg6[%dma_start3A_1589, %dma_start3A_1596, %dma_start3A_1597] : memref<16x32x128xf32, #tpu.memory_space<vmem>> -> memref<1x32x128xf32, #tpu.memory_space<vmem>>
      %dma_start3A_1599 = tpu.memref_squeeze %dma_start3A_1598 : memref<1x32x128xf32, #tpu.memory_space<vmem>> -> memref<32x128xf32, #tpu.memory_space<vmem>>
      %dma_start3A_1600 = arith.constant 0 : i32
      %dma_start3A_1601 = tpu.memref_slice %arg2[%dma_start3A_1600, %multiple_of3A_1588] : memref<32x1000000xf32, #tpu.memory_space<hbm>> -> memref<32x128xf32, #tpu.memory_space<hbm>>
      tpu.enqueue_dma source(%dma_start3A_1601 : memref<32x128xf32, #tpu.memory_space<hbm>>) target(%dma_start3A_1599 : memref<32x128xf32, #tpu.memory_space<vmem>>) target_semaphore(%arg17 : memref<!tpu.dma_semaphore, #tpu.memory_space<semaphore_mem>>)
      %dma_wait3A_1602 = arith.constant 10 : i32
      %dma_wait3A_1603 = arith.constant 0 : i32
      %dma_wait3A_1604 = arith.constant 0 : i32
      %dma_wait3A_1605 = tpu.memref_slice %arg6[%dma_wait3A_1602, %dma_wait3A_1603, %dma_wait3A_1604] : memref<16x32x128xf32, #tpu.memory_space<vmem>> -> memref<1x32x128xf32, #tpu.memory_space<vmem>>
      %dma_wait3A_1606 = tpu.memref_squeeze %dma_wait3A_1605 : memref<1x32x128xf32, #tpu.memory_space<vmem>> -> memref<32x128xf32, #tpu.memory_space<vmem>>
      %dma_wait3A_1607 = arith.constant 0 : i32
      %dma_wait3A_1608 = arith.constant 0 : i32
      %dma_wait3A_1609 = tpu.memref_slice %arg2[%dma_wait3A_1607, %dma_wait3A_1608] : memref<32x1000000xf32, #tpu.memory_space<hbm>> -> memref<32x128xf32, #tpu.memory_space<hbm>>
      %dma_wait3A_1610 = arith.constant 0 : i32
      %dma_wait3A_1611 = arith.constant 0 : i32
      %dma_wait3A_1612 = tpu.memref_slice %arg6[%dma_wait3A_1602, %dma_wait3A_1610, %dma_wait3A_1611] : memref<16x32x128xf32, #tpu.memory_space<vmem>> -> memref<1x32x128xf32, #tpu.memory_space<vmem>>
      %dma_wait3A_1613 = tpu.memref_squeeze %dma_wait3A_1612 : memref<1x32x128xf32, #tpu.memory_space<vmem>> -> memref<32x128xf32, #tpu.memory_space<vmem>>
      %dma_wait3A_1614 = arith.constant 0 : i32
      %dma_wait3A_1615 = arith.constant 0 : i32
      %dma_wait3A_1616 = tpu.memref_slice %arg2[%dma_wait3A_1614, %dma_wait3A_1615] : memref<32x1000000xf32, #tpu.memory_space<hbm>> -> memref<32x128xf32, #tpu.memory_space<hbm>>
      tpu.wait_dma2 semaphore(%arg18 : memref<!tpu.dma_semaphore, #tpu.memory_space<semaphore_mem>>) src(%dma_wait3A_1616 : memref<32x128xf32, #tpu.memory_space<hbm>>) dst(%dma_wait3A_1613 : memref<32x128xf32, #tpu.memory_space<vmem>>)
      %slice3A_1617 = vector.extract_strided_slice %and3A_983 {offsets = [10], sizes = [1], strides = [1]} : vector<16xi32> to vector<1xi32>
      %squeeze3A_1618 = vector.extract %slice3A_1617[0] : i32 from vector<1xi32>
      %broadcast_in_dim3A_1619 = vector.broadcast %squeeze3A_1618 : i32 to vector<16xi32>
      %add3A_1620 = arith.constant 10 : i32
      %add3A_1621 = arith.addi %mul3A_976, %add3A_1620 : i32
      %broadcast_in_dim3A_1622 = vector.broadcast %add3A_1621 : i32 to vector<16xi32>
      %add3A_1623 = arith.constant 0 : i32
      %add3A_1624 = vector.broadcast %add3A_1623 : i32 to vector<16xi32>
      %add3A_1625 = arith.addi %add3A_1624, %iota3A : vector<16xi32>
      %gather3A_1626 = arith.constant 10 : i32
      %gather3A_1627 = arith.constant 0 : i32
      %gather3A_1628 = arith.constant 0 : i32
      %gather3A_1629 = tpu.memref_slice %arg6[%gather3A_1626, %gather3A_1627, %gather3A_1628] : memref<16x32x128xf32, #tpu.memory_space<vmem>> -> memref<1x32x128xf32, #tpu.memory_space<vmem>>
      %gather3A_1630 = tpu.memref_squeeze %gather3A_1629 : memref<1x32x128xf32, #tpu.memory_space<vmem>> -> memref<32x128xf32, #tpu.memory_space<vmem>>
      %gather3A_1631 = tpu.vector_load_idx %gather3A_1630[%add3A_1625, %broadcast_in_dim3A_1619] : memref<32x128xf32, #tpu.memory_space<vmem>>[vector<16xi32>, vector<16xi32>], vector<16xf32>,
      %add3A_1632 = arith.constant 0 : i32
      %add3A_1633 = vector.broadcast %add3A_1632 : i32 to vector<16xi32>
      %add3A_1634 = arith.addi %add3A_1633, %iota3A : vector<16xi32>
      tpu.vector_store_idx %arg7[%add3A_1634, %broadcast_in_dim3A_1622], %gather3A_1631 : memref<32x512xf32, #tpu.memory_space<vmem>>[vector<16xi32>, vector<16xi32>], vector<16xf32>,
      %add3A_1635 = arith.constant 16 : i32
      %add3A_1636 = vector.broadcast %add3A_1635 : i32 to vector<16xi32>
      %add3A_1637 = arith.addi %add3A_1636, %iota3A : vector<16xi32>
      %gather3A_1638 = arith.constant 10 : i32
      %gather3A_1639 = arith.constant 0 : i32
      %gather3A_1640 = arith.constant 0 : i32
      %gather3A_1641 = tpu.memref_slice %arg6[%gather3A_1638, %gather3A_1639, %gather3A_1640] : memref<16x32x128xf32, #tpu.memory_space<vmem>> -> memref<1x32x128xf32, #tpu.memory_space<vmem>>
      %gather3A_1642 = tpu.memref_squeeze %gather3A_1641 : memref<1x32x128xf32, #tpu.memory_space<vmem>> -> memref<32x128xf32, #tpu.memory_space<vmem>>
      %gather3A_1643 = tpu.vector_load_idx %gather3A_1642[%add3A_1637, %broadcast_in_dim3A_1619] : memref<32x128xf32, #tpu.memory_space<vmem>>[vector<16xi32>, vector<16xi32>], vector<16xf32>,
      %add3A_1644 = arith.constant 16 : i32
      %add3A_1645 = vector.broadcast %add3A_1644 : i32 to vector<16xi32>
      %add3A_1646 = arith.addi %add3A_1645, %iota3A : vector<16xi32>
      tpu.vector_store_idx %arg7[%add3A_1646, %broadcast_in_dim3A_1622], %gather3A_1643 : memref<32x512xf32, #tpu.memory_space<vmem>>[vector<16xi32>, vector<16xi32>], vector<16xf32>,
      %slice3A_1647 = vector.extract_strided_slice %shift_left3A_991 {offsets = [10], sizes = [1], strides = [1]} : vector<16xi32> to vector<1xi32>
      %squeeze3A_1648 = vector.extract %slice3A_1647[0] : i32 from vector<1xi32>
      %multiple_of3A_1649 = tpu.assume_multiple %squeeze3A_1648, 128 : i32
      %dma_start3A_1650 = arith.constant 10 : i32
      %dma_start3A_1651 = arith.constant 0 : i32
      %dma_start3A_1652 = arith.constant 0 : i32
      %dma_start3A_1653 = tpu.memref_slice %arg6[%dma_start3A_1650, %dma_start3A_1651, %dma_start3A_1652] : memref<16x32x128xf32, #tpu.memory_space<vmem>> -> memref<1x32x128xf32, #tpu.memory_space<vmem>>
      %dma_start3A_1654 = tpu.memref_squeeze %dma_start3A_1653 : memref<1x32x128xf32, #tpu.memory_space<vmem>> -> memref<32x128xf32, #tpu.memory_space<vmem>>
      %dma_start3A_1655 = arith.constant 0 : i32
      %dma_start3A_1656 = tpu.memref_slice %arg2[%dma_start3A_1655, %multiple_of3A_1649] : memref<32x1000000xf32, #tpu.memory_space<hbm>> -> memref<32x128xf32, #tpu.memory_space<hbm>>
      %dma_start3A_1657 = arith.constant 0 : i32
      %dma_start3A_1658 = arith.constant 0 : i32
      %dma_start3A_1659 = tpu.memref_slice %arg6[%dma_start3A_1650, %dma_start3A_1657, %dma_start3A_1658] : memref<16x32x128xf32, #tpu.memory_space<vmem>> -> memref<1x32x128xf32, #tpu.memory_space<vmem>>
      %dma_start3A_1660 = tpu.memref_squeeze %dma_start3A_1659 : memref<1x32x128xf32, #tpu.memory_space<vmem>> -> memref<32x128xf32, #tpu.memory_space<vmem>>
      %dma_start3A_1661 = arith.constant 0 : i32
      %dma_start3A_1662 = tpu.memref_slice %arg2[%dma_start3A_1661, %multiple_of3A_1649] : memref<32x1000000xf32, #tpu.memory_space<hbm>> -> memref<32x128xf32, #tpu.memory_space<hbm>>
      tpu.enqueue_dma source(%dma_start3A_1662 : memref<32x128xf32, #tpu.memory_space<hbm>>) target(%dma_start3A_1660 : memref<32x128xf32, #tpu.memory_space<vmem>>) target_semaphore(%arg18 : memref<!tpu.dma_semaphore, #tpu.memory_space<semaphore_mem>>)
      %dma_wait3A_1663 = arith.constant 11 : i32
      %dma_wait3A_1664 = arith.constant 0 : i32
      %dma_wait3A_1665 = arith.constant 0 : i32
      %dma_wait3A_1666 = tpu.memref_slice %arg6[%dma_wait3A_1663, %dma_wait3A_1664, %dma_wait3A_1665] : memref<16x32x128xf32, #tpu.memory_space<vmem>> -> memref<1x32x128xf32, #tpu.memory_space<vmem>>
      %dma_wait3A_1667 = tpu.memref_squeeze %dma_wait3A_1666 : memref<1x32x128xf32, #tpu.memory_space<vmem>> -> memref<32x128xf32, #tpu.memory_space<vmem>>
      %dma_wait3A_1668 = arith.constant 0 : i32
      %dma_wait3A_1669 = arith.constant 0 : i32
      %dma_wait3A_1670 = tpu.memref_slice %arg2[%dma_wait3A_1668, %dma_wait3A_1669] : memref<32x1000000xf32, #tpu.memory_space<hbm>> -> memref<32x128xf32, #tpu.memory_space<hbm>>
      %dma_wait3A_1671 = arith.constant 0 : i32
      %dma_wait3A_1672 = arith.constant 0 : i32
      %dma_wait3A_1673 = tpu.memref_slice %arg6[%dma_wait3A_1663, %dma_wait3A_1671, %dma_wait3A_1672] : memref<16x32x128xf32, #tpu.memory_space<vmem>> -> memref<1x32x128xf32, #tpu.memory_space<vmem>>
      %dma_wait3A_1674 = tpu.memref_squeeze %dma_wait3A_1673 : memref<1x32x128xf32, #tpu.memory_space<vmem>> -> memref<32x128xf32, #tpu.memory_space<vmem>>
      %dma_wait3A_1675 = arith.constant 0 : i32
      %dma_wait3A_1676 = arith.constant 0 : i32
      %dma_wait3A_1677 = tpu.memref_slice %arg2[%dma_wait3A_1675, %dma_wait3A_1676] : memref<32x1000000xf32, #tpu.memory_space<hbm>> -> memref<32x128xf32, #tpu.memory_space<hbm>>
      tpu.wait_dma2 semaphore(%arg19 : memref<!tpu.dma_semaphore, #tpu.memory_space<semaphore_mem>>) src(%dma_wait3A_1677 : memref<32x128xf32, #tpu.memory_space<hbm>>) dst(%dma_wait3A_1674 : memref<32x128xf32, #tpu.memory_space<vmem>>)
      %slice3A_1678 = vector.extract_strided_slice %and3A_983 {offsets = [11], sizes = [1], strides = [1]} : vector<16xi32> to vector<1xi32>
      %squeeze3A_1679 = vector.extract %slice3A_1678[0] : i32 from vector<1xi32>
      %broadcast_in_dim3A_1680 = vector.broadcast %squeeze3A_1679 : i32 to vector<16xi32>
      %add3A_1681 = arith.constant 11 : i32
      %add3A_1682 = arith.addi %mul3A_976, %add3A_1681 : i32
      %broadcast_in_dim3A_1683 = vector.broadcast %add3A_1682 : i32 to vector<16xi32>
      %add3A_1684 = arith.constant 0 : i32
      %add3A_1685 = vector.broadcast %add3A_1684 : i32 to vector<16xi32>
      %add3A_1686 = arith.addi %add3A_1685, %iota3A : vector<16xi32>
      %gather3A_1687 = arith.constant 11 : i32
      %gather3A_1688 = arith.constant 0 : i32
      %gather3A_1689 = arith.constant 0 : i32
      %gather3A_1690 = tpu.memref_slice %arg6[%gather3A_1687, %gather3A_1688, %gather3A_1689] : memref<16x32x128xf32, #tpu.memory_space<vmem>> -> memref<1x32x128xf32, #tpu.memory_space<vmem>>
      %gather3A_1691 = tpu.memref_squeeze %gather3A_1690 : memref<1x32x128xf32, #tpu.memory_space<vmem>> -> memref<32x128xf32, #tpu.memory_space<vmem>>
      %gather3A_1692 = tpu.vector_load_idx %gather3A_1691[%add3A_1686, %broadcast_in_dim3A_1680] : memref<32x128xf32, #tpu.memory_space<vmem>>[vector<16xi32>, vector<16xi32>], vector<16xf32>,
      %add3A_1693 = arith.constant 0 : i32
      %add3A_1694 = vector.broadcast %add3A_1693 : i32 to vector<16xi32>
      %add3A_1695 = arith.addi %add3A_1694, %iota3A : vector<16xi32>
      tpu.vector_store_idx %arg7[%add3A_1695, %broadcast_in_dim3A_1683], %gather3A_1692 : memref<32x512xf32, #tpu.memory_space<vmem>>[vector<16xi32>, vector<16xi32>], vector<16xf32>,
      %add3A_1696 = arith.constant 16 : i32
      %add3A_1697 = vector.broadcast %add3A_1696 : i32 to vector<16xi32>
      %add3A_1698 = arith.addi %add3A_1697, %iota3A : vector<16xi32>
      %gather3A_1699 = arith.constant 11 : i32
      %gather3A_1700 = arith.constant 0 : i32
      %gather3A_1701 = arith.constant 0 : i32
      %gather3A_1702 = tpu.memref_slice %arg6[%gather3A_1699, %gather3A_1700, %gather3A_1701] : memref<16x32x128xf32, #tpu.memory_space<vmem>> -> memref<1x32x128xf32, #tpu.memory_space<vmem>>
      %gather3A_1703 = tpu.memref_squeeze %gather3A_1702 : memref<1x32x128xf32, #tpu.memory_space<vmem>> -> memref<32x128xf32, #tpu.memory_space<vmem>>
      %gather3A_1704 = tpu.vector_load_idx %gather3A_1703[%add3A_1698, %broadcast_in_dim3A_1680] : memref<32x128xf32, #tpu.memory_space<vmem>>[vector<16xi32>, vector<16xi32>], vector<16xf32>,
      %add3A_1705 = arith.constant 16 : i32
      %add3A_1706 = vector.broadcast %add3A_1705 : i32 to vector<16xi32>
      %add3A_1707 = arith.addi %add3A_1706, %iota3A : vector<16xi32>
      tpu.vector_store_idx %arg7[%add3A_1707, %broadcast_in_dim3A_1683], %gather3A_1704 : memref<32x512xf32, #tpu.memory_space<vmem>>[vector<16xi32>, vector<16xi32>], vector<16xf32>,
      %slice3A_1708 = vector.extract_strided_slice %shift_left3A_991 {offsets = [11], sizes = [1], strides = [1]} : vector<16xi32> to vector<1xi32>
      %squeeze3A_1709 = vector.extract %slice3A_1708[0] : i32 from vector<1xi32>
      %multiple_of3A_1710 = tpu.assume_multiple %squeeze3A_1709, 128 : i32
      %dma_start3A_1711 = arith.constant 11 : i32
      %dma_start3A_1712 = arith.constant 0 : i32
      %dma_start3A_1713 = arith.constant 0 : i32
      %dma_start3A_1714 = tpu.memref_slice %arg6[%dma_start3A_1711, %dma_start3A_1712, %dma_start3A_1713] : memref<16x32x128xf32, #tpu.memory_space<vmem>> -> memref<1x32x128xf32, #tpu.memory_space<vmem>>
      %dma_start3A_1715 = tpu.memref_squeeze %dma_start3A_1714 : memref<1x32x128xf32, #tpu.memory_space<vmem>> -> memref<32x128xf32, #tpu.memory_space<vmem>>
      %dma_start3A_1716 = arith.constant 0 : i32
      %dma_start3A_1717 = tpu.memref_slice %arg2[%dma_start3A_1716, %multiple_of3A_1710] : memref<32x1000000xf32, #tpu.memory_space<hbm>> -> memref<32x128xf32, #tpu.memory_space<hbm>>
      %dma_start3A_1718 = arith.constant 0 : i32
      %dma_start3A_1719 = arith.constant 0 : i32
      %dma_start3A_1720 = tpu.memref_slice %arg6[%dma_start3A_1711, %dma_start3A_1718, %dma_start3A_1719] : memref<16x32x128xf32, #tpu.memory_space<vmem>> -> memref<1x32x128xf32, #tpu.memory_space<vmem>>
      %dma_start3A_1721 = tpu.memref_squeeze %dma_start3A_1720 : memref<1x32x128xf32, #tpu.memory_space<vmem>> -> memref<32x128xf32, #tpu.memory_space<vmem>>
      %dma_start3A_1722 = arith.constant 0 : i32
      %dma_start3A_1723 = tpu.memref_slice %arg2[%dma_start3A_1722, %multiple_of3A_1710] : memref<32x1000000xf32, #tpu.memory_space<hbm>> -> memref<32x128xf32, #tpu.memory_space<hbm>>
      tpu.enqueue_dma source(%dma_start3A_1723 : memref<32x128xf32, #tpu.memory_space<hbm>>) target(%dma_start3A_1721 : memref<32x128xf32, #tpu.memory_space<vmem>>) target_semaphore(%arg19 : memref<!tpu.dma_semaphore, #tpu.memory_space<semaphore_mem>>)
      %dma_wait3A_1724 = arith.constant 12 : i32
      %dma_wait3A_1725 = arith.constant 0 : i32
      %dma_wait3A_1726 = arith.constant 0 : i32
      %dma_wait3A_1727 = tpu.memref_slice %arg6[%dma_wait3A_1724, %dma_wait3A_1725, %dma_wait3A_1726] : memref<16x32x128xf32, #tpu.memory_space<vmem>> -> memref<1x32x128xf32, #tpu.memory_space<vmem>>
      %dma_wait3A_1728 = tpu.memref_squeeze %dma_wait3A_1727 : memref<1x32x128xf32, #tpu.memory_space<vmem>> -> memref<32x128xf32, #tpu.memory_space<vmem>>
      %dma_wait3A_1729 = arith.constant 0 : i32
      %dma_wait3A_1730 = arith.constant 0 : i32
      %dma_wait3A_1731 = tpu.memref_slice %arg2[%dma_wait3A_1729, %dma_wait3A_1730] : memref<32x1000000xf32, #tpu.memory_space<hbm>> -> memref<32x128xf32, #tpu.memory_space<hbm>>
      %dma_wait3A_1732 = arith.constant 0 : i32
      %dma_wait3A_1733 = arith.constant 0 : i32
      %dma_wait3A_1734 = tpu.memref_slice %arg6[%dma_wait3A_1724, %dma_wait3A_1732, %dma_wait3A_1733] : memref<16x32x128xf32, #tpu.memory_space<vmem>> -> memref<1x32x128xf32, #tpu.memory_space<vmem>>
      %dma_wait3A_1735 = tpu.memref_squeeze %dma_wait3A_1734 : memref<1x32x128xf32, #tpu.memory_space<vmem>> -> memref<32x128xf32, #tpu.memory_space<vmem>>
      %dma_wait3A_1736 = arith.constant 0 : i32
      %dma_wait3A_1737 = arith.constant 0 : i32
      %dma_wait3A_1738 = tpu.memref_slice %arg2[%dma_wait3A_1736, %dma_wait3A_1737] : memref<32x1000000xf32, #tpu.memory_space<hbm>> -> memref<32x128xf32, #tpu.memory_space<hbm>>
      tpu.wait_dma2 semaphore(%arg20 : memref<!tpu.dma_semaphore, #tpu.memory_space<semaphore_mem>>) src(%dma_wait3A_1738 : memref<32x128xf32, #tpu.memory_space<hbm>>) dst(%dma_wait3A_1735 : memref<32x128xf32, #tpu.memory_space<vmem>>)
      %slice3A_1739 = vector.extract_strided_slice %and3A_983 {offsets = [12], sizes = [1], strides = [1]} : vector<16xi32> to vector<1xi32>
      %squeeze3A_1740 = vector.extract %slice3A_1739[0] : i32 from vector<1xi32>
      %broadcast_in_dim3A_1741 = vector.broadcast %squeeze3A_1740 : i32 to vector<16xi32>
      %add3A_1742 = arith.constant 12 : i32
      %add3A_1743 = arith.addi %mul3A_976, %add3A_1742 : i32
      %broadcast_in_dim3A_1744 = vector.broadcast %add3A_1743 : i32 to vector<16xi32>
      %add3A_1745 = arith.constant 0 : i32
      %add3A_1746 = vector.broadcast %add3A_1745 : i32 to vector<16xi32>
      %add3A_1747 = arith.addi %add3A_1746, %iota3A : vector<16xi32>
      %gather3A_1748 = arith.constant 12 : i32
      %gather3A_1749 = arith.constant 0 : i32
      %gather3A_1750 = arith.constant 0 : i32
      %gather3A_1751 = tpu.memref_slice %arg6[%gather3A_1748, %gather3A_1749, %gather3A_1750] : memref<16x32x128xf32, #tpu.memory_space<vmem>> -> memref<1x32x128xf32, #tpu.memory_space<vmem>>
      %gather3A_1752 = tpu.memref_squeeze %gather3A_1751 : memref<1x32x128xf32, #tpu.memory_space<vmem>> -> memref<32x128xf32, #tpu.memory_space<vmem>>
      %gather3A_1753 = tpu.vector_load_idx %gather3A_1752[%add3A_1747, %broadcast_in_dim3A_1741] : memref<32x128xf32, #tpu.memory_space<vmem>>[vector<16xi32>, vector<16xi32>], vector<16xf32>,
      %add3A_1754 = arith.constant 0 : i32
      %add3A_1755 = vector.broadcast %add3A_1754 : i32 to vector<16xi32>
      %add3A_1756 = arith.addi %add3A_1755, %iota3A : vector<16xi32>
      tpu.vector_store_idx %arg7[%add3A_1756, %broadcast_in_dim3A_1744], %gather3A_1753 : memref<32x512xf32, #tpu.memory_space<vmem>>[vector<16xi32>, vector<16xi32>], vector<16xf32>,
      %add3A_1757 = arith.constant 16 : i32
      %add3A_1758 = vector.broadcast %add3A_1757 : i32 to vector<16xi32>
      %add3A_1759 = arith.addi %add3A_1758, %iota3A : vector<16xi32>
      %gather3A_1760 = arith.constant 12 : i32
      %gather3A_1761 = arith.constant 0 : i32
      %gather3A_1762 = arith.constant 0 : i32
      %gather3A_1763 = tpu.memref_slice %arg6[%gather3A_1760, %gather3A_1761, %gather3A_1762] : memref<16x32x128xf32, #tpu.memory_space<vmem>> -> memref<1x32x128xf32, #tpu.memory_space<vmem>>
      %gather3A_1764 = tpu.memref_squeeze %gather3A_1763 : memref<1x32x128xf32, #tpu.memory_space<vmem>> -> memref<32x128xf32, #tpu.memory_space<vmem>>
      %gather3A_1765 = tpu.vector_load_idx %gather3A_1764[%add3A_1759, %broadcast_in_dim3A_1741] : memref<32x128xf32, #tpu.memory_space<vmem>>[vector<16xi32>, vector<16xi32>], vector<16xf32>,
      %add3A_1766 = arith.constant 16 : i32
      %add3A_1767 = vector.broadcast %add3A_1766 : i32 to vector<16xi32>
      %add3A_1768 = arith.addi %add3A_1767, %iota3A : vector<16xi32>
      tpu.vector_store_idx %arg7[%add3A_1768, %broadcast_in_dim3A_1744], %gather3A_1765 : memref<32x512xf32, #tpu.memory_space<vmem>>[vector<16xi32>, vector<16xi32>], vector<16xf32>,
      %slice3A_1769 = vector.extract_strided_slice %shift_left3A_991 {offsets = [12], sizes = [1], strides = [1]} : vector<16xi32> to vector<1xi32>
      %squeeze3A_1770 = vector.extract %slice3A_1769[0] : i32 from vector<1xi32>
      %multiple_of3A_1771 = tpu.assume_multiple %squeeze3A_1770, 128 : i32
      %dma_start3A_1772 = arith.constant 12 : i32
      %dma_start3A_1773 = arith.constant 0 : i32
      %dma_start3A_1774 = arith.constant 0 : i32
      %dma_start3A_1775 = tpu.memref_slice %arg6[%dma_start3A_1772, %dma_start3A_1773, %dma_start3A_1774] : memref<16x32x128xf32, #tpu.memory_space<vmem>> -> memref<1x32x128xf32, #tpu.memory_space<vmem>>
      %dma_start3A_1776 = tpu.memref_squeeze %dma_start3A_1775 : memref<1x32x128xf32, #tpu.memory_space<vmem>> -> memref<32x128xf32, #tpu.memory_space<vmem>>
      %dma_start3A_1777 = arith.constant 0 : i32
      %dma_start3A_1778 = tpu.memref_slice %arg2[%dma_start3A_1777, %multiple_of3A_1771] : memref<32x1000000xf32, #tpu.memory_space<hbm>> -> memref<32x128xf32, #tpu.memory_space<hbm>>
      %dma_start3A_1779 = arith.constant 0 : i32
      %dma_start3A_1780 = arith.constant 0 : i32
      %dma_start3A_1781 = tpu.memref_slice %arg6[%dma_start3A_1772, %dma_start3A_1779, %dma_start3A_1780] : memref<16x32x128xf32, #tpu.memory_space<vmem>> -> memref<1x32x128xf32, #tpu.memory_space<vmem>>
      %dma_start3A_1782 = tpu.memref_squeeze %dma_start3A_1781 : memref<1x32x128xf32, #tpu.memory_space<vmem>> -> memref<32x128xf32, #tpu.memory_space<vmem>>
      %dma_start3A_1783 = arith.constant 0 : i32
      %dma_start3A_1784 = tpu.memref_slice %arg2[%dma_start3A_1783, %multiple_of3A_1771] : memref<32x1000000xf32, #tpu.memory_space<hbm>> -> memref<32x128xf32, #tpu.memory_space<hbm>>
      tpu.enqueue_dma source(%dma_start3A_1784 : memref<32x128xf32, #tpu.memory_space<hbm>>) target(%dma_start3A_1782 : memref<32x128xf32, #tpu.memory_space<vmem>>) target_semaphore(%arg20 : memref<!tpu.dma_semaphore, #tpu.memory_space<semaphore_mem>>)
      %dma_wait3A_1785 = arith.constant 13 : i32
      %dma_wait3A_1786 = arith.constant 0 : i32
      %dma_wait3A_1787 = arith.constant 0 : i32
      %dma_wait3A_1788 = tpu.memref_slice %arg6[%dma_wait3A_1785, %dma_wait3A_1786, %dma_wait3A_1787] : memref<16x32x128xf32, #tpu.memory_space<vmem>> -> memref<1x32x128xf32, #tpu.memory_space<vmem>>
      %dma_wait3A_1789 = tpu.memref_squeeze %dma_wait3A_1788 : memref<1x32x128xf32, #tpu.memory_space<vmem>> -> memref<32x128xf32, #tpu.memory_space<vmem>>
      %dma_wait3A_1790 = arith.constant 0 : i32
      %dma_wait3A_1791 = arith.constant 0 : i32
      %dma_wait3A_1792 = tpu.memref_slice %arg2[%dma_wait3A_1790, %dma_wait3A_1791] : memref<32x1000000xf32, #tpu.memory_space<hbm>> -> memref<32x128xf32, #tpu.memory_space<hbm>>
      %dma_wait3A_1793 = arith.constant 0 : i32
      %dma_wait3A_1794 = arith.constant 0 : i32
      %dma_wait3A_1795 = tpu.memref_slice %arg6[%dma_wait3A_1785, %dma_wait3A_1793, %dma_wait3A_1794] : memref<16x32x128xf32, #tpu.memory_space<vmem>> -> memref<1x32x128xf32, #tpu.memory_space<vmem>>
      %dma_wait3A_1796 = tpu.memref_squeeze %dma_wait3A_1795 : memref<1x32x128xf32, #tpu.memory_space<vmem>> -> memref<32x128xf32, #tpu.memory_space<vmem>>
      %dma_wait3A_1797 = arith.constant 0 : i32
      %dma_wait3A_1798 = arith.constant 0 : i32
      %dma_wait3A_1799 = tpu.memref_slice %arg2[%dma_wait3A_1797, %dma_wait3A_1798] : memref<32x1000000xf32, #tpu.memory_space<hbm>> -> memref<32x128xf32, #tpu.memory_space<hbm>>
      tpu.wait_dma2 semaphore(%arg21 : memref<!tpu.dma_semaphore, #tpu.memory_space<semaphore_mem>>) src(%dma_wait3A_1799 : memref<32x128xf32, #tpu.memory_space<hbm>>) dst(%dma_wait3A_1796 : memref<32x128xf32, #tpu.memory_space<vmem>>)
      %slice3A_1800 = vector.extract_strided_slice %and3A_983 {offsets = [13], sizes = [1], strides = [1]} : vector<16xi32> to vector<1xi32>
      %squeeze3A_1801 = vector.extract %slice3A_1800[0] : i32 from vector<1xi32>
      %broadcast_in_dim3A_1802 = vector.broadcast %squeeze3A_1801 : i32 to vector<16xi32>
      %add3A_1803 = arith.constant 13 : i32
      %add3A_1804 = arith.addi %mul3A_976, %add3A_1803 : i32
      %broadcast_in_dim3A_1805 = vector.broadcast %add3A_1804 : i32 to vector<16xi32>
      %add3A_1806 = arith.constant 0 : i32
      %add3A_1807 = vector.broadcast %add3A_1806 : i32 to vector<16xi32>
      %add3A_1808 = arith.addi %add3A_1807, %iota3A : vector<16xi32>
      %gather3A_1809 = arith.constant 13 : i32
      %gather3A_1810 = arith.constant 0 : i32
      %gather3A_1811 = arith.constant 0 : i32
      %gather3A_1812 = tpu.memref_slice %arg6[%gather3A_1809, %gather3A_1810, %gather3A_1811] : memref<16x32x128xf32, #tpu.memory_space<vmem>> -> memref<1x32x128xf32, #tpu.memory_space<vmem>>
      %gather3A_1813 = tpu.memref_squeeze %gather3A_1812 : memref<1x32x128xf32, #tpu.memory_space<vmem>> -> memref<32x128xf32, #tpu.memory_space<vmem>>
      %gather3A_1814 = tpu.vector_load_idx %gather3A_1813[%add3A_1808, %broadcast_in_dim3A_1802] : memref<32x128xf32, #tpu.memory_space<vmem>>[vector<16xi32>, vector<16xi32>], vector<16xf32>,
      %add3A_1815 = arith.constant 0 : i32
      %add3A_1816 = vector.broadcast %add3A_1815 : i32 to vector<16xi32>
      %add3A_1817 = arith.addi %add3A_1816, %iota3A : vector<16xi32>
      tpu.vector_store_idx %arg7[%add3A_1817, %broadcast_in_dim3A_1805], %gather3A_1814 : memref<32x512xf32, #tpu.memory_space<vmem>>[vector<16xi32>, vector<16xi32>], vector<16xf32>,
      %add3A_1818 = arith.constant 16 : i32
      %add3A_1819 = vector.broadcast %add3A_1818 : i32 to vector<16xi32>
      %add3A_1820 = arith.addi %add3A_1819, %iota3A : vector<16xi32>
      %gather3A_1821 = arith.constant 13 : i32
      %gather3A_1822 = arith.constant 0 : i32
      %gather3A_1823 = arith.constant 0 : i32
      %gather3A_1824 = tpu.memref_slice %arg6[%gather3A_1821, %gather3A_1822, %gather3A_1823] : memref<16x32x128xf32, #tpu.memory_space<vmem>> -> memref<1x32x128xf32, #tpu.memory_space<vmem>>
      %gather3A_1825 = tpu.memref_squeeze %gather3A_1824 : memref<1x32x128xf32, #tpu.memory_space<vmem>> -> memref<32x128xf32, #tpu.memory_space<vmem>>
      %gather3A_1826 = tpu.vector_load_idx %gather3A_1825[%add3A_1820, %broadcast_in_dim3A_1802] : memref<32x128xf32, #tpu.memory_space<vmem>>[vector<16xi32>, vector<16xi32>], vector<16xf32>,
      %add3A_1827 = arith.constant 16 : i32
      %add3A_1828 = vector.broadcast %add3A_1827 : i32 to vector<16xi32>
      %add3A_1829 = arith.addi %add3A_1828, %iota3A : vector<16xi32>
      tpu.vector_store_idx %arg7[%add3A_1829, %broadcast_in_dim3A_1805], %gather3A_1826 : memref<32x512xf32, #tpu.memory_space<vmem>>[vector<16xi32>, vector<16xi32>], vector<16xf32>,
      %slice3A_1830 = vector.extract_strided_slice %shift_left3A_991 {offsets = [13], sizes = [1], strides = [1]} : vector<16xi32> to vector<1xi32>
      %squeeze3A_1831 = vector.extract %slice3A_1830[0] : i32 from vector<1xi32>
      %multiple_of3A_1832 = tpu.assume_multiple %squeeze3A_1831, 128 : i32
      %dma_start3A_1833 = arith.constant 13 : i32
      %dma_start3A_1834 = arith.constant 0 : i32
      %dma_start3A_1835 = arith.constant 0 : i32
      %dma_start3A_1836 = tpu.memref_slice %arg6[%dma_start3A_1833, %dma_start3A_1834, %dma_start3A_1835] : memref<16x32x128xf32, #tpu.memory_space<vmem>> -> memref<1x32x128xf32, #tpu.memory_space<vmem>>
      %dma_start3A_1837 = tpu.memref_squeeze %dma_start3A_1836 : memref<1x32x128xf32, #tpu.memory_space<vmem>> -> memref<32x128xf32, #tpu.memory_space<vmem>>
      %dma_start3A_1838 = arith.constant 0 : i32
      %dma_start3A_1839 = tpu.memref_slice %arg2[%dma_start3A_1838, %multiple_of3A_1832] : memref<32x1000000xf32, #tpu.memory_space<hbm>> -> memref<32x128xf32, #tpu.memory_space<hbm>>
      %dma_start3A_1840 = arith.constant 0 : i32
      %dma_start3A_1841 = arith.constant 0 : i32
      %dma_start3A_1842 = tpu.memref_slice %arg6[%dma_start3A_1833, %dma_start3A_1840, %dma_start3A_1841] : memref<16x32x128xf32, #tpu.memory_space<vmem>> -> memref<1x32x128xf32, #tpu.memory_space<vmem>>
      %dma_start3A_1843 = tpu.memref_squeeze %dma_start3A_1842 : memref<1x32x128xf32, #tpu.memory_space<vmem>> -> memref<32x128xf32, #tpu.memory_space<vmem>>
      %dma_start3A_1844 = arith.constant 0 : i32
      %dma_start3A_1845 = tpu.memref_slice %arg2[%dma_start3A_1844, %multiple_of3A_1832] : memref<32x1000000xf32, #tpu.memory_space<hbm>> -> memref<32x128xf32, #tpu.memory_space<hbm>>
      tpu.enqueue_dma source(%dma_start3A_1845 : memref<32x128xf32, #tpu.memory_space<hbm>>) target(%dma_start3A_1843 : memref<32x128xf32, #tpu.memory_space<vmem>>) target_semaphore(%arg21 : memref<!tpu.dma_semaphore, #tpu.memory_space<semaphore_mem>>)
      %dma_wait3A_1846 = arith.constant 14 : i32
      %dma_wait3A_1847 = arith.constant 0 : i32
      %dma_wait3A_1848 = arith.constant 0 : i32
      %dma_wait3A_1849 = tpu.memref_slice %arg6[%dma_wait3A_1846, %dma_wait3A_1847, %dma_wait3A_1848] : memref<16x32x128xf32, #tpu.memory_space<vmem>> -> memref<1x32x128xf32, #tpu.memory_space<vmem>>
      %dma_wait3A_1850 = tpu.memref_squeeze %dma_wait3A_1849 : memref<1x32x128xf32, #tpu.memory_space<vmem>> -> memref<32x128xf32, #tpu.memory_space<vmem>>
      %dma_wait3A_1851 = arith.constant 0 : i32
      %dma_wait3A_1852 = arith.constant 0 : i32
      %dma_wait3A_1853 = tpu.memref_slice %arg2[%dma_wait3A_1851, %dma_wait3A_1852] : memref<32x1000000xf32, #tpu.memory_space<hbm>> -> memref<32x128xf32, #tpu.memory_space<hbm>>
      %dma_wait3A_1854 = arith.constant 0 : i32
      %dma_wait3A_1855 = arith.constant 0 : i32
      %dma_wait3A_1856 = tpu.memref_slice %arg6[%dma_wait3A_1846, %dma_wait3A_1854, %dma_wait3A_1855] : memref<16x32x128xf32, #tpu.memory_space<vmem>> -> memref<1x32x128xf32, #tpu.memory_space<vmem>>
      %dma_wait3A_1857 = tpu.memref_squeeze %dma_wait3A_1856 : memref<1x32x128xf32, #tpu.memory_space<vmem>> -> memref<32x128xf32, #tpu.memory_space<vmem>>
      %dma_wait3A_1858 = arith.constant 0 : i32
      %dma_wait3A_1859 = arith.constant 0 : i32
      %dma_wait3A_1860 = tpu.memref_slice %arg2[%dma_wait3A_1858, %dma_wait3A_1859] : memref<32x1000000xf32, #tpu.memory_space<hbm>> -> memref<32x128xf32, #tpu.memory_space<hbm>>
      tpu.wait_dma2 semaphore(%arg22 : memref<!tpu.dma_semaphore, #tpu.memory_space<semaphore_mem>>) src(%dma_wait3A_1860 : memref<32x128xf32, #tpu.memory_space<hbm>>) dst(%dma_wait3A_1857 : memref<32x128xf32, #tpu.memory_space<vmem>>)
      %slice3A_1861 = vector.extract_strided_slice %and3A_983 {offsets = [14], sizes = [1], strides = [1]} : vector<16xi32> to vector<1xi32>
      %squeeze3A_1862 = vector.extract %slice3A_1861[0] : i32 from vector<1xi32>
      %broadcast_in_dim3A_1863 = vector.broadcast %squeeze3A_1862 : i32 to vector<16xi32>
      %add3A_1864 = arith.constant 14 : i32
      %add3A_1865 = arith.addi %mul3A_976, %add3A_1864 : i32
      %broadcast_in_dim3A_1866 = vector.broadcast %add3A_1865 : i32 to vector<16xi32>
      %add3A_1867 = arith.constant 0 : i32
      %add3A_1868 = vector.broadcast %add3A_1867 : i32 to vector<16xi32>
      %add3A_1869 = arith.addi %add3A_1868, %iota3A : vector<16xi32>
      %gather3A_1870 = arith.constant 14 : i32
      %gather3A_1871 = arith.constant 0 : i32
      %gather3A_1872 = arith.constant 0 : i32
      %gather3A_1873 = tpu.memref_slice %arg6[%gather3A_1870, %gather3A_1871, %gather3A_1872] : memref<16x32x128xf32, #tpu.memory_space<vmem>> -> memref<1x32x128xf32, #tpu.memory_space<vmem>>
      %gather3A_1874 = tpu.memref_squeeze %gather3A_1873 : memref<1x32x128xf32, #tpu.memory_space<vmem>> -> memref<32x128xf32, #tpu.memory_space<vmem>>
      %gather3A_1875 = tpu.vector_load_idx %gather3A_1874[%add3A_1869, %broadcast_in_dim3A_1863] : memref<32x128xf32, #tpu.memory_space<vmem>>[vector<16xi32>, vector<16xi32>], vector<16xf32>,
      %add3A_1876 = arith.constant 0 : i32
      %add3A_1877 = vector.broadcast %add3A_1876 : i32 to vector<16xi32>
      %add3A_1878 = arith.addi %add3A_1877, %iota3A : vector<16xi32>
      tpu.vector_store_idx %arg7[%add3A_1878, %broadcast_in_dim3A_1866], %gather3A_1875 : memref<32x512xf32, #tpu.memory_space<vmem>>[vector<16xi32>, vector<16xi32>], vector<16xf32>,
      %add3A_1879 = arith.constant 16 : i32
      %add3A_1880 = vector.broadcast %add3A_1879 : i32 to vector<16xi32>
      %add3A_1881 = arith.addi %add3A_1880, %iota3A : vector<16xi32>
      %gather3A_1882 = arith.constant 14 : i32
      %gather3A_1883 = arith.constant 0 : i32
      %gather3A_1884 = arith.constant 0 : i32
      %gather3A_1885 = tpu.memref_slice %arg6[%gather3A_1882, %gather3A_1883, %gather3A_1884] : memref<16x32x128xf32, #tpu.memory_space<vmem>> -> memref<1x32x128xf32, #tpu.memory_space<vmem>>
      %gather3A_1886 = tpu.memref_squeeze %gather3A_1885 : memref<1x32x128xf32, #tpu.memory_space<vmem>> -> memref<32x128xf32, #tpu.memory_space<vmem>>
      %gather3A_1887 = tpu.vector_load_idx %gather3A_1886[%add3A_1881, %broadcast_in_dim3A_1863] : memref<32x128xf32, #tpu.memory_space<vmem>>[vector<16xi32>, vector<16xi32>], vector<16xf32>,
      %add3A_1888 = arith.constant 16 : i32
      %add3A_1889 = vector.broadcast %add3A_1888 : i32 to vector<16xi32>
      %add3A_1890 = arith.addi %add3A_1889, %iota3A : vector<16xi32>
      tpu.vector_store_idx %arg7[%add3A_1890, %broadcast_in_dim3A_1866], %gather3A_1887 : memref<32x512xf32, #tpu.memory_space<vmem>>[vector<16xi32>, vector<16xi32>], vector<16xf32>,
      %slice3A_1891 = vector.extract_strided_slice %shift_left3A_991 {offsets = [14], sizes = [1], strides = [1]} : vector<16xi32> to vector<1xi32>
      %squeeze3A_1892 = vector.extract %slice3A_1891[0] : i32 from vector<1xi32>
      %multiple_of3A_1893 = tpu.assume_multiple %squeeze3A_1892, 128 : i32
      %dma_start3A_1894 = arith.constant 14 : i32
      %dma_start3A_1895 = arith.constant 0 : i32
      %dma_start3A_1896 = arith.constant 0 : i32
      %dma_start3A_1897 = tpu.memref_slice %arg6[%dma_start3A_1894, %dma_start3A_1895, %dma_start3A_1896] : memref<16x32x128xf32, #tpu.memory_space<vmem>> -> memref<1x32x128xf32, #tpu.memory_space<vmem>>
      %dma_start3A_1898 = tpu.memref_squeeze %dma_start3A_1897 : memref<1x32x128xf32, #tpu.memory_space<vmem>> -> memref<32x128xf32, #tpu.memory_space<vmem>>
      %dma_start3A_1899 = arith.constant 0 : i32
      %dma_start3A_1900 = tpu.memref_slice %arg2[%dma_start3A_1899, %multiple_of3A_1893] : memref<32x1000000xf32, #tpu.memory_space<hbm>> -> memref<32x128xf32, #tpu.memory_space<hbm>>
      %dma_start3A_1901 = arith.constant 0 : i32
      %dma_start3A_1902 = arith.constant 0 : i32
      %dma_start3A_1903 = tpu.memref_slice %arg6[%dma_start3A_1894, %dma_start3A_1901, %dma_start3A_1902] : memref<16x32x128xf32, #tpu.memory_space<vmem>> -> memref<1x32x128xf32, #tpu.memory_space<vmem>>
      %dma_start3A_1904 = tpu.memref_squeeze %dma_start3A_1903 : memref<1x32x128xf32, #tpu.memory_space<vmem>> -> memref<32x128xf32, #tpu.memory_space<vmem>>
      %dma_start3A_1905 = arith.constant 0 : i32
      %dma_start3A_1906 = tpu.memref_slice %arg2[%dma_start3A_1905, %multiple_of3A_1893] : memref<32x1000000xf32, #tpu.memory_space<hbm>> -> memref<32x128xf32, #tpu.memory_space<hbm>>
      tpu.enqueue_dma source(%dma_start3A_1906 : memref<32x128xf32, #tpu.memory_space<hbm>>) target(%dma_start3A_1904 : memref<32x128xf32, #tpu.memory_space<vmem>>) target_semaphore(%arg22 : memref<!tpu.dma_semaphore, #tpu.memory_space<semaphore_mem>>)
      %dma_wait3A_1907 = arith.constant 15 : i32
      %dma_wait3A_1908 = arith.constant 0 : i32
      %dma_wait3A_1909 = arith.constant 0 : i32
      %dma_wait3A_1910 = tpu.memref_slice %arg6[%dma_wait3A_1907, %dma_wait3A_1908, %dma_wait3A_1909] : memref<16x32x128xf32, #tpu.memory_space<vmem>> -> memref<1x32x128xf32, #tpu.memory_space<vmem>>
      %dma_wait3A_1911 = tpu.memref_squeeze %dma_wait3A_1910 : memref<1x32x128xf32, #tpu.memory_space<vmem>> -> memref<32x128xf32, #tpu.memory_space<vmem>>
      %dma_wait3A_1912 = arith.constant 0 : i32
      %dma_wait3A_1913 = arith.constant 0 : i32
      %dma_wait3A_1914 = tpu.memref_slice %arg2[%dma_wait3A_1912, %dma_wait3A_1913] : memref<32x1000000xf32, #tpu.memory_space<hbm>> -> memref<32x128xf32, #tpu.memory_space<hbm>>
      %dma_wait3A_1915 = arith.constant 0 : i32
      %dma_wait3A_1916 = arith.constant 0 : i32
      %dma_wait3A_1917 = tpu.memref_slice %arg6[%dma_wait3A_1907, %dma_wait3A_1915, %dma_wait3A_1916] : memref<16x32x128xf32, #tpu.memory_space<vmem>> -> memref<1x32x128xf32, #tpu.memory_space<vmem>>
      %dma_wait3A_1918 = tpu.memref_squeeze %dma_wait3A_1917 : memref<1x32x128xf32, #tpu.memory_space<vmem>> -> memref<32x128xf32, #tpu.memory_space<vmem>>
      %dma_wait3A_1919 = arith.constant 0 : i32
      %dma_wait3A_1920 = arith.constant 0 : i32
      %dma_wait3A_1921 = tpu.memref_slice %arg2[%dma_wait3A_1919, %dma_wait3A_1920] : memref<32x1000000xf32, #tpu.memory_space<hbm>> -> memref<32x128xf32, #tpu.memory_space<hbm>>
      tpu.wait_dma2 semaphore(%arg23 : memref<!tpu.dma_semaphore, #tpu.memory_space<semaphore_mem>>) src(%dma_wait3A_1921 : memref<32x128xf32, #tpu.memory_space<hbm>>) dst(%dma_wait3A_1918 : memref<32x128xf32, #tpu.memory_space<vmem>>)
      %slice3A_1922 = vector.extract_strided_slice %and3A_983 {offsets = [15], sizes = [1], strides = [1]} : vector<16xi32> to vector<1xi32>
      %squeeze3A_1923 = vector.extract %slice3A_1922[0] : i32 from vector<1xi32>
      %broadcast_in_dim3A_1924 = vector.broadcast %squeeze3A_1923 : i32 to vector<16xi32>
      %add3A_1925 = arith.constant 15 : i32
      %add3A_1926 = arith.addi %mul3A_976, %add3A_1925 : i32
      %broadcast_in_dim3A_1927 = vector.broadcast %add3A_1926 : i32 to vector<16xi32>
      %add3A_1928 = arith.constant 0 : i32
      %add3A_1929 = vector.broadcast %add3A_1928 : i32 to vector<16xi32>
      %add3A_1930 = arith.addi %add3A_1929, %iota3A : vector<16xi32>
      %gather3A_1931 = arith.constant 15 : i32
      %gather3A_1932 = arith.constant 0 : i32
      %gather3A_1933 = arith.constant 0 : i32
      %gather3A_1934 = tpu.memref_slice %arg6[%gather3A_1931, %gather3A_1932, %gather3A_1933] : memref<16x32x128xf32, #tpu.memory_space<vmem>> -> memref<1x32x128xf32, #tpu.memory_space<vmem>>
      %gather3A_1935 = tpu.memref_squeeze %gather3A_1934 : memref<1x32x128xf32, #tpu.memory_space<vmem>> -> memref<32x128xf32, #tpu.memory_space<vmem>>
      %gather3A_1936 = tpu.vector_load_idx %gather3A_1935[%add3A_1930, %broadcast_in_dim3A_1924] : memref<32x128xf32, #tpu.memory_space<vmem>>[vector<16xi32>, vector<16xi32>], vector<16xf32>,
      %add3A_1937 = arith.constant 0 : i32
      %add3A_1938 = vector.broadcast %add3A_1937 : i32 to vector<16xi32>
      %add3A_1939 = arith.addi %add3A_1938, %iota3A : vector<16xi32>
      tpu.vector_store_idx %arg7[%add3A_1939, %broadcast_in_dim3A_1927], %gather3A_1936 : memref<32x512xf32, #tpu.memory_space<vmem>>[vector<16xi32>, vector<16xi32>], vector<16xf32>,
      %add3A_1940 = arith.constant 16 : i32
      %add3A_1941 = vector.broadcast %add3A_1940 : i32 to vector<16xi32>
      %add3A_1942 = arith.addi %add3A_1941, %iota3A : vector<16xi32>
      %gather3A_1943 = arith.constant 15 : i32
      %gather3A_1944 = arith.constant 0 : i32
      %gather3A_1945 = arith.constant 0 : i32
      %gather3A_1946 = tpu.memref_slice %arg6[%gather3A_1943, %gather3A_1944, %gather3A_1945] : memref<16x32x128xf32, #tpu.memory_space<vmem>> -> memref<1x32x128xf32, #tpu.memory_space<vmem>>
      %gather3A_1947 = tpu.memref_squeeze %gather3A_1946 : memref<1x32x128xf32, #tpu.memory_space<vmem>> -> memref<32x128xf32, #tpu.memory_space<vmem>>
      %gather3A_1948 = tpu.vector_load_idx %gather3A_1947[%add3A_1942, %broadcast_in_dim3A_1924] : memref<32x128xf32, #tpu.memory_space<vmem>>[vector<16xi32>, vector<16xi32>], vector<16xf32>,
      %add3A_1949 = arith.constant 16 : i32
      %add3A_1950 = vector.broadcast %add3A_1949 : i32 to vector<16xi32>
      %add3A_1951 = arith.addi %add3A_1950, %iota3A : vector<16xi32>
      tpu.vector_store_idx %arg7[%add3A_1951, %broadcast_in_dim3A_1927], %gather3A_1948 : memref<32x512xf32, #tpu.memory_space<vmem>>[vector<16xi32>, vector<16xi32>], vector<16xf32>,
      %slice3A_1952 = vector.extract_strided_slice %shift_left3A_991 {offsets = [15], sizes = [1], strides = [1]} : vector<16xi32> to vector<1xi32>
      %squeeze3A_1953 = vector.extract %slice3A_1952[0] : i32 from vector<1xi32>
      %multiple_of3A_1954 = tpu.assume_multiple %squeeze3A_1953, 128 : i32
      %dma_start3A_1955 = arith.constant 15 : i32
      %dma_start3A_1956 = arith.constant 0 : i32
      %dma_start3A_1957 = arith.constant 0 : i32
      %dma_start3A_1958 = tpu.memref_slice %arg6[%dma_start3A_1955, %dma_start3A_1956, %dma_start3A_1957] : memref<16x32x128xf32, #tpu.memory_space<vmem>> -> memref<1x32x128xf32, #tpu.memory_space<vmem>>
      %dma_start3A_1959 = tpu.memref_squeeze %dma_start3A_1958 : memref<1x32x128xf32, #tpu.memory_space<vmem>> -> memref<32x128xf32, #tpu.memory_space<vmem>>
      %dma_start3A_1960 = arith.constant 0 : i32
      %dma_start3A_1961 = tpu.memref_slice %arg2[%dma_start3A_1960, %multiple_of3A_1954] : memref<32x1000000xf32, #tpu.memory_space<hbm>> -> memref<32x128xf32, #tpu.memory_space<hbm>>
      %dma_start3A_1962 = arith.constant 0 : i32
      %dma_start3A_1963 = arith.constant 0 : i32
      %dma_start3A_1964 = tpu.memref_slice %arg6[%dma_start3A_1955, %dma_start3A_1962, %dma_start3A_1963] : memref<16x32x128xf32, #tpu.memory_space<vmem>> -> memref<1x32x128xf32, #tpu.memory_space<vmem>>
      %dma_start3A_1965 = tpu.memref_squeeze %dma_start3A_1964 : memref<1x32x128xf32, #tpu.memory_space<vmem>> -> memref<32x128xf32, #tpu.memory_space<vmem>>
      %dma_start3A_1966 = arith.constant 0 : i32
      %dma_start3A_1967 = tpu.memref_slice %arg2[%dma_start3A_1966, %multiple_of3A_1954] : memref<32x1000000xf32, #tpu.memory_space<hbm>> -> memref<32x128xf32, #tpu.memory_space<hbm>>
      tpu.enqueue_dma source(%dma_start3A_1967 : memref<32x128xf32, #tpu.memory_space<hbm>>) target(%dma_start3A_1965 : memref<32x128xf32, #tpu.memory_space<vmem>>) target_semaphore(%arg23 : memref<!tpu.dma_semaphore, #tpu.memory_space<semaphore_mem>>)
    }
    %scan3A_263 = arith.constant 31 : i32
    %get3A_264 = arith.constant 496 : index
    %get3A_265 = tpu.vector_load %arg5[%get3A_264] {strides = array<i32>} : memref<512xi32, #tpu.memory_space<vmem>>, vector<16xi32>,
    %and3A = arith.constant 127 : i32
    %and3A_266 = vector.broadcast %and3A : i32 to vector<16xi32>
    %and3A_267 = arith.andi %get3A_265, %and3A_266 : vector<16xi32>
    %dma_wait3A = arith.constant 0 : i32
    %dma_wait3A_268 = arith.constant 0 : i32
    %dma_wait3A_269 = arith.constant 0 : i32
    %dma_wait3A_270 = tpu.memref_slice %arg6[%dma_wait3A, %dma_wait3A_268, %dma_wait3A_269] : memref<16x32x128xf32, #tpu.memory_space<vmem>> -> memref<1x32x128xf32, #tpu.memory_space<vmem>>
    %dma_wait3A_271 = tpu.memref_squeeze %dma_wait3A_270 : memref<1x32x128xf32, #tpu.memory_space<vmem>> -> memref<32x128xf32, #tpu.memory_space<vmem>>
    %dma_wait3A_272 = arith.constant 0 : i32
    %dma_wait3A_273 = arith.constant 0 : i32
    %dma_wait3A_274 = tpu.memref_slice %arg2[%dma_wait3A_272, %dma_wait3A_273] : memref<32x1000000xf32, #tpu.memory_space<hbm>> -> memref<32x128xf32, #tpu.memory_space<hbm>>
    %dma_wait3A_275 = arith.constant 0 : i32
    %dma_wait3A_276 = arith.constant 0 : i32
    %dma_wait3A_277 = tpu.memref_slice %arg6[%dma_wait3A, %dma_wait3A_275, %dma_wait3A_276] : memref<16x32x128xf32, #tpu.memory_space<vmem>> -> memref<1x32x128xf32, #tpu.memory_space<vmem>>
    %dma_wait3A_278 = tpu.memref_squeeze %dma_wait3A_277 : memref<1x32x128xf32, #tpu.memory_space<vmem>> -> memref<32x128xf32, #tpu.memory_space<vmem>>
    %dma_wait3A_279 = arith.constant 0 : i32
    %dma_wait3A_280 = arith.constant 0 : i32
    %dma_wait3A_281 = tpu.memref_slice %arg2[%dma_wait3A_279, %dma_wait3A_280] : memref<32x1000000xf32, #tpu.memory_space<hbm>> -> memref<32x128xf32, #tpu.memory_space<hbm>>
    tpu.wait_dma2 semaphore(%arg8 : memref<!tpu.dma_semaphore, #tpu.memory_space<semaphore_mem>>) src(%dma_wait3A_281 : memref<32x128xf32, #tpu.memory_space<hbm>>) dst(%dma_wait3A_278 : memref<32x128xf32, #tpu.memory_space<vmem>>)
    %slice3A_282 = vector.extract_strided_slice %and3A_267 {offsets = [0], sizes = [1], strides = [1]} : vector<16xi32> to vector<1xi32>
    %squeeze3A_283 = vector.extract %slice3A_282[0] : i32 from vector<1xi32>
    %broadcast_in_dim3A = vector.broadcast %squeeze3A_283 : i32 to vector<16xi32>
    %broadcast_in_dim3A_284 = arith.constant 496 : i32
    %broadcast_in_dim3A_285 = vector.broadcast %broadcast_in_dim3A_284 : i32 to vector<16xi32>
    %add3A_286 = arith.constant 0 : i32
    %add3A_287 = vector.broadcast %add3A_286 : i32 to vector<16xi32>
    %add3A_288 = arith.addi %add3A_287, %iota3A : vector<16xi32>
    %gather3A = arith.constant 0 : i32
    %gather3A_289 = arith.constant 0 : i32
    %gather3A_290 = arith.constant 0 : i32
    %gather3A_291 = tpu.memref_slice %arg6[%gather3A, %gather3A_289, %gather3A_290] : memref<16x32x128xf32, #tpu.memory_space<vmem>> -> memref<1x32x128xf32, #tpu.memory_space<vmem>>
    %gather3A_292 = tpu.memref_squeeze %gather3A_291 : memref<1x32x128xf32, #tpu.memory_space<vmem>> -> memref<32x128xf32, #tpu.memory_space<vmem>>
    %gather3A_293 = tpu.vector_load_idx %gather3A_292[%add3A_288, %broadcast_in_dim3A] : memref<32x128xf32, #tpu.memory_space<vmem>>[vector<16xi32>, vector<16xi32>], vector<16xf32>,
    %add3A_294 = arith.constant 0 : i32
    %add3A_295 = vector.broadcast %add3A_294 : i32 to vector<16xi32>
    %add3A_296 = arith.addi %add3A_295, %iota3A : vector<16xi32>
    tpu.vector_store_idx %arg7[%add3A_296, %broadcast_in_dim3A_285], %gather3A_293 : memref<32x512xf32, #tpu.memory_space<vmem>>[vector<16xi32>, vector<16xi32>], vector<16xf32>,
    %add3A_297 = arith.constant 16 : i32
    %add3A_298 = vector.broadcast %add3A_297 : i32 to vector<16xi32>
    %add3A_299 = arith.addi %add3A_298, %iota3A : vector<16xi32>
    %gather3A_300 = arith.constant 0 : i32
    %gather3A_301 = arith.constant 0 : i32
    %gather3A_302 = arith.constant 0 : i32
    %gather3A_303 = tpu.memref_slice %arg6[%gather3A_300, %gather3A_301, %gather3A_302] : memref<16x32x128xf32, #tpu.memory_space<vmem>> -> memref<1x32x128xf32, #tpu.memory_space<vmem>>
    %gather3A_304 = tpu.memref_squeeze %gather3A_303 : memref<1x32x128xf32, #tpu.memory_space<vmem>> -> memref<32x128xf32, #tpu.memory_space<vmem>>
    %gather3A_305 = tpu.vector_load_idx %gather3A_304[%add3A_299, %broadcast_in_dim3A] : memref<32x128xf32, #tpu.memory_space<vmem>>[vector<16xi32>, vector<16xi32>], vector<16xf32>,
    %add3A_306 = arith.constant 16 : i32
    %add3A_307 = vector.broadcast %add3A_306 : i32 to vector<16xi32>
    %add3A_308 = arith.addi %add3A_307, %iota3A : vector<16xi32>
    tpu.vector_store_idx %arg7[%add3A_308, %broadcast_in_dim3A_285], %gather3A_305 : memref<32x512xf32, #tpu.memory_space<vmem>>[vector<16xi32>, vector<16xi32>], vector<16xf32>,
    %dma_wait3A_309 = arith.constant 1 : i32
    %dma_wait3A_310 = arith.constant 0 : i32
    %dma_wait3A_311 = arith.constant 0 : i32
    %dma_wait3A_312 = tpu.memref_slice %arg6[%dma_wait3A_309, %dma_wait3A_310, %dma_wait3A_311] : memref<16x32x128xf32, #tpu.memory_space<vmem>> -> memref<1x32x128xf32, #tpu.memory_space<vmem>>
    %dma_wait3A_313 = tpu.memref_squeeze %dma_wait3A_312 : memref<1x32x128xf32, #tpu.memory_space<vmem>> -> memref<32x128xf32, #tpu.memory_space<vmem>>
    %dma_wait3A_314 = arith.constant 0 : i32
    %dma_wait3A_315 = arith.constant 0 : i32
    %dma_wait3A_316 = tpu.memref_slice %arg2[%dma_wait3A_314, %dma_wait3A_315] : memref<32x1000000xf32, #tpu.memory_space<hbm>> -> memref<32x128xf32, #tpu.memory_space<hbm>>
    %dma_wait3A_317 = arith.constant 0 : i32
    %dma_wait3A_318 = arith.constant 0 : i32
    %dma_wait3A_319 = tpu.memref_slice %arg6[%dma_wait3A_309, %dma_wait3A_317, %dma_wait3A_318] : memref<16x32x128xf32, #tpu.memory_space<vmem>> -> memref<1x32x128xf32, #tpu.memory_space<vmem>>
    %dma_wait3A_320 = tpu.memref_squeeze %dma_wait3A_319 : memref<1x32x128xf32, #tpu.memory_space<vmem>> -> memref<32x128xf32, #tpu.memory_space<vmem>>
    %dma_wait3A_321 = arith.constant 0 : i32
    %dma_wait3A_322 = arith.constant 0 : i32
    %dma_wait3A_323 = tpu.memref_slice %arg2[%dma_wait3A_321, %dma_wait3A_322] : memref<32x1000000xf32, #tpu.memory_space<hbm>> -> memref<32x128xf32, #tpu.memory_space<hbm>>
    tpu.wait_dma2 semaphore(%arg9 : memref<!tpu.dma_semaphore, #tpu.memory_space<semaphore_mem>>) src(%dma_wait3A_323 : memref<32x128xf32, #tpu.memory_space<hbm>>) dst(%dma_wait3A_320 : memref<32x128xf32, #tpu.memory_space<vmem>>)
    %slice3A_324 = vector.extract_strided_slice %and3A_267 {offsets = [1], sizes = [1], strides = [1]} : vector<16xi32> to vector<1xi32>
    %squeeze3A_325 = vector.extract %slice3A_324[0] : i32 from vector<1xi32>
    %broadcast_in_dim3A_326 = vector.broadcast %squeeze3A_325 : i32 to vector<16xi32>
    %broadcast_in_dim3A_327 = arith.constant 497 : i32
    %broadcast_in_dim3A_328 = vector.broadcast %broadcast_in_dim3A_327 : i32 to vector<16xi32>
    %add3A_329 = arith.constant 0 : i32
    %add3A_330 = vector.broadcast %add3A_329 : i32 to vector<16xi32>
    %add3A_331 = arith.addi %add3A_330, %iota3A : vector<16xi32>
    %gather3A_332 = arith.constant 1 : i32
    %gather3A_333 = arith.constant 0 : i32
    %gather3A_334 = arith.constant 0 : i32
    %gather3A_335 = tpu.memref_slice %arg6[%gather3A_332, %gather3A_333, %gather3A_334] : memref<16x32x128xf32, #tpu.memory_space<vmem>> -> memref<1x32x128xf32, #tpu.memory_space<vmem>>
    %gather3A_336 = tpu.memref_squeeze %gather3A_335 : memref<1x32x128xf32, #tpu.memory_space<vmem>> -> memref<32x128xf32, #tpu.memory_space<vmem>>
    %gather3A_337 = tpu.vector_load_idx %gather3A_336[%add3A_331, %broadcast_in_dim3A_326] : memref<32x128xf32, #tpu.memory_space<vmem>>[vector<16xi32>, vector<16xi32>], vector<16xf32>,
    %add3A_338 = arith.constant 0 : i32
    %add3A_339 = vector.broadcast %add3A_338 : i32 to vector<16xi32>
    %add3A_340 = arith.addi %add3A_339, %iota3A : vector<16xi32>
    tpu.vector_store_idx %arg7[%add3A_340, %broadcast_in_dim3A_328], %gather3A_337 : memref<32x512xf32, #tpu.memory_space<vmem>>[vector<16xi32>, vector<16xi32>], vector<16xf32>,
    %add3A_341 = arith.constant 16 : i32
    %add3A_342 = vector.broadcast %add3A_341 : i32 to vector<16xi32>
    %add3A_343 = arith.addi %add3A_342, %iota3A : vector<16xi32>
    %gather3A_344 = arith.constant 1 : i32
    %gather3A_345 = arith.constant 0 : i32
    %gather3A_346 = arith.constant 0 : i32
    %gather3A_347 = tpu.memref_slice %arg6[%gather3A_344, %gather3A_345, %gather3A_346] : memref<16x32x128xf32, #tpu.memory_space<vmem>> -> memref<1x32x128xf32, #tpu.memory_space<vmem>>
    %gather3A_348 = tpu.memref_squeeze %gather3A_347 : memref<1x32x128xf32, #tpu.memory_space<vmem>> -> memref<32x128xf32, #tpu.memory_space<vmem>>
    %gather3A_349 = tpu.vector_load_idx %gather3A_348[%add3A_343, %broadcast_in_dim3A_326] : memref<32x128xf32, #tpu.memory_space<vmem>>[vector<16xi32>, vector<16xi32>], vector<16xf32>,
    %add3A_350 = arith.constant 16 : i32
    %add3A_351 = vector.broadcast %add3A_350 : i32 to vector<16xi32>
    %add3A_352 = arith.addi %add3A_351, %iota3A : vector<16xi32>
    tpu.vector_store_idx %arg7[%add3A_352, %broadcast_in_dim3A_328], %gather3A_349 : memref<32x512xf32, #tpu.memory_space<vmem>>[vector<16xi32>, vector<16xi32>], vector<16xf32>,
    %dma_wait3A_353 = arith.constant 2 : i32
    %dma_wait3A_354 = arith.constant 0 : i32
    %dma_wait3A_355 = arith.constant 0 : i32
    %dma_wait3A_356 = tpu.memref_slice %arg6[%dma_wait3A_353, %dma_wait3A_354, %dma_wait3A_355] : memref<16x32x128xf32, #tpu.memory_space<vmem>> -> memref<1x32x128xf32, #tpu.memory_space<vmem>>
    %dma_wait3A_357 = tpu.memref_squeeze %dma_wait3A_356 : memref<1x32x128xf32, #tpu.memory_space<vmem>> -> memref<32x128xf32, #tpu.memory_space<vmem>>
    %dma_wait3A_358 = arith.constant 0 : i32
    %dma_wait3A_359 = arith.constant 0 : i32
    %dma_wait3A_360 = tpu.memref_slice %arg2[%dma_wait3A_358, %dma_wait3A_359] : memref<32x1000000xf32, #tpu.memory_space<hbm>> -> memref<32x128xf32, #tpu.memory_space<hbm>>
    %dma_wait3A_361 = arith.constant 0 : i32
    %dma_wait3A_362 = arith.constant 0 : i32
    %dma_wait3A_363 = tpu.memref_slice %arg6[%dma_wait3A_353, %dma_wait3A_361, %dma_wait3A_362] : memref<16x32x128xf32, #tpu.memory_space<vmem>> -> memref<1x32x128xf32, #tpu.memory_space<vmem>>
    %dma_wait3A_364 = tpu.memref_squeeze %dma_wait3A_363 : memref<1x32x128xf32, #tpu.memory_space<vmem>> -> memref<32x128xf32, #tpu.memory_space<vmem>>
    %dma_wait3A_365 = arith.constant 0 : i32
    %dma_wait3A_366 = arith.constant 0 : i32
    %dma_wait3A_367 = tpu.memref_slice %arg2[%dma_wait3A_365, %dma_wait3A_366] : memref<32x1000000xf32, #tpu.memory_space<hbm>> -> memref<32x128xf32, #tpu.memory_space<hbm>>
    tpu.wait_dma2 semaphore(%arg10 : memref<!tpu.dma_semaphore, #tpu.memory_space<semaphore_mem>>) src(%dma_wait3A_367 : memref<32x128xf32, #tpu.memory_space<hbm>>) dst(%dma_wait3A_364 : memref<32x128xf32, #tpu.memory_space<vmem>>)
    %slice3A_368 = vector.extract_strided_slice %and3A_267 {offsets = [2], sizes = [1], strides = [1]} : vector<16xi32> to vector<1xi32>
    %squeeze3A_369 = vector.extract %slice3A_368[0] : i32 from vector<1xi32>
    %broadcast_in_dim3A_370 = vector.broadcast %squeeze3A_369 : i32 to vector<16xi32>
    %broadcast_in_dim3A_371 = arith.constant 498 : i32
    %broadcast_in_dim3A_372 = vector.broadcast %broadcast_in_dim3A_371 : i32 to vector<16xi32>
    %add3A_373 = arith.constant 0 : i32
    %add3A_374 = vector.broadcast %add3A_373 : i32 to vector<16xi32>
    %add3A_375 = arith.addi %add3A_374, %iota3A : vector<16xi32>
    %gather3A_376 = arith.constant 2 : i32
    %gather3A_377 = arith.constant 0 : i32
    %gather3A_378 = arith.constant 0 : i32
    %gather3A_379 = tpu.memref_slice %arg6[%gather3A_376, %gather3A_377, %gather3A_378] : memref<16x32x128xf32, #tpu.memory_space<vmem>> -> memref<1x32x128xf32, #tpu.memory_space<vmem>>
    %gather3A_380 = tpu.memref_squeeze %gather3A_379 : memref<1x32x128xf32, #tpu.memory_space<vmem>> -> memref<32x128xf32, #tpu.memory_space<vmem>>
    %gather3A_381 = tpu.vector_load_idx %gather3A_380[%add3A_375, %broadcast_in_dim3A_370] : memref<32x128xf32, #tpu.memory_space<vmem>>[vector<16xi32>, vector<16xi32>], vector<16xf32>,
    %add3A_382 = arith.constant 0 : i32
    %add3A_383 = vector.broadcast %add3A_382 : i32 to vector<16xi32>
    %add3A_384 = arith.addi %add3A_383, %iota3A : vector<16xi32>
    tpu.vector_store_idx %arg7[%add3A_384, %broadcast_in_dim3A_372], %gather3A_381 : memref<32x512xf32, #tpu.memory_space<vmem>>[vector<16xi32>, vector<16xi32>], vector<16xf32>,
    %add3A_385 = arith.constant 16 : i32
    %add3A_386 = vector.broadcast %add3A_385 : i32 to vector<16xi32>
    %add3A_387 = arith.addi %add3A_386, %iota3A : vector<16xi32>
    %gather3A_388 = arith.constant 2 : i32
    %gather3A_389 = arith.constant 0 : i32
    %gather3A_390 = arith.constant 0 : i32
    %gather3A_391 = tpu.memref_slice %arg6[%gather3A_388, %gather3A_389, %gather3A_390] : memref<16x32x128xf32, #tpu.memory_space<vmem>> -> memref<1x32x128xf32, #tpu.memory_space<vmem>>
    %gather3A_392 = tpu.memref_squeeze %gather3A_391 : memref<1x32x128xf32, #tpu.memory_space<vmem>> -> memref<32x128xf32, #tpu.memory_space<vmem>>
    %gather3A_393 = tpu.vector_load_idx %gather3A_392[%add3A_387, %broadcast_in_dim3A_370] : memref<32x128xf32, #tpu.memory_space<vmem>>[vector<16xi32>, vector<16xi32>], vector<16xf32>,
    %add3A_394 = arith.constant 16 : i32
    %add3A_395 = vector.broadcast %add3A_394 : i32 to vector<16xi32>
    %add3A_396 = arith.addi %add3A_395, %iota3A : vector<16xi32>
    tpu.vector_store_idx %arg7[%add3A_396, %broadcast_in_dim3A_372], %gather3A_393 : memref<32x512xf32, #tpu.memory_space<vmem>>[vector<16xi32>, vector<16xi32>], vector<16xf32>,
    %dma_wait3A_397 = arith.constant 3 : i32
    %dma_wait3A_398 = arith.constant 0 : i32
    %dma_wait3A_399 = arith.constant 0 : i32
    %dma_wait3A_400 = tpu.memref_slice %arg6[%dma_wait3A_397, %dma_wait3A_398, %dma_wait3A_399] : memref<16x32x128xf32, #tpu.memory_space<vmem>> -> memref<1x32x128xf32, #tpu.memory_space<vmem>>
    %dma_wait3A_401 = tpu.memref_squeeze %dma_wait3A_400 : memref<1x32x128xf32, #tpu.memory_space<vmem>> -> memref<32x128xf32, #tpu.memory_space<vmem>>
    %dma_wait3A_402 = arith.constant 0 : i32
    %dma_wait3A_403 = arith.constant 0 : i32
    %dma_wait3A_404 = tpu.memref_slice %arg2[%dma_wait3A_402, %dma_wait3A_403] : memref<32x1000000xf32, #tpu.memory_space<hbm>> -> memref<32x128xf32, #tpu.memory_space<hbm>>
    %dma_wait3A_405 = arith.constant 0 : i32
    %dma_wait3A_406 = arith.constant 0 : i32
    %dma_wait3A_407 = tpu.memref_slice %arg6[%dma_wait3A_397, %dma_wait3A_405, %dma_wait3A_406] : memref<16x32x128xf32, #tpu.memory_space<vmem>> -> memref<1x32x128xf32, #tpu.memory_space<vmem>>
    %dma_wait3A_408 = tpu.memref_squeeze %dma_wait3A_407 : memref<1x32x128xf32, #tpu.memory_space<vmem>> -> memref<32x128xf32, #tpu.memory_space<vmem>>
    %dma_wait3A_409 = arith.constant 0 : i32
    %dma_wait3A_410 = arith.constant 0 : i32
    %dma_wait3A_411 = tpu.memref_slice %arg2[%dma_wait3A_409, %dma_wait3A_410] : memref<32x1000000xf32, #tpu.memory_space<hbm>> -> memref<32x128xf32, #tpu.memory_space<hbm>>
    tpu.wait_dma2 semaphore(%arg11 : memref<!tpu.dma_semaphore, #tpu.memory_space<semaphore_mem>>) src(%dma_wait3A_411 : memref<32x128xf32, #tpu.memory_space<hbm>>) dst(%dma_wait3A_408 : memref<32x128xf32, #tpu.memory_space<vmem>>)
    %slice3A_412 = vector.extract_strided_slice %and3A_267 {offsets = [3], sizes = [1], strides = [1]} : vector<16xi32> to vector<1xi32>
    %squeeze3A_413 = vector.extract %slice3A_412[0] : i32 from vector<1xi32>
    %broadcast_in_dim3A_414 = vector.broadcast %squeeze3A_413 : i32 to vector<16xi32>
    %broadcast_in_dim3A_415 = arith.constant 499 : i32
    %broadcast_in_dim3A_416 = vector.broadcast %broadcast_in_dim3A_415 : i32 to vector<16xi32>
    %add3A_417 = arith.constant 0 : i32
    %add3A_418 = vector.broadcast %add3A_417 : i32 to vector<16xi32>
    %add3A_419 = arith.addi %add3A_418, %iota3A : vector<16xi32>
    %gather3A_420 = arith.constant 3 : i32
    %gather3A_421 = arith.constant 0 : i32
    %gather3A_422 = arith.constant 0 : i32
    %gather3A_423 = tpu.memref_slice %arg6[%gather3A_420, %gather3A_421, %gather3A_422] : memref<16x32x128xf32, #tpu.memory_space<vmem>> -> memref<1x32x128xf32, #tpu.memory_space<vmem>>
    %gather3A_424 = tpu.memref_squeeze %gather3A_423 : memref<1x32x128xf32, #tpu.memory_space<vmem>> -> memref<32x128xf32, #tpu.memory_space<vmem>>
    %gather3A_425 = tpu.vector_load_idx %gather3A_424[%add3A_419, %broadcast_in_dim3A_414] : memref<32x128xf32, #tpu.memory_space<vmem>>[vector<16xi32>, vector<16xi32>], vector<16xf32>,
    %add3A_426 = arith.constant 0 : i32
    %add3A_427 = vector.broadcast %add3A_426 : i32 to vector<16xi32>
    %add3A_428 = arith.addi %add3A_427, %iota3A : vector<16xi32>
    tpu.vector_store_idx %arg7[%add3A_428, %broadcast_in_dim3A_416], %gather3A_425 : memref<32x512xf32, #tpu.memory_space<vmem>>[vector<16xi32>, vector<16xi32>], vector<16xf32>,
    %add3A_429 = arith.constant 16 : i32
    %add3A_430 = vector.broadcast %add3A_429 : i32 to vector<16xi32>
    %add3A_431 = arith.addi %add3A_430, %iota3A : vector<16xi32>
    %gather3A_432 = arith.constant 3 : i32
    %gather3A_433 = arith.constant 0 : i32
    %gather3A_434 = arith.constant 0 : i32
    %gather3A_435 = tpu.memref_slice %arg6[%gather3A_432, %gather3A_433, %gather3A_434] : memref<16x32x128xf32, #tpu.memory_space<vmem>> -> memref<1x32x128xf32, #tpu.memory_space<vmem>>
    %gather3A_436 = tpu.memref_squeeze %gather3A_435 : memref<1x32x128xf32, #tpu.memory_space<vmem>> -> memref<32x128xf32, #tpu.memory_space<vmem>>
    %gather3A_437 = tpu.vector_load_idx %gather3A_436[%add3A_431, %broadcast_in_dim3A_414] : memref<32x128xf32, #tpu.memory_space<vmem>>[vector<16xi32>, vector<16xi32>], vector<16xf32>,
    %add3A_438 = arith.constant 16 : i32
    %add3A_439 = vector.broadcast %add3A_438 : i32 to vector<16xi32>
    %add3A_440 = arith.addi %add3A_439, %iota3A : vector<16xi32>
    tpu.vector_store_idx %arg7[%add3A_440, %broadcast_in_dim3A_416], %gather3A_437 : memref<32x512xf32, #tpu.memory_space<vmem>>[vector<16xi32>, vector<16xi32>], vector<16xf32>,
    %dma_wait3A_441 = arith.constant 4 : i32
    %dma_wait3A_442 = arith.constant 0 : i32
    %dma_wait3A_443 = arith.constant 0 : i32
    %dma_wait3A_444 = tpu.memref_slice %arg6[%dma_wait3A_441, %dma_wait3A_442, %dma_wait3A_443] : memref<16x32x128xf32, #tpu.memory_space<vmem>> -> memref<1x32x128xf32, #tpu.memory_space<vmem>>
    %dma_wait3A_445 = tpu.memref_squeeze %dma_wait3A_444 : memref<1x32x128xf32, #tpu.memory_space<vmem>> -> memref<32x128xf32, #tpu.memory_space<vmem>>
    %dma_wait3A_446 = arith.constant 0 : i32
    %dma_wait3A_447 = arith.constant 0 : i32
    %dma_wait3A_448 = tpu.memref_slice %arg2[%dma_wait3A_446, %dma_wait3A_447] : memref<32x1000000xf32, #tpu.memory_space<hbm>> -> memref<32x128xf32, #tpu.memory_space<hbm>>
    %dma_wait3A_449 = arith.constant 0 : i32
    %dma_wait3A_450 = arith.constant 0 : i32
    %dma_wait3A_451 = tpu.memref_slice %arg6[%dma_wait3A_441, %dma_wait3A_449, %dma_wait3A_450] : memref<16x32x128xf32, #tpu.memory_space<vmem>> -> memref<1x32x128xf32, #tpu.memory_space<vmem>>
    %dma_wait3A_452 = tpu.memref_squeeze %dma_wait3A_451 : memref<1x32x128xf32, #tpu.memory_space<vmem>> -> memref<32x128xf32, #tpu.memory_space<vmem>>
    %dma_wait3A_453 = arith.constant 0 : i32
    %dma_wait3A_454 = arith.constant 0 : i32
    %dma_wait3A_455 = tpu.memref_slice %arg2[%dma_wait3A_453, %dma_wait3A_454] : memref<32x1000000xf32, #tpu.memory_space<hbm>> -> memref<32x128xf32, #tpu.memory_space<hbm>>
    tpu.wait_dma2 semaphore(%arg12 : memref<!tpu.dma_semaphore, #tpu.memory_space<semaphore_mem>>) src(%dma_wait3A_455 : memref<32x128xf32, #tpu.memory_space<hbm>>) dst(%dma_wait3A_452 : memref<32x128xf32, #tpu.memory_space<vmem>>)
    %slice3A_456 = vector.extract_strided_slice %and3A_267 {offsets = [4], sizes = [1], strides = [1]} : vector<16xi32> to vector<1xi32>
    %squeeze3A_457 = vector.extract %slice3A_456[0] : i32 from vector<1xi32>
    %broadcast_in_dim3A_458 = vector.broadcast %squeeze3A_457 : i32 to vector<16xi32>
    %broadcast_in_dim3A_459 = arith.constant 500 : i32
    %broadcast_in_dim3A_460 = vector.broadcast %broadcast_in_dim3A_459 : i32 to vector<16xi32>
    %add3A_461 = arith.constant 0 : i32
    %add3A_462 = vector.broadcast %add3A_461 : i32 to vector<16xi32>
    %add3A_463 = arith.addi %add3A_462, %iota3A : vector<16xi32>
    %gather3A_464 = arith.constant 4 : i32
    %gather3A_465 = arith.constant 0 : i32
    %gather3A_466 = arith.constant 0 : i32
    %gather3A_467 = tpu.memref_slice %arg6[%gather3A_464, %gather3A_465, %gather3A_466] : memref<16x32x128xf32, #tpu.memory_space<vmem>> -> memref<1x32x128xf32, #tpu.memory_space<vmem>>
    %gather3A_468 = tpu.memref_squeeze %gather3A_467 : memref<1x32x128xf32, #tpu.memory_space<vmem>> -> memref<32x128xf32, #tpu.memory_space<vmem>>
    %gather3A_469 = tpu.vector_load_idx %gather3A_468[%add3A_463, %broadcast_in_dim3A_458] : memref<32x128xf32, #tpu.memory_space<vmem>>[vector<16xi32>, vector<16xi32>], vector<16xf32>,
    %add3A_470 = arith.constant 0 : i32
    %add3A_471 = vector.broadcast %add3A_470 : i32 to vector<16xi32>
    %add3A_472 = arith.addi %add3A_471, %iota3A : vector<16xi32>
    tpu.vector_store_idx %arg7[%add3A_472, %broadcast_in_dim3A_460], %gather3A_469 : memref<32x512xf32, #tpu.memory_space<vmem>>[vector<16xi32>, vector<16xi32>], vector<16xf32>,
    %add3A_473 = arith.constant 16 : i32
    %add3A_474 = vector.broadcast %add3A_473 : i32 to vector<16xi32>
    %add3A_475 = arith.addi %add3A_474, %iota3A : vector<16xi32>
    %gather3A_476 = arith.constant 4 : i32
    %gather3A_477 = arith.constant 0 : i32
    %gather3A_478 = arith.constant 0 : i32
    %gather3A_479 = tpu.memref_slice %arg6[%gather3A_476, %gather3A_477, %gather3A_478] : memref<16x32x128xf32, #tpu.memory_space<vmem>> -> memref<1x32x128xf32, #tpu.memory_space<vmem>>
    %gather3A_480 = tpu.memref_squeeze %gather3A_479 : memref<1x32x128xf32, #tpu.memory_space<vmem>> -> memref<32x128xf32, #tpu.memory_space<vmem>>
    %gather3A_481 = tpu.vector_load_idx %gather3A_480[%add3A_475, %broadcast_in_dim3A_458] : memref<32x128xf32, #tpu.memory_space<vmem>>[vector<16xi32>, vector<16xi32>], vector<16xf32>,
    %add3A_482 = arith.constant 16 : i32
    %add3A_483 = vector.broadcast %add3A_482 : i32 to vector<16xi32>
    %add3A_484 = arith.addi %add3A_483, %iota3A : vector<16xi32>
    tpu.vector_store_idx %arg7[%add3A_484, %broadcast_in_dim3A_460], %gather3A_481 : memref<32x512xf32, #tpu.memory_space<vmem>>[vector<16xi32>, vector<16xi32>], vector<16xf32>,
    %dma_wait3A_485 = arith.constant 5 : i32
    %dma_wait3A_486 = arith.constant 0 : i32
    %dma_wait3A_487 = arith.constant 0 : i32
    %dma_wait3A_488 = tpu.memref_slice %arg6[%dma_wait3A_485, %dma_wait3A_486, %dma_wait3A_487] : memref<16x32x128xf32, #tpu.memory_space<vmem>> -> memref<1x32x128xf32, #tpu.memory_space<vmem>>
    %dma_wait3A_489 = tpu.memref_squeeze %dma_wait3A_488 : memref<1x32x128xf32, #tpu.memory_space<vmem>> -> memref<32x128xf32, #tpu.memory_space<vmem>>
    %dma_wait3A_490 = arith.constant 0 : i32
    %dma_wait3A_491 = arith.constant 0 : i32
    %dma_wait3A_492 = tpu.memref_slice %arg2[%dma_wait3A_490, %dma_wait3A_491] : memref<32x1000000xf32, #tpu.memory_space<hbm>> -> memref<32x128xf32, #tpu.memory_space<hbm>>
    %dma_wait3A_493 = arith.constant 0 : i32
    %dma_wait3A_494 = arith.constant 0 : i32
    %dma_wait3A_495 = tpu.memref_slice %arg6[%dma_wait3A_485, %dma_wait3A_493, %dma_wait3A_494] : memref<16x32x128xf32, #tpu.memory_space<vmem>> -> memref<1x32x128xf32, #tpu.memory_space<vmem>>
    %dma_wait3A_496 = tpu.memref_squeeze %dma_wait3A_495 : memref<1x32x128xf32, #tpu.memory_space<vmem>> -> memref<32x128xf32, #tpu.memory_space<vmem>>
    %dma_wait3A_497 = arith.constant 0 : i32
    %dma_wait3A_498 = arith.constant 0 : i32
    %dma_wait3A_499 = tpu.memref_slice %arg2[%dma_wait3A_497, %dma_wait3A_498] : memref<32x1000000xf32, #tpu.memory_space<hbm>> -> memref<32x128xf32, #tpu.memory_space<hbm>>
    tpu.wait_dma2 semaphore(%arg13 : memref<!tpu.dma_semaphore, #tpu.memory_space<semaphore_mem>>) src(%dma_wait3A_499 : memref<32x128xf32, #tpu.memory_space<hbm>>) dst(%dma_wait3A_496 : memref<32x128xf32, #tpu.memory_space<vmem>>)
    %slice3A_500 = vector.extract_strided_slice %and3A_267 {offsets = [5], sizes = [1], strides = [1]} : vector<16xi32> to vector<1xi32>
    %squeeze3A_501 = vector.extract %slice3A_500[0] : i32 from vector<1xi32>
    %broadcast_in_dim3A_502 = vector.broadcast %squeeze3A_501 : i32 to vector<16xi32>
    %broadcast_in_dim3A_503 = arith.constant 501 : i32
    %broadcast_in_dim3A_504 = vector.broadcast %broadcast_in_dim3A_503 : i32 to vector<16xi32>
    %add3A_505 = arith.constant 0 : i32
    %add3A_506 = vector.broadcast %add3A_505 : i32 to vector<16xi32>
    %add3A_507 = arith.addi %add3A_506, %iota3A : vector<16xi32>
    %gather3A_508 = arith.constant 5 : i32
    %gather3A_509 = arith.constant 0 : i32
    %gather3A_510 = arith.constant 0 : i32
    %gather3A_511 = tpu.memref_slice %arg6[%gather3A_508, %gather3A_509, %gather3A_510] : memref<16x32x128xf32, #tpu.memory_space<vmem>> -> memref<1x32x128xf32, #tpu.memory_space<vmem>>
    %gather3A_512 = tpu.memref_squeeze %gather3A_511 : memref<1x32x128xf32, #tpu.memory_space<vmem>> -> memref<32x128xf32, #tpu.memory_space<vmem>>
    %gather3A_513 = tpu.vector_load_idx %gather3A_512[%add3A_507, %broadcast_in_dim3A_502] : memref<32x128xf32, #tpu.memory_space<vmem>>[vector<16xi32>, vector<16xi32>], vector<16xf32>,
    %add3A_514 = arith.constant 0 : i32
    %add3A_515 = vector.broadcast %add3A_514 : i32 to vector<16xi32>
    %add3A_516 = arith.addi %add3A_515, %iota3A : vector<16xi32>
    tpu.vector_store_idx %arg7[%add3A_516, %broadcast_in_dim3A_504], %gather3A_513 : memref<32x512xf32, #tpu.memory_space<vmem>>[vector<16xi32>, vector<16xi32>], vector<16xf32>,
    %add3A_517 = arith.constant 16 : i32
    %add3A_518 = vector.broadcast %add3A_517 : i32 to vector<16xi32>
    %add3A_519 = arith.addi %add3A_518, %iota3A : vector<16xi32>
    %gather3A_520 = arith.constant 5 : i32
    %gather3A_521 = arith.constant 0 : i32
    %gather3A_522 = arith.constant 0 : i32
    %gather3A_523 = tpu.memref_slice %arg6[%gather3A_520, %gather3A_521, %gather3A_522] : memref<16x32x128xf32, #tpu.memory_space<vmem>> -> memref<1x32x128xf32, #tpu.memory_space<vmem>>
    %gather3A_524 = tpu.memref_squeeze %gather3A_523 : memref<1x32x128xf32, #tpu.memory_space<vmem>> -> memref<32x128xf32, #tpu.memory_space<vmem>>
    %gather3A_525 = tpu.vector_load_idx %gather3A_524[%add3A_519, %broadcast_in_dim3A_502] : memref<32x128xf32, #tpu.memory_space<vmem>>[vector<16xi32>, vector<16xi32>], vector<16xf32>,
    %add3A_526 = arith.constant 16 : i32
    %add3A_527 = vector.broadcast %add3A_526 : i32 to vector<16xi32>
    %add3A_528 = arith.addi %add3A_527, %iota3A : vector<16xi32>
    tpu.vector_store_idx %arg7[%add3A_528, %broadcast_in_dim3A_504], %gather3A_525 : memref<32x512xf32, #tpu.memory_space<vmem>>[vector<16xi32>, vector<16xi32>], vector<16xf32>,
    %dma_wait3A_529 = arith.constant 6 : i32
    %dma_wait3A_530 = arith.constant 0 : i32
    %dma_wait3A_531 = arith.constant 0 : i32
    %dma_wait3A_532 = tpu.memref_slice %arg6[%dma_wait3A_529, %dma_wait3A_530, %dma_wait3A_531] : memref<16x32x128xf32, #tpu.memory_space<vmem>> -> memref<1x32x128xf32, #tpu.memory_space<vmem>>
    %dma_wait3A_533 = tpu.memref_squeeze %dma_wait3A_532 : memref<1x32x128xf32, #tpu.memory_space<vmem>> -> memref<32x128xf32, #tpu.memory_space<vmem>>
    %dma_wait3A_534 = arith.constant 0 : i32
    %dma_wait3A_535 = arith.constant 0 : i32
    %dma_wait3A_536 = tpu.memref_slice %arg2[%dma_wait3A_534, %dma_wait3A_535] : memref<32x1000000xf32, #tpu.memory_space<hbm>> -> memref<32x128xf32, #tpu.memory_space<hbm>>
    %dma_wait3A_537 = arith.constant 0 : i32
    %dma_wait3A_538 = arith.constant 0 : i32
    %dma_wait3A_539 = tpu.memref_slice %arg6[%dma_wait3A_529, %dma_wait3A_537, %dma_wait3A_538] : memref<16x32x128xf32, #tpu.memory_space<vmem>> -> memref<1x32x128xf32, #tpu.memory_space<vmem>>
    %dma_wait3A_540 = tpu.memref_squeeze %dma_wait3A_539 : memref<1x32x128xf32, #tpu.memory_space<vmem>> -> memref<32x128xf32, #tpu.memory_space<vmem>>
    %dma_wait3A_541 = arith.constant 0 : i32
    %dma_wait3A_542 = arith.constant 0 : i32
    %dma_wait3A_543 = tpu.memref_slice %arg2[%dma_wait3A_541, %dma_wait3A_542] : memref<32x1000000xf32, #tpu.memory_space<hbm>> -> memref<32x128xf32, #tpu.memory_space<hbm>>
    tpu.wait_dma2 semaphore(%arg14 : memref<!tpu.dma_semaphore, #tpu.memory_space<semaphore_mem>>) src(%dma_wait3A_543 : memref<32x128xf32, #tpu.memory_space<hbm>>) dst(%dma_wait3A_540 : memref<32x128xf32, #tpu.memory_space<vmem>>)
    %slice3A_544 = vector.extract_strided_slice %and3A_267 {offsets = [6], sizes = [1], strides = [1]} : vector<16xi32> to vector<1xi32>
    %squeeze3A_545 = vector.extract %slice3A_544[0] : i32 from vector<1xi32>
    %broadcast_in_dim3A_546 = vector.broadcast %squeeze3A_545 : i32 to vector<16xi32>
    %broadcast_in_dim3A_547 = arith.constant 502 : i32
    %broadcast_in_dim3A_548 = vector.broadcast %broadcast_in_dim3A_547 : i32 to vector<16xi32>
    %add3A_549 = arith.constant 0 : i32
    %add3A_550 = vector.broadcast %add3A_549 : i32 to vector<16xi32>
    %add3A_551 = arith.addi %add3A_550, %iota3A : vector<16xi32>
    %gather3A_552 = arith.constant 6 : i32
    %gather3A_553 = arith.constant 0 : i32
    %gather3A_554 = arith.constant 0 : i32
    %gather3A_555 = tpu.memref_slice %arg6[%gather3A_552, %gather3A_553, %gather3A_554] : memref<16x32x128xf32, #tpu.memory_space<vmem>> -> memref<1x32x128xf32, #tpu.memory_space<vmem>>
    %gather3A_556 = tpu.memref_squeeze %gather3A_555 : memref<1x32x128xf32, #tpu.memory_space<vmem>> -> memref<32x128xf32, #tpu.memory_space<vmem>>
    %gather3A_557 = tpu.vector_load_idx %gather3A_556[%add3A_551, %broadcast_in_dim3A_546] : memref<32x128xf32, #tpu.memory_space<vmem>>[vector<16xi32>, vector<16xi32>], vector<16xf32>,
    %add3A_558 = arith.constant 0 : i32
    %add3A_559 = vector.broadcast %add3A_558 : i32 to vector<16xi32>
    %add3A_560 = arith.addi %add3A_559, %iota3A : vector<16xi32>
    tpu.vector_store_idx %arg7[%add3A_560, %broadcast_in_dim3A_548], %gather3A_557 : memref<32x512xf32, #tpu.memory_space<vmem>>[vector<16xi32>, vector<16xi32>], vector<16xf32>,
    %add3A_561 = arith.constant 16 : i32
    %add3A_562 = vector.broadcast %add3A_561 : i32 to vector<16xi32>
    %add3A_563 = arith.addi %add3A_562, %iota3A : vector<16xi32>
    %gather3A_564 = arith.constant 6 : i32
    %gather3A_565 = arith.constant 0 : i32
    %gather3A_566 = arith.constant 0 : i32
    %gather3A_567 = tpu.memref_slice %arg6[%gather3A_564, %gather3A_565, %gather3A_566] : memref<16x32x128xf32, #tpu.memory_space<vmem>> -> memref<1x32x128xf32, #tpu.memory_space<vmem>>
    %gather3A_568 = tpu.memref_squeeze %gather3A_567 : memref<1x32x128xf32, #tpu.memory_space<vmem>> -> memref<32x128xf32, #tpu.memory_space<vmem>>
    %gather3A_569 = tpu.vector_load_idx %gather3A_568[%add3A_563, %broadcast_in_dim3A_546] : memref<32x128xf32, #tpu.memory_space<vmem>>[vector<16xi32>, vector<16xi32>], vector<16xf32>,
    %add3A_570 = arith.constant 16 : i32
    %add3A_571 = vector.broadcast %add3A_570 : i32 to vector<16xi32>
    %add3A_572 = arith.addi %add3A_571, %iota3A : vector<16xi32>
    tpu.vector_store_idx %arg7[%add3A_572, %broadcast_in_dim3A_548], %gather3A_569 : memref<32x512xf32, #tpu.memory_space<vmem>>[vector<16xi32>, vector<16xi32>], vector<16xf32>,
    %dma_wait3A_573 = arith.constant 7 : i32
    %dma_wait3A_574 = arith.constant 0 : i32
    %dma_wait3A_575 = arith.constant 0 : i32
    %dma_wait3A_576 = tpu.memref_slice %arg6[%dma_wait3A_573, %dma_wait3A_574, %dma_wait3A_575] : memref<16x32x128xf32, #tpu.memory_space<vmem>> -> memref<1x32x128xf32, #tpu.memory_space<vmem>>
    %dma_wait3A_577 = tpu.memref_squeeze %dma_wait3A_576 : memref<1x32x128xf32, #tpu.memory_space<vmem>> -> memref<32x128xf32, #tpu.memory_space<vmem>>
    %dma_wait3A_578 = arith.constant 0 : i32
    %dma_wait3A_579 = arith.constant 0 : i32
    %dma_wait3A_580 = tpu.memref_slice %arg2[%dma_wait3A_578, %dma_wait3A_579] : memref<32x1000000xf32, #tpu.memory_space<hbm>> -> memref<32x128xf32, #tpu.memory_space<hbm>>
    %dma_wait3A_581 = arith.constant 0 : i32
    %dma_wait3A_582 = arith.constant 0 : i32
    %dma_wait3A_583 = tpu.memref_slice %arg6[%dma_wait3A_573, %dma_wait3A_581, %dma_wait3A_582] : memref<16x32x128xf32, #tpu.memory_space<vmem>> -> memref<1x32x128xf32, #tpu.memory_space<vmem>>
    %dma_wait3A_584 = tpu.memref_squeeze %dma_wait3A_583 : memref<1x32x128xf32, #tpu.memory_space<vmem>> -> memref<32x128xf32, #tpu.memory_space<vmem>>
    %dma_wait3A_585 = arith.constant 0 : i32
    %dma_wait3A_586 = arith.constant 0 : i32
    %dma_wait3A_587 = tpu.memref_slice %arg2[%dma_wait3A_585, %dma_wait3A_586] : memref<32x1000000xf32, #tpu.memory_space<hbm>> -> memref<32x128xf32, #tpu.memory_space<hbm>>
    tpu.wait_dma2 semaphore(%arg15 : memref<!tpu.dma_semaphore, #tpu.memory_space<semaphore_mem>>) src(%dma_wait3A_587 : memref<32x128xf32, #tpu.memory_space<hbm>>) dst(%dma_wait3A_584 : memref<32x128xf32, #tpu.memory_space<vmem>>)
    %slice3A_588 = vector.extract_strided_slice %and3A_267 {offsets = [7], sizes = [1], strides = [1]} : vector<16xi32> to vector<1xi32>
    %squeeze3A_589 = vector.extract %slice3A_588[0] : i32 from vector<1xi32>
    %broadcast_in_dim3A_590 = vector.broadcast %squeeze3A_589 : i32 to vector<16xi32>
    %broadcast_in_dim3A_591 = arith.constant 503 : i32
    %broadcast_in_dim3A_592 = vector.broadcast %broadcast_in_dim3A_591 : i32 to vector<16xi32>
    %add3A_593 = arith.constant 0 : i32
    %add3A_594 = vector.broadcast %add3A_593 : i32 to vector<16xi32>
    %add3A_595 = arith.addi %add3A_594, %iota3A : vector<16xi32>
    %gather3A_596 = arith.constant 7 : i32
    %gather3A_597 = arith.constant 0 : i32
    %gather3A_598 = arith.constant 0 : i32
    %gather3A_599 = tpu.memref_slice %arg6[%gather3A_596, %gather3A_597, %gather3A_598] : memref<16x32x128xf32, #tpu.memory_space<vmem>> -> memref<1x32x128xf32, #tpu.memory_space<vmem>>
    %gather3A_600 = tpu.memref_squeeze %gather3A_599 : memref<1x32x128xf32, #tpu.memory_space<vmem>> -> memref<32x128xf32, #tpu.memory_space<vmem>>
    %gather3A_601 = tpu.vector_load_idx %gather3A_600[%add3A_595, %broadcast_in_dim3A_590] : memref<32x128xf32, #tpu.memory_space<vmem>>[vector<16xi32>, vector<16xi32>], vector<16xf32>,
    %add3A_602 = arith.constant 0 : i32
    %add3A_603 = vector.broadcast %add3A_602 : i32 to vector<16xi32>
    %add3A_604 = arith.addi %add3A_603, %iota3A : vector<16xi32>
    tpu.vector_store_idx %arg7[%add3A_604, %broadcast_in_dim3A_592], %gather3A_601 : memref<32x512xf32, #tpu.memory_space<vmem>>[vector<16xi32>, vector<16xi32>], vector<16xf32>,
    %add3A_605 = arith.constant 16 : i32
    %add3A_606 = vector.broadcast %add3A_605 : i32 to vector<16xi32>
    %add3A_607 = arith.addi %add3A_606, %iota3A : vector<16xi32>
    %gather3A_608 = arith.constant 7 : i32
    %gather3A_609 = arith.constant 0 : i32
    %gather3A_610 = arith.constant 0 : i32
    %gather3A_611 = tpu.memref_slice %arg6[%gather3A_608, %gather3A_609, %gather3A_610] : memref<16x32x128xf32, #tpu.memory_space<vmem>> -> memref<1x32x128xf32, #tpu.memory_space<vmem>>
    %gather3A_612 = tpu.memref_squeeze %gather3A_611 : memref<1x32x128xf32, #tpu.memory_space<vmem>> -> memref<32x128xf32, #tpu.memory_space<vmem>>
    %gather3A_613 = tpu.vector_load_idx %gather3A_612[%add3A_607, %broadcast_in_dim3A_590] : memref<32x128xf32, #tpu.memory_space<vmem>>[vector<16xi32>, vector<16xi32>], vector<16xf32>,
    %add3A_614 = arith.constant 16 : i32
    %add3A_615 = vector.broadcast %add3A_614 : i32 to vector<16xi32>
    %add3A_616 = arith.addi %add3A_615, %iota3A : vector<16xi32>
    tpu.vector_store_idx %arg7[%add3A_616, %broadcast_in_dim3A_592], %gather3A_613 : memref<32x512xf32, #tpu.memory_space<vmem>>[vector<16xi32>, vector<16xi32>], vector<16xf32>,
    %dma_wait3A_617 = arith.constant 8 : i32
    %dma_wait3A_618 = arith.constant 0 : i32
    %dma_wait3A_619 = arith.constant 0 : i32
    %dma_wait3A_620 = tpu.memref_slice %arg6[%dma_wait3A_617, %dma_wait3A_618, %dma_wait3A_619] : memref<16x32x128xf32, #tpu.memory_space<vmem>> -> memref<1x32x128xf32, #tpu.memory_space<vmem>>
    %dma_wait3A_621 = tpu.memref_squeeze %dma_wait3A_620 : memref<1x32x128xf32, #tpu.memory_space<vmem>> -> memref<32x128xf32, #tpu.memory_space<vmem>>
    %dma_wait3A_622 = arith.constant 0 : i32
    %dma_wait3A_623 = arith.constant 0 : i32
    %dma_wait3A_624 = tpu.memref_slice %arg2[%dma_wait3A_622, %dma_wait3A_623] : memref<32x1000000xf32, #tpu.memory_space<hbm>> -> memref<32x128xf32, #tpu.memory_space<hbm>>
    %dma_wait3A_625 = arith.constant 0 : i32
    %dma_wait3A_626 = arith.constant 0 : i32
    %dma_wait3A_627 = tpu.memref_slice %arg6[%dma_wait3A_617, %dma_wait3A_625, %dma_wait3A_626] : memref<16x32x128xf32, #tpu.memory_space<vmem>> -> memref<1x32x128xf32, #tpu.memory_space<vmem>>
    %dma_wait3A_628 = tpu.memref_squeeze %dma_wait3A_627 : memref<1x32x128xf32, #tpu.memory_space<vmem>> -> memref<32x128xf32, #tpu.memory_space<vmem>>
    %dma_wait3A_629 = arith.constant 0 : i32
    %dma_wait3A_630 = arith.constant 0 : i32
    %dma_wait3A_631 = tpu.memref_slice %arg2[%dma_wait3A_629, %dma_wait3A_630] : memref<32x1000000xf32, #tpu.memory_space<hbm>> -> memref<32x128xf32, #tpu.memory_space<hbm>>
    tpu.wait_dma2 semaphore(%arg16 : memref<!tpu.dma_semaphore, #tpu.memory_space<semaphore_mem>>) src(%dma_wait3A_631 : memref<32x128xf32, #tpu.memory_space<hbm>>) dst(%dma_wait3A_628 : memref<32x128xf32, #tpu.memory_space<vmem>>)
    %slice3A_632 = vector.extract_strided_slice %and3A_267 {offsets = [8], sizes = [1], strides = [1]} : vector<16xi32> to vector<1xi32>
    %squeeze3A_633 = vector.extract %slice3A_632[0] : i32 from vector<1xi32>
    %broadcast_in_dim3A_634 = vector.broadcast %squeeze3A_633 : i32 to vector<16xi32>
    %broadcast_in_dim3A_635 = arith.constant 504 : i32
    %broadcast_in_dim3A_636 = vector.broadcast %broadcast_in_dim3A_635 : i32 to vector<16xi32>
    %add3A_637 = arith.constant 0 : i32
    %add3A_638 = vector.broadcast %add3A_637 : i32 to vector<16xi32>
    %add3A_639 = arith.addi %add3A_638, %iota3A : vector<16xi32>
    %gather3A_640 = arith.constant 8 : i32
    %gather3A_641 = arith.constant 0 : i32
    %gather3A_642 = arith.constant 0 : i32
    %gather3A_643 = tpu.memref_slice %arg6[%gather3A_640, %gather3A_641, %gather3A_642] : memref<16x32x128xf32, #tpu.memory_space<vmem>> -> memref<1x32x128xf32, #tpu.memory_space<vmem>>
    %gather3A_644 = tpu.memref_squeeze %gather3A_643 : memref<1x32x128xf32, #tpu.memory_space<vmem>> -> memref<32x128xf32, #tpu.memory_space<vmem>>
    %gather3A_645 = tpu.vector_load_idx %gather3A_644[%add3A_639, %broadcast_in_dim3A_634] : memref<32x128xf32, #tpu.memory_space<vmem>>[vector<16xi32>, vector<16xi32>], vector<16xf32>,
    %add3A_646 = arith.constant 0 : i32
    %add3A_647 = vector.broadcast %add3A_646 : i32 to vector<16xi32>
    %add3A_648 = arith.addi %add3A_647, %iota3A : vector<16xi32>
    tpu.vector_store_idx %arg7[%add3A_648, %broadcast_in_dim3A_636], %gather3A_645 : memref<32x512xf32, #tpu.memory_space<vmem>>[vector<16xi32>, vector<16xi32>], vector<16xf32>,
    %add3A_649 = arith.constant 16 : i32
    %add3A_650 = vector.broadcast %add3A_649 : i32 to vector<16xi32>
    %add3A_651 = arith.addi %add3A_650, %iota3A : vector<16xi32>
    %gather3A_652 = arith.constant 8 : i32
    %gather3A_653 = arith.constant 0 : i32
    %gather3A_654 = arith.constant 0 : i32
    %gather3A_655 = tpu.memref_slice %arg6[%gather3A_652, %gather3A_653, %gather3A_654] : memref<16x32x128xf32, #tpu.memory_space<vmem>> -> memref<1x32x128xf32, #tpu.memory_space<vmem>>
    %gather3A_656 = tpu.memref_squeeze %gather3A_655 : memref<1x32x128xf32, #tpu.memory_space<vmem>> -> memref<32x128xf32, #tpu.memory_space<vmem>>
    %gather3A_657 = tpu.vector_load_idx %gather3A_656[%add3A_651, %broadcast_in_dim3A_634] : memref<32x128xf32, #tpu.memory_space<vmem>>[vector<16xi32>, vector<16xi32>], vector<16xf32>,
    %add3A_658 = arith.constant 16 : i32
    %add3A_659 = vector.broadcast %add3A_658 : i32 to vector<16xi32>
    %add3A_660 = arith.addi %add3A_659, %iota3A : vector<16xi32>
    tpu.vector_store_idx %arg7[%add3A_660, %broadcast_in_dim3A_636], %gather3A_657 : memref<32x512xf32, #tpu.memory_space<vmem>>[vector<16xi32>, vector<16xi32>], vector<16xf32>,
    %dma_wait3A_661 = arith.constant 9 : i32
    %dma_wait3A_662 = arith.constant 0 : i32
    %dma_wait3A_663 = arith.constant 0 : i32
    %dma_wait3A_664 = tpu.memref_slice %arg6[%dma_wait3A_661, %dma_wait3A_662, %dma_wait3A_663] : memref<16x32x128xf32, #tpu.memory_space<vmem>> -> memref<1x32x128xf32, #tpu.memory_space<vmem>>
    %dma_wait3A_665 = tpu.memref_squeeze %dma_wait3A_664 : memref<1x32x128xf32, #tpu.memory_space<vmem>> -> memref<32x128xf32, #tpu.memory_space<vmem>>
    %dma_wait3A_666 = arith.constant 0 : i32
    %dma_wait3A_667 = arith.constant 0 : i32
    %dma_wait3A_668 = tpu.memref_slice %arg2[%dma_wait3A_666, %dma_wait3A_667] : memref<32x1000000xf32, #tpu.memory_space<hbm>> -> memref<32x128xf32, #tpu.memory_space<hbm>>
    %dma_wait3A_669 = arith.constant 0 : i32
    %dma_wait3A_670 = arith.constant 0 : i32
    %dma_wait3A_671 = tpu.memref_slice %arg6[%dma_wait3A_661, %dma_wait3A_669, %dma_wait3A_670] : memref<16x32x128xf32, #tpu.memory_space<vmem>> -> memref<1x32x128xf32, #tpu.memory_space<vmem>>
    %dma_wait3A_672 = tpu.memref_squeeze %dma_wait3A_671 : memref<1x32x128xf32, #tpu.memory_space<vmem>> -> memref<32x128xf32, #tpu.memory_space<vmem>>
    %dma_wait3A_673 = arith.constant 0 : i32
    %dma_wait3A_674 = arith.constant 0 : i32
    %dma_wait3A_675 = tpu.memref_slice %arg2[%dma_wait3A_673, %dma_wait3A_674] : memref<32x1000000xf32, #tpu.memory_space<hbm>> -> memref<32x128xf32, #tpu.memory_space<hbm>>
    tpu.wait_dma2 semaphore(%arg17 : memref<!tpu.dma_semaphore, #tpu.memory_space<semaphore_mem>>) src(%dma_wait3A_675 : memref<32x128xf32, #tpu.memory_space<hbm>>) dst(%dma_wait3A_672 : memref<32x128xf32, #tpu.memory_space<vmem>>)
    %slice3A_676 = vector.extract_strided_slice %and3A_267 {offsets = [9], sizes = [1], strides = [1]} : vector<16xi32> to vector<1xi32>
    %squeeze3A_677 = vector.extract %slice3A_676[0] : i32 from vector<1xi32>
    %broadcast_in_dim3A_678 = vector.broadcast %squeeze3A_677 : i32 to vector<16xi32>
    %broadcast_in_dim3A_679 = arith.constant 505 : i32
    %broadcast_in_dim3A_680 = vector.broadcast %broadcast_in_dim3A_679 : i32 to vector<16xi32>
    %add3A_681 = arith.constant 0 : i32
    %add3A_682 = vector.broadcast %add3A_681 : i32 to vector<16xi32>
    %add3A_683 = arith.addi %add3A_682, %iota3A : vector<16xi32>
    %gather3A_684 = arith.constant 9 : i32
    %gather3A_685 = arith.constant 0 : i32
    %gather3A_686 = arith.constant 0 : i32
    %gather3A_687 = tpu.memref_slice %arg6[%gather3A_684, %gather3A_685, %gather3A_686] : memref<16x32x128xf32, #tpu.memory_space<vmem>> -> memref<1x32x128xf32, #tpu.memory_space<vmem>>
    %gather3A_688 = tpu.memref_squeeze %gather3A_687 : memref<1x32x128xf32, #tpu.memory_space<vmem>> -> memref<32x128xf32, #tpu.memory_space<vmem>>
    %gather3A_689 = tpu.vector_load_idx %gather3A_688[%add3A_683, %broadcast_in_dim3A_678] : memref<32x128xf32, #tpu.memory_space<vmem>>[vector<16xi32>, vector<16xi32>], vector<16xf32>,
    %add3A_690 = arith.constant 0 : i32
    %add3A_691 = vector.broadcast %add3A_690 : i32 to vector<16xi32>
    %add3A_692 = arith.addi %add3A_691, %iota3A : vector<16xi32>
    tpu.vector_store_idx %arg7[%add3A_692, %broadcast_in_dim3A_680], %gather3A_689 : memref<32x512xf32, #tpu.memory_space<vmem>>[vector<16xi32>, vector<16xi32>], vector<16xf32>,
    %add3A_693 = arith.constant 16 : i32
    %add3A_694 = vector.broadcast %add3A_693 : i32 to vector<16xi32>
    %add3A_695 = arith.addi %add3A_694, %iota3A : vector<16xi32>
    %gather3A_696 = arith.constant 9 : i32
    %gather3A_697 = arith.constant 0 : i32
    %gather3A_698 = arith.constant 0 : i32
    %gather3A_699 = tpu.memref_slice %arg6[%gather3A_696, %gather3A_697, %gather3A_698] : memref<16x32x128xf32, #tpu.memory_space<vmem>> -> memref<1x32x128xf32, #tpu.memory_space<vmem>>
    %gather3A_700 = tpu.memref_squeeze %gather3A_699 : memref<1x32x128xf32, #tpu.memory_space<vmem>> -> memref<32x128xf32, #tpu.memory_space<vmem>>
    %gather3A_701 = tpu.vector_load_idx %gather3A_700[%add3A_695, %broadcast_in_dim3A_678] : memref<32x128xf32, #tpu.memory_space<vmem>>[vector<16xi32>, vector<16xi32>], vector<16xf32>,
    %add3A_702 = arith.constant 16 : i32
    %add3A_703 = vector.broadcast %add3A_702 : i32 to vector<16xi32>
    %add3A_704 = arith.addi %add3A_703, %iota3A : vector<16xi32>
    tpu.vector_store_idx %arg7[%add3A_704, %broadcast_in_dim3A_680], %gather3A_701 : memref<32x512xf32, #tpu.memory_space<vmem>>[vector<16xi32>, vector<16xi32>], vector<16xf32>,
    %dma_wait3A_705 = arith.constant 10 : i32
    %dma_wait3A_706 = arith.constant 0 : i32
    %dma_wait3A_707 = arith.constant 0 : i32
    %dma_wait3A_708 = tpu.memref_slice %arg6[%dma_wait3A_705, %dma_wait3A_706, %dma_wait3A_707] : memref<16x32x128xf32, #tpu.memory_space<vmem>> -> memref<1x32x128xf32, #tpu.memory_space<vmem>>
    %dma_wait3A_709 = tpu.memref_squeeze %dma_wait3A_708 : memref<1x32x128xf32, #tpu.memory_space<vmem>> -> memref<32x128xf32, #tpu.memory_space<vmem>>
    %dma_wait3A_710 = arith.constant 0 : i32
    %dma_wait3A_711 = arith.constant 0 : i32
    %dma_wait3A_712 = tpu.memref_slice %arg2[%dma_wait3A_710, %dma_wait3A_711] : memref<32x1000000xf32, #tpu.memory_space<hbm>> -> memref<32x128xf32, #tpu.memory_space<hbm>>
    %dma_wait3A_713 = arith.constant 0 : i32
    %dma_wait3A_714 = arith.constant 0 : i32
    %dma_wait3A_715 = tpu.memref_slice %arg6[%dma_wait3A_705, %dma_wait3A_713, %dma_wait3A_714] : memref<16x32x128xf32, #tpu.memory_space<vmem>> -> memref<1x32x128xf32, #tpu.memory_space<vmem>>
    %dma_wait3A_716 = tpu.memref_squeeze %dma_wait3A_715 : memref<1x32x128xf32, #tpu.memory_space<vmem>> -> memref<32x128xf32, #tpu.memory_space<vmem>>
    %dma_wait3A_717 = arith.constant 0 : i32
    %dma_wait3A_718 = arith.constant 0 : i32
    %dma_wait3A_719 = tpu.memref_slice %arg2[%dma_wait3A_717, %dma_wait3A_718] : memref<32x1000000xf32, #tpu.memory_space<hbm>> -> memref<32x128xf32, #tpu.memory_space<hbm>>
    tpu.wait_dma2 semaphore(%arg18 : memref<!tpu.dma_semaphore, #tpu.memory_space<semaphore_mem>>) src(%dma_wait3A_719 : memref<32x128xf32, #tpu.memory_space<hbm>>) dst(%dma_wait3A_716 : memref<32x128xf32, #tpu.memory_space<vmem>>)
    %slice3A_720 = vector.extract_strided_slice %and3A_267 {offsets = [10], sizes = [1], strides = [1]} : vector<16xi32> to vector<1xi32>
    %squeeze3A_721 = vector.extract %slice3A_720[0] : i32 from vector<1xi32>
    %broadcast_in_dim3A_722 = vector.broadcast %squeeze3A_721 : i32 to vector<16xi32>
    %broadcast_in_dim3A_723 = arith.constant 506 : i32
    %broadcast_in_dim3A_724 = vector.broadcast %broadcast_in_dim3A_723 : i32 to vector<16xi32>
    %add3A_725 = arith.constant 0 : i32
    %add3A_726 = vector.broadcast %add3A_725 : i32 to vector<16xi32>
    %add3A_727 = arith.addi %add3A_726, %iota3A : vector<16xi32>
    %gather3A_728 = arith.constant 10 : i32
    %gather3A_729 = arith.constant 0 : i32
    %gather3A_730 = arith.constant 0 : i32
    %gather3A_731 = tpu.memref_slice %arg6[%gather3A_728, %gather3A_729, %gather3A_730] : memref<16x32x128xf32, #tpu.memory_space<vmem>> -> memref<1x32x128xf32, #tpu.memory_space<vmem>>
    %gather3A_732 = tpu.memref_squeeze %gather3A_731 : memref<1x32x128xf32, #tpu.memory_space<vmem>> -> memref<32x128xf32, #tpu.memory_space<vmem>>
    %gather3A_733 = tpu.vector_load_idx %gather3A_732[%add3A_727, %broadcast_in_dim3A_722] : memref<32x128xf32, #tpu.memory_space<vmem>>[vector<16xi32>, vector<16xi32>], vector<16xf32>,
    %add3A_734 = arith.constant 0 : i32
    %add3A_735 = vector.broadcast %add3A_734 : i32 to vector<16xi32>
    %add3A_736 = arith.addi %add3A_735, %iota3A : vector<16xi32>
    tpu.vector_store_idx %arg7[%add3A_736, %broadcast_in_dim3A_724], %gather3A_733 : memref<32x512xf32, #tpu.memory_space<vmem>>[vector<16xi32>, vector<16xi32>], vector<16xf32>,
    %add3A_737 = arith.constant 16 : i32
    %add3A_738 = vector.broadcast %add3A_737 : i32 to vector<16xi32>
    %add3A_739 = arith.addi %add3A_738, %iota3A : vector<16xi32>
    %gather3A_740 = arith.constant 10 : i32
    %gather3A_741 = arith.constant 0 : i32
    %gather3A_742 = arith.constant 0 : i32
    %gather3A_743 = tpu.memref_slice %arg6[%gather3A_740, %gather3A_741, %gather3A_742] : memref<16x32x128xf32, #tpu.memory_space<vmem>> -> memref<1x32x128xf32, #tpu.memory_space<vmem>>
    %gather3A_744 = tpu.memref_squeeze %gather3A_743 : memref<1x32x128xf32, #tpu.memory_space<vmem>> -> memref<32x128xf32, #tpu.memory_space<vmem>>
    %gather3A_745 = tpu.vector_load_idx %gather3A_744[%add3A_739, %broadcast_in_dim3A_722] : memref<32x128xf32, #tpu.memory_space<vmem>>[vector<16xi32>, vector<16xi32>], vector<16xf32>,
    %add3A_746 = arith.constant 16 : i32
    %add3A_747 = vector.broadcast %add3A_746 : i32 to vector<16xi32>
    %add3A_748 = arith.addi %add3A_747, %iota3A : vector<16xi32>
    tpu.vector_store_idx %arg7[%add3A_748, %broadcast_in_dim3A_724], %gather3A_745 : memref<32x512xf32, #tpu.memory_space<vmem>>[vector<16xi32>, vector<16xi32>], vector<16xf32>,
    %dma_wait3A_749 = arith.constant 11 : i32
    %dma_wait3A_750 = arith.constant 0 : i32
    %dma_wait3A_751 = arith.constant 0 : i32
    %dma_wait3A_752 = tpu.memref_slice %arg6[%dma_wait3A_749, %dma_wait3A_750, %dma_wait3A_751] : memref<16x32x128xf32, #tpu.memory_space<vmem>> -> memref<1x32x128xf32, #tpu.memory_space<vmem>>
    %dma_wait3A_753 = tpu.memref_squeeze %dma_wait3A_752 : memref<1x32x128xf32, #tpu.memory_space<vmem>> -> memref<32x128xf32, #tpu.memory_space<vmem>>
    %dma_wait3A_754 = arith.constant 0 : i32
    %dma_wait3A_755 = arith.constant 0 : i32
    %dma_wait3A_756 = tpu.memref_slice %arg2[%dma_wait3A_754, %dma_wait3A_755] : memref<32x1000000xf32, #tpu.memory_space<hbm>> -> memref<32x128xf32, #tpu.memory_space<hbm>>
    %dma_wait3A_757 = arith.constant 0 : i32
    %dma_wait3A_758 = arith.constant 0 : i32
    %dma_wait3A_759 = tpu.memref_slice %arg6[%dma_wait3A_749, %dma_wait3A_757, %dma_wait3A_758] : memref<16x32x128xf32, #tpu.memory_space<vmem>> -> memref<1x32x128xf32, #tpu.memory_space<vmem>>
    %dma_wait3A_760 = tpu.memref_squeeze %dma_wait3A_759 : memref<1x32x128xf32, #tpu.memory_space<vmem>> -> memref<32x128xf32, #tpu.memory_space<vmem>>
    %dma_wait3A_761 = arith.constant 0 : i32
    %dma_wait3A_762 = arith.constant 0 : i32
    %dma_wait3A_763 = tpu.memref_slice %arg2[%dma_wait3A_761, %dma_wait3A_762] : memref<32x1000000xf32, #tpu.memory_space<hbm>> -> memref<32x128xf32, #tpu.memory_space<hbm>>
    tpu.wait_dma2 semaphore(%arg19 : memref<!tpu.dma_semaphore, #tpu.memory_space<semaphore_mem>>) src(%dma_wait3A_763 : memref<32x128xf32, #tpu.memory_space<hbm>>) dst(%dma_wait3A_760 : memref<32x128xf32, #tpu.memory_space<vmem>>)
    %slice3A_764 = vector.extract_strided_slice %and3A_267 {offsets = [11], sizes = [1], strides = [1]} : vector<16xi32> to vector<1xi32>
    %squeeze3A_765 = vector.extract %slice3A_764[0] : i32 from vector<1xi32>
    %broadcast_in_dim3A_766 = vector.broadcast %squeeze3A_765 : i32 to vector<16xi32>
    %broadcast_in_dim3A_767 = arith.constant 507 : i32
    %broadcast_in_dim3A_768 = vector.broadcast %broadcast_in_dim3A_767 : i32 to vector<16xi32>
    %add3A_769 = arith.constant 0 : i32
    %add3A_770 = vector.broadcast %add3A_769 : i32 to vector<16xi32>
    %add3A_771 = arith.addi %add3A_770, %iota3A : vector<16xi32>
    %gather3A_772 = arith.constant 11 : i32
    %gather3A_773 = arith.constant 0 : i32
    %gather3A_774 = arith.constant 0 : i32
    %gather3A_775 = tpu.memref_slice %arg6[%gather3A_772, %gather3A_773, %gather3A_774] : memref<16x32x128xf32, #tpu.memory_space<vmem>> -> memref<1x32x128xf32, #tpu.memory_space<vmem>>
    %gather3A_776 = tpu.memref_squeeze %gather3A_775 : memref<1x32x128xf32, #tpu.memory_space<vmem>> -> memref<32x128xf32, #tpu.memory_space<vmem>>
    %gather3A_777 = tpu.vector_load_idx %gather3A_776[%add3A_771, %broadcast_in_dim3A_766] : memref<32x128xf32, #tpu.memory_space<vmem>>[vector<16xi32>, vector<16xi32>], vector<16xf32>,
    %add3A_778 = arith.constant 0 : i32
    %add3A_779 = vector.broadcast %add3A_778 : i32 to vector<16xi32>
    %add3A_780 = arith.addi %add3A_779, %iota3A : vector<16xi32>
    tpu.vector_store_idx %arg7[%add3A_780, %broadcast_in_dim3A_768], %gather3A_777 : memref<32x512xf32, #tpu.memory_space<vmem>>[vector<16xi32>, vector<16xi32>], vector<16xf32>,
    %add3A_781 = arith.constant 16 : i32
    %add3A_782 = vector.broadcast %add3A_781 : i32 to vector<16xi32>
    %add3A_783 = arith.addi %add3A_782, %iota3A : vector<16xi32>
    %gather3A_784 = arith.constant 11 : i32
    %gather3A_785 = arith.constant 0 : i32
    %gather3A_786 = arith.constant 0 : i32
    %gather3A_787 = tpu.memref_slice %arg6[%gather3A_784, %gather3A_785, %gather3A_786] : memref<16x32x128xf32, #tpu.memory_space<vmem>> -> memref<1x32x128xf32, #tpu.memory_space<vmem>>
    %gather3A_788 = tpu.memref_squeeze %gather3A_787 : memref<1x32x128xf32, #tpu.memory_space<vmem>> -> memref<32x128xf32, #tpu.memory_space<vmem>>
    %gather3A_789 = tpu.vector_load_idx %gather3A_788[%add3A_783, %broadcast_in_dim3A_766] : memref<32x128xf32, #tpu.memory_space<vmem>>[vector<16xi32>, vector<16xi32>], vector<16xf32>,
    %add3A_790 = arith.constant 16 : i32
    %add3A_791 = vector.broadcast %add3A_790 : i32 to vector<16xi32>
    %add3A_792 = arith.addi %add3A_791, %iota3A : vector<16xi32>
    tpu.vector_store_idx %arg7[%add3A_792, %broadcast_in_dim3A_768], %gather3A_789 : memref<32x512xf32, #tpu.memory_space<vmem>>[vector<16xi32>, vector<16xi32>], vector<16xf32>,
    %dma_wait3A_793 = arith.constant 12 : i32
    %dma_wait3A_794 = arith.constant 0 : i32
    %dma_wait3A_795 = arith.constant 0 : i32
    %dma_wait3A_796 = tpu.memref_slice %arg6[%dma_wait3A_793, %dma_wait3A_794, %dma_wait3A_795] : memref<16x32x128xf32, #tpu.memory_space<vmem>> -> memref<1x32x128xf32, #tpu.memory_space<vmem>>
    %dma_wait3A_797 = tpu.memref_squeeze %dma_wait3A_796 : memref<1x32x128xf32, #tpu.memory_space<vmem>> -> memref<32x128xf32, #tpu.memory_space<vmem>>
    %dma_wait3A_798 = arith.constant 0 : i32
    %dma_wait3A_799 = arith.constant 0 : i32
    %dma_wait3A_800 = tpu.memref_slice %arg2[%dma_wait3A_798, %dma_wait3A_799] : memref<32x1000000xf32, #tpu.memory_space<hbm>> -> memref<32x128xf32, #tpu.memory_space<hbm>>
    %dma_wait3A_801 = arith.constant 0 : i32
    %dma_wait3A_802 = arith.constant 0 : i32
    %dma_wait3A_803 = tpu.memref_slice %arg6[%dma_wait3A_793, %dma_wait3A_801, %dma_wait3A_802] : memref<16x32x128xf32, #tpu.memory_space<vmem>> -> memref<1x32x128xf32, #tpu.memory_space<vmem>>
    %dma_wait3A_804 = tpu.memref_squeeze %dma_wait3A_803 : memref<1x32x128xf32, #tpu.memory_space<vmem>> -> memref<32x128xf32, #tpu.memory_space<vmem>>
    %dma_wait3A_805 = arith.constant 0 : i32
    %dma_wait3A_806 = arith.constant 0 : i32
    %dma_wait3A_807 = tpu.memref_slice %arg2[%dma_wait3A_805, %dma_wait3A_806] : memref<32x1000000xf32, #tpu.memory_space<hbm>> -> memref<32x128xf32, #tpu.memory_space<hbm>>
    tpu.wait_dma2 semaphore(%arg20 : memref<!tpu.dma_semaphore, #tpu.memory_space<semaphore_mem>>) src(%dma_wait3A_807 : memref<32x128xf32, #tpu.memory_space<hbm>>) dst(%dma_wait3A_804 : memref<32x128xf32, #tpu.memory_space<vmem>>)
    %slice3A_808 = vector.extract_strided_slice %and3A_267 {offsets = [12], sizes = [1], strides = [1]} : vector<16xi32> to vector<1xi32>
    %squeeze3A_809 = vector.extract %slice3A_808[0] : i32 from vector<1xi32>
    %broadcast_in_dim3A_810 = vector.broadcast %squeeze3A_809 : i32 to vector<16xi32>
    %broadcast_in_dim3A_811 = arith.constant 508 : i32
    %broadcast_in_dim3A_812 = vector.broadcast %broadcast_in_dim3A_811 : i32 to vector<16xi32>
    %add3A_813 = arith.constant 0 : i32
    %add3A_814 = vector.broadcast %add3A_813 : i32 to vector<16xi32>
    %add3A_815 = arith.addi %add3A_814, %iota3A : vector<16xi32>
    %gather3A_816 = arith.constant 12 : i32
    %gather3A_817 = arith.constant 0 : i32
    %gather3A_818 = arith.constant 0 : i32
    %gather3A_819 = tpu.memref_slice %arg6[%gather3A_816, %gather3A_817, %gather3A_818] : memref<16x32x128xf32, #tpu.memory_space<vmem>> -> memref<1x32x128xf32, #tpu.memory_space<vmem>>
    %gather3A_820 = tpu.memref_squeeze %gather3A_819 : memref<1x32x128xf32, #tpu.memory_space<vmem>> -> memref<32x128xf32, #tpu.memory_space<vmem>>
    %gather3A_821 = tpu.vector_load_idx %gather3A_820[%add3A_815, %broadcast_in_dim3A_810] : memref<32x128xf32, #tpu.memory_space<vmem>>[vector<16xi32>, vector<16xi32>], vector<16xf32>,
    %add3A_822 = arith.constant 0 : i32
    %add3A_823 = vector.broadcast %add3A_822 : i32 to vector<16xi32>
    %add3A_824 = arith.addi %add3A_823, %iota3A : vector<16xi32>
    tpu.vector_store_idx %arg7[%add3A_824, %broadcast_in_dim3A_812], %gather3A_821 : memref<32x512xf32, #tpu.memory_space<vmem>>[vector<16xi32>, vector<16xi32>], vector<16xf32>,
    %add3A_825 = arith.constant 16 : i32
    %add3A_826 = vector.broadcast %add3A_825 : i32 to vector<16xi32>
    %add3A_827 = arith.addi %add3A_826, %iota3A : vector<16xi32>
    %gather3A_828 = arith.constant 12 : i32
    %gather3A_829 = arith.constant 0 : i32
    %gather3A_830 = arith.constant 0 : i32
    %gather3A_831 = tpu.memref_slice %arg6[%gather3A_828, %gather3A_829, %gather3A_830] : memref<16x32x128xf32, #tpu.memory_space<vmem>> -> memref<1x32x128xf32, #tpu.memory_space<vmem>>
    %gather3A_832 = tpu.memref_squeeze %gather3A_831 : memref<1x32x128xf32, #tpu.memory_space<vmem>> -> memref<32x128xf32, #tpu.memory_space<vmem>>
    %gather3A_833 = tpu.vector_load_idx %gather3A_832[%add3A_827, %broadcast_in_dim3A_810] : memref<32x128xf32, #tpu.memory_space<vmem>>[vector<16xi32>, vector<16xi32>], vector<16xf32>,
    %add3A_834 = arith.constant 16 : i32
    %add3A_835 = vector.broadcast %add3A_834 : i32 to vector<16xi32>
    %add3A_836 = arith.addi %add3A_835, %iota3A : vector<16xi32>
    tpu.vector_store_idx %arg7[%add3A_836, %broadcast_in_dim3A_812], %gather3A_833 : memref<32x512xf32, #tpu.memory_space<vmem>>[vector<16xi32>, vector<16xi32>], vector<16xf32>,
    %dma_wait3A_837 = arith.constant 13 : i32
    %dma_wait3A_838 = arith.constant 0 : i32
    %dma_wait3A_839 = arith.constant 0 : i32
    %dma_wait3A_840 = tpu.memref_slice %arg6[%dma_wait3A_837, %dma_wait3A_838, %dma_wait3A_839] : memref<16x32x128xf32, #tpu.memory_space<vmem>> -> memref<1x32x128xf32, #tpu.memory_space<vmem>>
    %dma_wait3A_841 = tpu.memref_squeeze %dma_wait3A_840 : memref<1x32x128xf32, #tpu.memory_space<vmem>> -> memref<32x128xf32, #tpu.memory_space<vmem>>
    %dma_wait3A_842 = arith.constant 0 : i32
    %dma_wait3A_843 = arith.constant 0 : i32
    %dma_wait3A_844 = tpu.memref_slice %arg2[%dma_wait3A_842, %dma_wait3A_843] : memref<32x1000000xf32, #tpu.memory_space<hbm>> -> memref<32x128xf32, #tpu.memory_space<hbm>>
    %dma_wait3A_845 = arith.constant 0 : i32
    %dma_wait3A_846 = arith.constant 0 : i32
    %dma_wait3A_847 = tpu.memref_slice %arg6[%dma_wait3A_837, %dma_wait3A_845, %dma_wait3A_846] : memref<16x32x128xf32, #tpu.memory_space<vmem>> -> memref<1x32x128xf32, #tpu.memory_space<vmem>>
    %dma_wait3A_848 = tpu.memref_squeeze %dma_wait3A_847 : memref<1x32x128xf32, #tpu.memory_space<vmem>> -> memref<32x128xf32, #tpu.memory_space<vmem>>
    %dma_wait3A_849 = arith.constant 0 : i32
    %dma_wait3A_850 = arith.constant 0 : i32
    %dma_wait3A_851 = tpu.memref_slice %arg2[%dma_wait3A_849, %dma_wait3A_850] : memref<32x1000000xf32, #tpu.memory_space<hbm>> -> memref<32x128xf32, #tpu.memory_space<hbm>>
    tpu.wait_dma2 semaphore(%arg21 : memref<!tpu.dma_semaphore, #tpu.memory_space<semaphore_mem>>) src(%dma_wait3A_851 : memref<32x128xf32, #tpu.memory_space<hbm>>) dst(%dma_wait3A_848 : memref<32x128xf32, #tpu.memory_space<vmem>>)
    %slice3A_852 = vector.extract_strided_slice %and3A_267 {offsets = [13], sizes = [1], strides = [1]} : vector<16xi32> to vector<1xi32>
    %squeeze3A_853 = vector.extract %slice3A_852[0] : i32 from vector<1xi32>
    %broadcast_in_dim3A_854 = vector.broadcast %squeeze3A_853 : i32 to vector<16xi32>
    %broadcast_in_dim3A_855 = arith.constant 509 : i32
    %broadcast_in_dim3A_856 = vector.broadcast %broadcast_in_dim3A_855 : i32 to vector<16xi32>
    %add3A_857 = arith.constant 0 : i32
    %add3A_858 = vector.broadcast %add3A_857 : i32 to vector<16xi32>
    %add3A_859 = arith.addi %add3A_858, %iota3A : vector<16xi32>
    %gather3A_860 = arith.constant 13 : i32
    %gather3A_861 = arith.constant 0 : i32
    %gather3A_862 = arith.constant 0 : i32
    %gather3A_863 = tpu.memref_slice %arg6[%gather3A_860, %gather3A_861, %gather3A_862] : memref<16x32x128xf32, #tpu.memory_space<vmem>> -> memref<1x32x128xf32, #tpu.memory_space<vmem>>
    %gather3A_864 = tpu.memref_squeeze %gather3A_863 : memref<1x32x128xf32, #tpu.memory_space<vmem>> -> memref<32x128xf32, #tpu.memory_space<vmem>>
    %gather3A_865 = tpu.vector_load_idx %gather3A_864[%add3A_859, %broadcast_in_dim3A_854] : memref<32x128xf32, #tpu.memory_space<vmem>>[vector<16xi32>, vector<16xi32>], vector<16xf32>,
    %add3A_866 = arith.constant 0 : i32
    %add3A_867 = vector.broadcast %add3A_866 : i32 to vector<16xi32>
    %add3A_868 = arith.addi %add3A_867, %iota3A : vector<16xi32>
    tpu.vector_store_idx %arg7[%add3A_868, %broadcast_in_dim3A_856], %gather3A_865 : memref<32x512xf32, #tpu.memory_space<vmem>>[vector<16xi32>, vector<16xi32>], vector<16xf32>,
    %add3A_869 = arith.constant 16 : i32
    %add3A_870 = vector.broadcast %add3A_869 : i32 to vector<16xi32>
    %add3A_871 = arith.addi %add3A_870, %iota3A : vector<16xi32>
    %gather3A_872 = arith.constant 13 : i32
    %gather3A_873 = arith.constant 0 : i32
    %gather3A_874 = arith.constant 0 : i32
    %gather3A_875 = tpu.memref_slice %arg6[%gather3A_872, %gather3A_873, %gather3A_874] : memref<16x32x128xf32, #tpu.memory_space<vmem>> -> memref<1x32x128xf32, #tpu.memory_space<vmem>>
    %gather3A_876 = tpu.memref_squeeze %gather3A_875 : memref<1x32x128xf32, #tpu.memory_space<vmem>> -> memref<32x128xf32, #tpu.memory_space<vmem>>
    %gather3A_877 = tpu.vector_load_idx %gather3A_876[%add3A_871, %broadcast_in_dim3A_854] : memref<32x128xf32, #tpu.memory_space<vmem>>[vector<16xi32>, vector<16xi32>], vector<16xf32>,
    %add3A_878 = arith.constant 16 : i32
    %add3A_879 = vector.broadcast %add3A_878 : i32 to vector<16xi32>
    %add3A_880 = arith.addi %add3A_879, %iota3A : vector<16xi32>
    tpu.vector_store_idx %arg7[%add3A_880, %broadcast_in_dim3A_856], %gather3A_877 : memref<32x512xf32, #tpu.memory_space<vmem>>[vector<16xi32>, vector<16xi32>], vector<16xf32>,
    %dma_wait3A_881 = arith.constant 14 : i32
    %dma_wait3A_882 = arith.constant 0 : i32
    %dma_wait3A_883 = arith.constant 0 : i32
    %dma_wait3A_884 = tpu.memref_slice %arg6[%dma_wait3A_881, %dma_wait3A_882, %dma_wait3A_883] : memref<16x32x128xf32, #tpu.memory_space<vmem>> -> memref<1x32x128xf32, #tpu.memory_space<vmem>>
    %dma_wait3A_885 = tpu.memref_squeeze %dma_wait3A_884 : memref<1x32x128xf32, #tpu.memory_space<vmem>> -> memref<32x128xf32, #tpu.memory_space<vmem>>
    %dma_wait3A_886 = arith.constant 0 : i32
    %dma_wait3A_887 = arith.constant 0 : i32
    %dma_wait3A_888 = tpu.memref_slice %arg2[%dma_wait3A_886, %dma_wait3A_887] : memref<32x1000000xf32, #tpu.memory_space<hbm>> -> memref<32x128xf32, #tpu.memory_space<hbm>>
    %dma_wait3A_889 = arith.constant 0 : i32
    %dma_wait3A_890 = arith.constant 0 : i32
    %dma_wait3A_891 = tpu.memref_slice %arg6[%dma_wait3A_881, %dma_wait3A_889, %dma_wait3A_890] : memref<16x32x128xf32, #tpu.memory_space<vmem>> -> memref<1x32x128xf32, #tpu.memory_space<vmem>>
    %dma_wait3A_892 = tpu.memref_squeeze %dma_wait3A_891 : memref<1x32x128xf32, #tpu.memory_space<vmem>> -> memref<32x128xf32, #tpu.memory_space<vmem>>
    %dma_wait3A_893 = arith.constant 0 : i32
    %dma_wait3A_894 = arith.constant 0 : i32
    %dma_wait3A_895 = tpu.memref_slice %arg2[%dma_wait3A_893, %dma_wait3A_894] : memref<32x1000000xf32, #tpu.memory_space<hbm>> -> memref<32x128xf32, #tpu.memory_space<hbm>>
    tpu.wait_dma2 semaphore(%arg22 : memref<!tpu.dma_semaphore, #tpu.memory_space<semaphore_mem>>) src(%dma_wait3A_895 : memref<32x128xf32, #tpu.memory_space<hbm>>) dst(%dma_wait3A_892 : memref<32x128xf32, #tpu.memory_space<vmem>>)
    %slice3A_896 = vector.extract_strided_slice %and3A_267 {offsets = [14], sizes = [1], strides = [1]} : vector<16xi32> to vector<1xi32>
    %squeeze3A_897 = vector.extract %slice3A_896[0] : i32 from vector<1xi32>
    %broadcast_in_dim3A_898 = vector.broadcast %squeeze3A_897 : i32 to vector<16xi32>
    %broadcast_in_dim3A_899 = arith.constant 510 : i32
    %broadcast_in_dim3A_900 = vector.broadcast %broadcast_in_dim3A_899 : i32 to vector<16xi32>
    %add3A_901 = arith.constant 0 : i32
    %add3A_902 = vector.broadcast %add3A_901 : i32 to vector<16xi32>
    %add3A_903 = arith.addi %add3A_902, %iota3A : vector<16xi32>
    %gather3A_904 = arith.constant 14 : i32
    %gather3A_905 = arith.constant 0 : i32
    %gather3A_906 = arith.constant 0 : i32
    %gather3A_907 = tpu.memref_slice %arg6[%gather3A_904, %gather3A_905, %gather3A_906] : memref<16x32x128xf32, #tpu.memory_space<vmem>> -> memref<1x32x128xf32, #tpu.memory_space<vmem>>
    %gather3A_908 = tpu.memref_squeeze %gather3A_907 : memref<1x32x128xf32, #tpu.memory_space<vmem>> -> memref<32x128xf32, #tpu.memory_space<vmem>>
    %gather3A_909 = tpu.vector_load_idx %gather3A_908[%add3A_903, %broadcast_in_dim3A_898] : memref<32x128xf32, #tpu.memory_space<vmem>>[vector<16xi32>, vector<16xi32>], vector<16xf32>,
    %add3A_910 = arith.constant 0 : i32
    %add3A_911 = vector.broadcast %add3A_910 : i32 to vector<16xi32>
    %add3A_912 = arith.addi %add3A_911, %iota3A : vector<16xi32>
    tpu.vector_store_idx %arg7[%add3A_912, %broadcast_in_dim3A_900], %gather3A_909 : memref<32x512xf32, #tpu.memory_space<vmem>>[vector<16xi32>, vector<16xi32>], vector<16xf32>,
    %add3A_913 = arith.constant 16 : i32
    %add3A_914 = vector.broadcast %add3A_913 : i32 to vector<16xi32>
    %add3A_915 = arith.addi %add3A_914, %iota3A : vector<16xi32>
    %gather3A_916 = arith.constant 14 : i32
    %gather3A_917 = arith.constant 0 : i32
    %gather3A_918 = arith.constant 0 : i32
    %gather3A_919 = tpu.memref_slice %arg6[%gather3A_916, %gather3A_917, %gather3A_918] : memref<16x32x128xf32, #tpu.memory_space<vmem>> -> memref<1x32x128xf32, #tpu.memory_space<vmem>>
    %gather3A_920 = tpu.memref_squeeze %gather3A_919 : memref<1x32x128xf32, #tpu.memory_space<vmem>> -> memref<32x128xf32, #tpu.memory_space<vmem>>
    %gather3A_921 = tpu.vector_load_idx %gather3A_920[%add3A_915, %broadcast_in_dim3A_898] : memref<32x128xf32, #tpu.memory_space<vmem>>[vector<16xi32>, vector<16xi32>], vector<16xf32>,
    %add3A_922 = arith.constant 16 : i32
    %add3A_923 = vector.broadcast %add3A_922 : i32 to vector<16xi32>
    %add3A_924 = arith.addi %add3A_923, %iota3A : vector<16xi32>
    tpu.vector_store_idx %arg7[%add3A_924, %broadcast_in_dim3A_900], %gather3A_921 : memref<32x512xf32, #tpu.memory_space<vmem>>[vector<16xi32>, vector<16xi32>], vector<16xf32>,
    %dma_wait3A_925 = arith.constant 15 : i32
    %dma_wait3A_926 = arith.constant 0 : i32
    %dma_wait3A_927 = arith.constant 0 : i32
    %dma_wait3A_928 = tpu.memref_slice %arg6[%dma_wait3A_925, %dma_wait3A_926, %dma_wait3A_927] : memref<16x32x128xf32, #tpu.memory_space<vmem>> -> memref<1x32x128xf32, #tpu.memory_space<vmem>>
    %dma_wait3A_929 = tpu.memref_squeeze %dma_wait3A_928 : memref<1x32x128xf32, #tpu.memory_space<vmem>> -> memref<32x128xf32, #tpu.memory_space<vmem>>
    %dma_wait3A_930 = arith.constant 0 : i32
    %dma_wait3A_931 = arith.constant 0 : i32
    %dma_wait3A_932 = tpu.memref_slice %arg2[%dma_wait3A_930, %dma_wait3A_931] : memref<32x1000000xf32, #tpu.memory_space<hbm>> -> memref<32x128xf32, #tpu.memory_space<hbm>>
    %dma_wait3A_933 = arith.constant 0 : i32
    %dma_wait3A_934 = arith.constant 0 : i32
    %dma_wait3A_935 = tpu.memref_slice %arg6[%dma_wait3A_925, %dma_wait3A_933, %dma_wait3A_934] : memref<16x32x128xf32, #tpu.memory_space<vmem>> -> memref<1x32x128xf32, #tpu.memory_space<vmem>>
    %dma_wait3A_936 = tpu.memref_squeeze %dma_wait3A_935 : memref<1x32x128xf32, #tpu.memory_space<vmem>> -> memref<32x128xf32, #tpu.memory_space<vmem>>
    %dma_wait3A_937 = arith.constant 0 : i32
    %dma_wait3A_938 = arith.constant 0 : i32
    %dma_wait3A_939 = tpu.memref_slice %arg2[%dma_wait3A_937, %dma_wait3A_938] : memref<32x1000000xf32, #tpu.memory_space<hbm>> -> memref<32x128xf32, #tpu.memory_space<hbm>>
    tpu.wait_dma2 semaphore(%arg23 : memref<!tpu.dma_semaphore, #tpu.memory_space<semaphore_mem>>) src(%dma_wait3A_939 : memref<32x128xf32, #tpu.memory_space<hbm>>) dst(%dma_wait3A_936 : memref<32x128xf32, #tpu.memory_space<vmem>>)
    %slice3A_940 = vector.extract_strided_slice %and3A_267 {offsets = [15], sizes = [1], strides = [1]} : vector<16xi32> to vector<1xi32>
    %squeeze3A_941 = vector.extract %slice3A_940[0] : i32 from vector<1xi32>
    %broadcast_in_dim3A_942 = vector.broadcast %squeeze3A_941 : i32 to vector<16xi32>
    %broadcast_in_dim3A_943 = arith.constant 511 : i32
    %broadcast_in_dim3A_944 = vector.broadcast %broadcast_in_dim3A_943 : i32 to vector<16xi32>
    %add3A_945 = arith.constant 0 : i32
    %add3A_946 = vector.broadcast %add3A_945 : i32 to vector<16xi32>
    %add3A_947 = arith.addi %add3A_946, %iota3A : vector<16xi32>
    %gather3A_948 = arith.constant 15 : i32
    %gather3A_949 = arith.constant 0 : i32
    %gather3A_950 = arith.constant 0 : i32
    %gather3A_951 = tpu.memref_slice %arg6[%gather3A_948, %gather3A_949, %gather3A_950] : memref<16x32x128xf32, #tpu.memory_space<vmem>> -> memref<1x32x128xf32, #tpu.memory_space<vmem>>
    %gather3A_952 = tpu.memref_squeeze %gather3A_951 : memref<1x32x128xf32, #tpu.memory_space<vmem>> -> memref<32x128xf32, #tpu.memory_space<vmem>>
    %gather3A_953 = tpu.vector_load_idx %gather3A_952[%add3A_947, %broadcast_in_dim3A_942] : memref<32x128xf32, #tpu.memory_space<vmem>>[vector<16xi32>, vector<16xi32>], vector<16xf32>,
    %add3A_954 = arith.constant 0 : i32
    %add3A_955 = vector.broadcast %add3A_954 : i32 to vector<16xi32>
    %add3A_956 = arith.addi %add3A_955, %iota3A : vector<16xi32>
    tpu.vector_store_idx %arg7[%add3A_956, %broadcast_in_dim3A_944], %gather3A_953 : memref<32x512xf32, #tpu.memory_space<vmem>>[vector<16xi32>, vector<16xi32>], vector<16xf32>,
    %add3A_957 = arith.constant 16 : i32
    %add3A_958 = vector.broadcast %add3A_957 : i32 to vector<16xi32>
    %add3A_959 = arith.addi %add3A_958, %iota3A : vector<16xi32>
    %gather3A_960 = arith.constant 15 : i32
    %gather3A_961 = arith.constant 0 : i32
    %gather3A_962 = arith.constant 0 : i32
    %gather3A_963 = tpu.memref_slice %arg6[%gather3A_960, %gather3A_961, %gather3A_962] : memref<16x32x128xf32, #tpu.memory_space<vmem>> -> memref<1x32x128xf32, #tpu.memory_space<vmem>>
    %gather3A_964 = tpu.memref_squeeze %gather3A_963 : memref<1x32x128xf32, #tpu.memory_space<vmem>> -> memref<32x128xf32, #tpu.memory_space<vmem>>
    %gather3A_965 = tpu.vector_load_idx %gather3A_964[%add3A_959, %broadcast_in_dim3A_942] : memref<32x128xf32, #tpu.memory_space<vmem>>[vector<16xi32>, vector<16xi32>], vector<16xf32>,
    %add3A_966 = arith.constant 16 : i32
    %add3A_967 = vector.broadcast %add3A_966 : i32 to vector<16xi32>
    %add3A_968 = arith.addi %add3A_967, %iota3A : vector<16xi32>
    tpu.vector_store_idx %arg7[%add3A_968, %broadcast_in_dim3A_944], %gather3A_965 : memref<32x512xf32, #tpu.memory_space<vmem>>[vector<16xi32>, vector<16xi32>], vector<16xf32>,
    "tpu.region"() ({
      %run_scoped3A = tpu.sem_alloc : memref<!tpu.dma_semaphore, #tpu.memory_space<semaphore_mem>>
      %dma_start3A_969 = arith.constant 0 : i32
      %dma_start3A_970 = tpu.memref_slice %arg4[%dma_start3A_969, %mul3A_2] : memref<32x16384xf32, #tpu.memory_space<hbm>> -> memref<32x512xf32, #tpu.memory_space<hbm>>
      %dma_start3A_971 = arith.constant 0 : i32
      %dma_start3A_972 = tpu.memref_slice %arg4[%dma_start3A_971, %mul3A_2] : memref<32x16384xf32, #tpu.memory_space<hbm>> -> memref<32x512xf32, #tpu.memory_space<hbm>>
      tpu.enqueue_dma source(%arg7 : memref<32x512xf32, #tpu.memory_space<vmem>>) target(%dma_start3A_972 : memref<32x512xf32, #tpu.memory_space<hbm>>) target_semaphore(%run_scoped3A : memref<!tpu.dma_semaphore, #tpu.memory_space<semaphore_mem>>)
      %dma_wait3A_973 = arith.constant 0 : i32
      %dma_wait3A_974 = tpu.memref_slice %arg4[%dma_wait3A_973, %mul3A_2] : memref<32x16384xf32, #tpu.memory_space<hbm>> -> memref<32x512xf32, #tpu.memory_space<hbm>>
      %dma_wait3A_975 = arith.constant 0 : i32
      %dma_wait3A_976 = tpu.memref_slice %arg4[%dma_wait3A_975, %mul3A_2] : memref<32x16384xf32, #tpu.memory_space<hbm>> -> memref<32x512xf32, #tpu.memory_space<hbm>>
      tpu.wait_dma2 semaphore(%run_scoped3A : memref<!tpu.dma_semaphore, #tpu.memory_space<semaphore_mem>>) src(%arg7 : memref<32x512xf32, #tpu.memory_space<vmem>>) dst(%dma_wait3A_976 : memref<32x512xf32, #tpu.memory_space<hbm>>)
      tpu.yield
    }) : () -> ()
    return
  }
}

</mosaic_0001>

<sc_bundles>
// kernel: kernel.3.cloned.1.call-start
scs
__scs_entry_jumppad:
0x0: {  	(pc) =	sbr.rel $0x88, $3  }
0x1: {  	(tag) =	ssettag $0x0;
	lr =	simm.s32 $0x1  }
0x2: {  	[smem:$0x3F9F] =	sst lr;
	_ =	strace $0xD0000000  }
0x3: {  	_ = 	snop  }
0x4: {  	_ = 	snop  }
0x5: {  	_ = 	snop  }
0x6: {  	_ = 	snop  }
0x7: {  	_ = 	snop  }
__scs_overlays_trampoline_lowered:
0x8: {  	[smem:$0x3FAE] =	sst s0  }
0x9: {  	[smem:$0x3FAF] =	sst s1  }
0xa: {  	[smem:$0x3FB0] =	sst s2  }
0xb: {  	[smem:$0x3FB1] =	sst s3  }
0xc: {  	[smem:$0x3FB2] =	sst s4  }
0xd: {  	[smem:$0x3FB3] =	sst s5  }
0xe: {  	[smem:$0x3FB4] =	sst s6  }
0xf: {  	[smem:$0x3FB5] =	sst s7  }
0x10: {  	[smem:$0x3FB6] =	sst s8  }
0x11: {  	[smem:$0x3FB7] =	sst s9;
	s0 =	simm.s32 @!p0 $0x0  }
0x12: {  	s1 =	sld [smem:$0x3F9D];
	s0 =	simm.s32 @p0 $0x1  }
0x13: {  	[smem:$0x3FB8] =	sst s0;
	s0 =	simm.s32 @!p1 $0x0  }
0x14: {  	s2 =	sld [smem:$0x3F9C];
	s0 =	simm.s32 @p1 $0x1  }
0x15: {  	[smem:$0x3FB9] =	sst s0;
	s0 =	simm.s32 @!p2 $0x0  }
0x16: {  	s3 =	sld [smem:$0x3FDB];
	s0 =	simm.s32 @p2 $0x1  }
0x17: {  	s4 =	simm.s32 $0x1BF5;
	[smem:$0x3FBB] =	sst s0  }
0x18: {  	s0 =	sld [smem:$0x3F9E];
	_ =	swait.ge [sflag:s4], $0x0  }
0x19: {  	s7 =	sld [smem:$0x3F9F]  }
0x1a: {  	s8 =	sadd.s32 $0xFFFFE003, lr  }
0x1b: {  	s9 =	sadd.s32 $0xFFFFFEF7, lr;
	s5 =	simm.s32 $0xFFFFFFFF;
	p2 =	slt.u32 s8, $0xFFFFF086  }
0x1c: {  	p1 =	slt.u32 s9, $0xF7A;
	s5 =	simm.s32 @!p2 $0x0  }
0x1d: {  	s5 =	simm.s32 @p1 $0x1;
	p0 =	seq.s32 s7, s2  }
0x1e: {  	s7 =	smul.u32 @!p0 $0xF7A, s2;
	p2 =	seq.s32 @!p0 s5, $0x0  }
0x1f: {  	s9 =	smul.u32 $0xF7A, s1;
	s8 =	simm.s32 @!p0 $0x1BF5;
	p2 =	por !p2, p0  }
0x20: {  	[sflag:s8] =	ssyncset.s32 @!p0 $0xFFFFF086;
	s6 =	sadd.s32 @!p0 s3, s7;
	s7 =	simm.s32 @!p0 $0x108  }
0x21: {  	s3 =	sadd.s32 s3, s9;
	s6 =	sadd.s32 @!p0 $0x88, s6;
	s7 =	simm.s32 @p2 $0x1082  }
0x22: {  	[simem:s7], [sflag:s8] =	dma.local @!p0 [hbm:s6], $0xF7A  }
0x23: {  	s9 =	sor.u32 $0xD0000000, s2;
	s6 =	simm.s32 $0x108;
	_ =	swait.ge @!p0 [sflag:s8], $0x0  }
0x24: {  	s3 =	sadd.s32 $0x88, s3;
	s6 =	simm.s32 @!p1 $0x1082;
	[sflag:s4] =	ssyncset.s32 $0xFFFFF086  }
0x25: {  	[simem:s6], [sflag:s4] =	dma.local [hbm:s3], $0xF7A  }
0x26: {  	[smem:$0x3F9F] =	sst s1;
	(tag) =	ssettag s2;
	_ =	strace s9  }
0x27: {  	s1 =	sld [smem:$0x3FAF]  }
0x28: {  	s2 =	sld [smem:$0x3FB0]  }
0x29: {  	s4 =	sld [smem:$0x3FB2]  }
0x2a: {  	p0 =	seq.s32 s5, $0x0;
	s5 =	sld [smem:$0x3FB3]  }
0x2b: {  	s6 =	sld [smem:$0x3FB4]  }
0x2c: {  	s7 =	sld [smem:$0x3FB5]  }
0x2d: {  	s3 =	simm.s32 $0x108;
	s8 =	sld [smem:$0x3FB6]  }
0x2e: {  	s3 =	simm.s32 @!p0 $0x1082;
	s9 =	sld [smem:$0x3FB7]  }
0x2f: {  	lr =	sadd.s32 s0, s3;
	s0 =	sld [smem:$0x3FAE]  }
0x30: {  	s3 =	sld [smem:$0x3FB1]  }
0x31: {  	[smem:$0x3FBA] =	sst s10  }
0x32: {  	s10 =	sld [smem:$0x3FB8];
	_ =	sdelay $0x3  }
0x33: {  	p0 =	seq.s32 s10, $0x1;
	s10 =	sld [smem:$0x3FBA];
	_ =	sdelay $0x3  }
0x34: {  	[smem:$0x3FBA] =	sst s10  }
0x35: {  	s10 =	sld [smem:$0x3FB9];
	_ =	sdelay $0x3  }
0x36: {  	p1 =	seq.s32 s10, $0x1;
	s10 =	sld [smem:$0x3FBA];
	_ =	sdelay $0x3  }
0x37: {  	[smem:$0x3FBA] =	sst s10  }
0x38: {  	s10 =	sld [smem:$0x3FBB]  }
0x39: {  	_ = 	snop;
	(pc) =	sbr.ind lr, $3  }
0x3a: {  	_ = 	snop  }
0x3b: {  	_ = 	snop  }
0x3c: {  	p2 =	seq.s32 s10, $0x1;
	s10 =	sld [smem:$0x3FBA]  }
0x3d: {  	_ =	shalt  }
0x3e: {  	_ =	shalt  }
0x3f: {  	_ =	shalt  }
0x40: {  	_ =	shalt  }
0x41: {  	_ =	shalt  }
0x42: {  	_ =	shalt  }
0x43: {  	_ =	shalt  }
0x44: {  	_ =	shalt  }
0x45: {  	_ =	shalt  }
0x46: {  	_ =	shalt  }
0x47: {  	_ =	shalt  }
0x48: {  	_ =	shalt  }
0x49: {  	_ =	shalt  }
0x4a: {  	_ =	shalt  }
0x4b: {  	_ =	shalt  }
0x4c: {  	_ =	shalt  }
0x4d: {  	_ =	shalt  }
0x4e: {  	_ =	shalt  }
0x4f: {  	_ =	shalt  }
0x50: {  	_ =	shalt  }
0x51: {  	_ =	shalt  }
0x52: {  	_ =	shalt  }
0x53: {  	_ =	shalt  }
0x54: {  	_ =	shalt  }
0x55: {  	_ =	shalt  }
0x56: {  	_ =	shalt  }
0x57: {  	_ =	shalt  }
0x58: {  	_ =	shalt  }
0x59: {  	_ =	shalt  }
0x5a: {  	_ =	shalt  }
0x5b: {  	_ =	shalt  }
0x5c: {  	_ =	shalt  }
0x5d: {  	_ =	shalt  }
0x5e: {  	_ =	shalt  }
0x5f: {  	_ =	shalt  }
0x60: {  	_ =	shalt  }
0x61: {  	_ =	shalt  }
0x62: {  	_ =	shalt  }
0x63: {  	_ =	shalt  }
0x64: {  	_ =	shalt  }
0x65: {  	_ =	shalt  }
0x66: {  	_ =	shalt  }
0x67: {  	_ =	shalt  }
0x68: {  	_ =	shalt  }
0x69: {  	_ =	shalt  }
0x6a: {  	_ =	shalt  }
0x6b: {  	_ =	shalt  }
0x6c: {  	_ =	shalt  }
0x6d: {  	_ =	shalt  }
0x6e: {  	_ =	shalt  }
0x6f: {  	_ =	shalt  }
0x70: {  	_ =	shalt  }
0x71: {  	_ =	shalt  }
0x72: {  	_ =	shalt  }
0x73: {  	_ =	shalt  }
0x74: {  	_ =	shalt  }
0x75: {  	_ =	shalt  }
0x76: {  	_ =	shalt  }
0x77: {  	_ =	shalt  }
0x78: {  	_ =	shalt  }
0x79: {  	_ =	shalt  }
0x7a: {  	_ =	shalt  }
0x7b: {  	_ =	shalt  }
0x7c: {  	_ =	shalt  }
0x7d: {  	_ =	shalt  }
0x7e: {  	_ =	shalt  }
0x7f: {  	_ =	shalt  }
0x80: {  	_ =	shalt  }
0x81: {  	_ =	shalt  }
0x82: {  	_ =	shalt  }
0x83: {  	_ =	shalt  }
0x84: {  	_ =	shalt  }
0x85: {  	_ =	shalt  }
0x86: {  	_ =	shalt  }
0x87: {  	_ =	shalt  }
.Lfunc_end0:
.L_simem_size_0:
called_computation_lowered:
.L_overlay_start_0:
0x88: {  	s2 =	sld [smem:$0x3FD9]  }
0x89: {  	s3 =	sld [smem:$0x3FFE];
	_ =	sdelay $0x1  }
0x8a: {  	s1 =	srdreg.scid  }
0x8b: {  	s0 =	sand.u32 $0x1, s1  }
0x8c: {  	s18 =	sshll.u32 s0, $0xA;
	s2 =	sadd.s32 s3, s2  }
0x8d: {  	s2 =	sadd.s32 s2, s18  }
0x8e: {  	[smem:$0x3FC6] =	sst s2  }
0x8f: {  	_ = 	snop  }
0x90: {  	s2 =	sld [smem:$0x3FC9]  }
0x91: {  	s19 =	sld [smem:$0x3FC8]  }
0x92: {  	s4 =	sld [smem:$0x3FD0];
	(tm) =	ssettm $0x1  }
0x93: {  	s5 =	sld [smem:$0x3FFB];
	_ =	sdelay $0x3  }
0x94: {  	_ =	strace s5  }
0x95: {  	s5 =	sld [smem:$0x3FFC];
	_ =	sdelay $0x3  }
0x96: {  	_ =	strace s5  }
0x97: {  	s5 =	sld [smem:$0x3FFD];
	_ =	sdelay $0x3  }
0x98: {  	_ =	strace s5  }
0x99: {  	_ =	strace $0x8FFFFFFF  }
0x9a: {  	s20 =	sld [smem:$0x3FDB];
	_ =	sdelay $0x1  }
0x9b: {  	s6 =	simm.s32 $_scs_section_size  }
0x9c: {  	s7 =	simm.s32 $_size__tile_overlayer_lowered;
	s8 =	simm.s32 $_tile_overlayer_lowered  }
0x9d: {  	s23 =	simm.s32 $0x1BFF;
	s22 =	sshll.u32 s8, $0x1;
	s5 =	sadd.s32 s6, s20  }
0x9e: {  	s9 =	simm.s32 $0x0;
	s21 =	sshll.u32 s7, $0x1;
	s7 =	sadd.s32 s22, s5  }
0x9f: {  	[timem:s9], [sflag:s23] =	dma.local [hbm:s7], s21  }
0xa0: {  	_ =	swait.ge [sflag:s23], s21  }
0xa1: {  	s6 =	ssub.s32 $0x0, s21;
	[sflag:s23] =	ssyncset.done $0x0  }
0xa2: {  	[sflag:s23] =	ssyncadd.s32 s6;
	_ =	sdelay $0x1  }
0xa3: {  	s24 =	simm.s32 $0x1B8B  }
0xa4: {  	_ =	swait.ge [sflag:s24], $0x1  }
0xa5: {  	[sflag:s24] =	ssyncset.done $0x0  }
0xa6: {  	s25 =	simm.s32 $0x1B8E;
	[sflag:s24] =	ssyncadd.s32 $0xFFFFFFFF  }
0xa7: {  	s26 =	simm.s32 $execute0_lowered;
	[smem:$0x3FD2] =	sst s25  }
0xa8: {  	s6 =	sshll.u32 s26, $0x1;
	_ =	strace $0x80000046;
	[dreg:$0x1] =	wrdreg $0xFFFFFFFF  }
0xa9: {  	s28 =	simm.s32 $_size_execute0_lowered;
	s5 =	sadd.s32 s5, s6;
	[dreg:$0x0] =	wrdreg $0x0  }
0xaa: {  	s6 =	sshll.u32 s28, $0x1;
	[dreg:$0x2] =	wrdreg s5  }
0xab: {  	[dreg:$0x3] =	wrdreg s6  }
0xac: {  	[dreg:$0x4] =	wrdreg $0xC0  }
0xad: {  	_ =	task [dreg:s9], $0x5FFFF  }
0xae: {  	[dreg:$0x1] =	wrdreg $0xFFFFFFFF  }
0xaf: {  	[dreg:$0x0] =	wrdreg $0x60  }
0xb0: {  	[dreg:$0x2] =	wrdreg s2  }
0xb1: {  	[dreg:$0x3] =	wrdreg s19  }
0xb2: {  	[dreg:$0x4] =	wrdreg s4  }
0xb3: {  	[dreg:$0x5] =	wrdreg $0x9  }
0xb4: {  	_ =	task.clear_ibuf [dreg:s9], $0x6FFFF;
	_ =	strace $0x90000046  }
0xb5: {  	s29 =	simm.s32 $0x9;
	_ =	strace $0x80000048  }
0xb6: {  	_ =	swait.ge [sflag:s29], $0x1  }
0xb7: {  	[sflag:s29] =	ssyncadd.s32 $0xFFFFFFFF  }
0xb8: {  	_ =	strace $0x90000048  }
0xb9: {  	_ =	sfence  }
0xba: {  	s30 =	sld [smem:$0x0];
	_ =	sdelay $0x2  }
0xbb: {  	s31 =	sshll.u32 s1, $0xD;
	s1 =	sshrl.u32 s1, $0x2  }
0xbc: {  	s3 =	sand.u32 $0x4000, s31;
	s1 =	sadd.s32 s1, s30  }
0xbd: {  	s0 =	sor.u32 s3, s0;
	s1 =	sshll.u32 s1, $0x11  }
0xbe: {  	s0 =	sor.u32 s1, s0  }
0xbf: {  	s0 =	sadd.s32 $0x8F2B, s0  }
0xc0: {  	[sflag:s0] =	ssyncadd.remote.s32 $0x1  }
0xc1: {  	_ =	sfence.sel $0xFFFF  }
0xc2: {  	[dreg:$0x0] =	wrdreg $0xFFFFFFFF;
	(pc) =	sbr.abs _section_cstart, $3  }
0xc3: {  	[dreg:$0x1] =	wrdreg $0xFFFFFFFF  }
0xc4: {  	_ =	task.clear_ibuf [dreg:s9], $0x2FFFF;
	_ =	strace $0x9FFFFFFF  }
0xc5: {  	(tm) =	ssettm $0x7FFFFFFF  }
tec
execute0_lowered:
.L_overlay_start_1:
0x0: {  	(tag) =	ssettag $0x1  }
0x1: {  	v0 =	vimm.s32 $0x1380  }
0x2: {  	vm14 =	vcmask $0x300;
	vm13 =	vcmask $0x704;
	vm12 =	vcmask $0xB08  }
0x3: {  	vm11 =	vcmask $0xF0C;
	vm10 =	vcmask $0x1310;
	vm9 =	vcmask $0x1714  }
0x4: {  	vm8 =	vcmask $0x1B18;
	vm7 =	vcmask $0x1F1C;
	vm6 =	vcmask $0x2320  }
0x5: {  	vm5 =	vcmask $0x2724;
	vm4 =	vcmask $0x2B28;
	vm3 =	vcmask $0x2F2C  }
0x6: {  	v1 =	vlaneseq.u32;
	vm2 =	vcmask $0x3330;
	vm1 =	vcmask $0x3734  }
0x7: {  	vm0 =	vcmask $0x3B38;
	v3 =	vimm.s32 $0x3380;
	v4 =	vimm.s32 $0x1FF0  }
0x8: {  	v5 =	vimm.s32 $0x3FF0;
	v6 =	vimm.s32 $0x1FF1;
	v7 =	vimm.s32 $0x3FF1  }
0x9: {  	v8 =	vimm.s32 $0x1FF2;
	v9 =	vimm.s32 $0x3FF2;
	v10 =	vimm.s32 $0x1FF3  }
0xa: {  	v11 =	vimm.s32 $0x3FF3;
	v12 =	vimm.s32 $0x1FF4;
	v13 =	vimm.s32 $0x3FF4  }
0xb: {  	v14 =	vimm.s32 $0x1FF5;
	v15 =	vimm.s32 $0x3FF5;
	v16 =	vimm.s32 $0x1FF6  }
0xc: {  	v17 =	vimm.s32 $0x3FF6;
	v18 =	vimm.s32 $0x1FF7;
	v19 =	vimm.s32 $0x3FF7  }
0xd: {  	v20 =	vimm.s32 $0x1FF8;
	v21 =	vimm.s32 $0x3FF8;
	v22 =	vimm.s32 $0x1FF9  }
0xe: {  	v23 =	vimm.s32 $0x3FF9;
	v24 =	vimm.s32 $0x1FFA;
	v25 =	vimm.s32 $0x3FFA  }
0xf: {  	v26 =	vimm.s32 $0x1FFB;
	v27 =	vimm.s32 $0x3FFB;
	v28 =	vimm.s32 $0x1FFC  }
0x10: {  	v29 =	vimm.s32 $0x3FFC;
	v30 =	vimm.s32 $0x1FFD;
	v31 =	vimm.s32 $0x3FFD  }
0x11: {  	v32 =	vimm.s32 $0x1FFE;
	v33 =	vimm.s32 $0x3FFE;
	v34 =	vimm.s32 $0x1FFF  }
0x12: {  	v35 =	vimm.s32 $0x3FFF;
	v0 =	vsel vm14, $0x0, v0;
	v3 =	vsel vm14, $0x2000, v3  }
0x13: {  	v4 =	vsel vm14, $0xC70, v4;
	v5 =	vsel vm14, $0x2C70, v5;
	v6 =	vsel vm14, $0xC71, v6  }
0x14: {  	v7 =	vsel vm14, $0x2C71, v7;
	v8 =	vsel vm14, $0xC72, v8;
	v9 =	vsel vm14, $0x2C72, v9  }
0x15: {  	v10 =	vsel vm14, $0xC73, v10;
	v11 =	vsel vm14, $0x2C73, v11;
	v12 =	vsel vm14, $0xC74, v12  }
0x16: {  	v13 =	vsel vm14, $0x2C74, v13;
	v14 =	vsel vm14, $0xC75, v14;
	v15 =	vsel vm14, $0x2C75, v15  }
0x17: {  	v16 =	vsel vm14, $0xC76, v16;
	v17 =	vsel vm14, $0x2C76, v17;
	v18 =	vsel vm14, $0xC77, v18  }
0x18: {  	v19 =	vsel vm14, $0x2C77, v19;
	v20 =	vsel vm14, $0xC78, v20;
	v21 =	vsel vm14, $0x2C78, v21  }
0x19: {  	v22 =	vsel vm14, $0xC79, v22;
	v23 =	vsel vm14, $0x2C79, v23;
	v24 =	vsel vm14, $0xC7A, v24  }
0x1a: {  	v25 =	vsel vm14, $0x2C7A, v25;
	v26 =	vsel vm14, $0xC7B, v26;
	v27 =	vsel vm14, $0x2C7B, v27  }
0x1b: {  	v28 =	vsel vm14, $0xC7C, v28;
	v29 =	vsel vm14, $0x2C7C, v29;
	v30 =	vsel vm14, $0xC7D, v30  }
0x1c: {  	v31 =	vsel vm14, $0x2C7D, v31;
	v32 =	vsel vm14, $0xC7E, v32;
	v33 =	vsel vm14, $0x2C7E, v33  }
0x1d: {  	v34 =	vsel vm14, $0xC7F, v34;
	v35 =	vsel vm14, $0x2C7F, v35;
	v0 =	vsel vm13, $0x80, v0  }
0x1e: {  	v3 =	vsel vm13, $0x2080, v3;
	v4 =	vsel vm13, $0xCF0, v4;
	v5 =	vsel vm13, $0x2CF0, v5  }
0x1f: {  	v6 =	vsel vm13, $0xCF1, v6;
	v7 =	vsel vm13, $0x2CF1, v7;
	v8 =	vsel vm13, $0xCF2, v8  }
0x20: {  	v9 =	vsel vm13, $0x2CF2, v9;
	v10 =	vsel vm13, $0xCF3, v10;
	v11 =	vsel vm13, $0x2CF3, v11  }
0x21: {  	v12 =	vsel vm13, $0xCF4, v12;
	v13 =	vsel vm13, $0x2CF4, v13;
	v14 =	vsel vm13, $0xCF5, v14  }
0x22: {  	v15 =	vsel vm13, $0x2CF5, v15;
	v16 =	vsel vm13, $0xCF6, v16;
	v17 =	vsel vm13, $0x2CF6, v17  }
0x23: {  	v18 =	vsel vm13, $0xCF7, v18;
	v19 =	vsel vm13, $0x2CF7, v19;
	v20 =	vsel vm13, $0xCF8, v20  }
0x24: {  	v21 =	vsel vm13, $0x2CF8, v21;
	v22 =	vsel vm13, $0xCF9, v22;
	v23 =	vsel vm13, $0x2CF9, v23  }
0x25: {  	v24 =	vsel vm13, $0xCFA, v24;
	v25 =	vsel vm13, $0x2CFA, v25;
	v26 =	vsel vm13, $0xCFB, v26  }
0x26: {  	v27 =	vsel vm13, $0x2CFB, v27;
	v28 =	vsel vm13, $0xCFC, v28;
	v29 =	vsel vm13, $0x2CFC, v29  }
0x27: {  	v30 =	vsel vm13, $0xCFD, v30;
	v31 =	vsel vm13, $0x2CFD, v31;
	v32 =	vsel vm13, $0xCFE, v32  }
0x28: {  	v33 =	vsel vm13, $0x2CFE, v33;
	v34 =	vsel vm13, $0xCFF, v34;
	v35 =	vsel vm13, $0x2CFF, v35  }
0x29: {  	v0 =	vsel vm12, $0x100, v0;
	v3 =	vsel vm12, $0x2100, v3;
	v4 =	vsel vm12, $0xD70, v4  }
0x2a: {  	v5 =	vsel vm12, $0x2D70, v5;
	v6 =	vsel vm12, $0xD71, v6;
	v7 =	vsel vm12, $0x2D71, v7  }
0x2b: {  	v8 =	vsel vm12, $0xD72, v8;
	v9 =	vsel vm12, $0x2D72, v9;
	v10 =	vsel vm12, $0xD73, v10  }
0x2c: {  	v11 =	vsel vm12, $0x2D73, v11;
	v12 =	vsel vm12, $0xD74, v12;
	v13 =	vsel vm12, $0x2D74, v13  }
0x2d: {  	v14 =	vsel vm12, $0xD75, v14;
	v15 =	vsel vm12, $0x2D75, v15;
	v16 =	vsel vm12, $0xD76, v16  }
0x2e: {  	v17 =	vsel vm12, $0x2D76, v17;
	v18 =	vsel vm12, $0xD77, v18;
	v19 =	vsel vm12, $0x2D77, v19  }
0x2f: {  	v20 =	vsel vm12, $0xD78, v20;
	v21 =	vsel vm12, $0x2D78, v21;
	v22 =	vsel vm12, $0xD79, v22  }
0x30: {  	v23 =	vsel vm12, $0x2D79, v23;
	v24 =	vsel vm12, $0xD7A, v24;
	v25 =	vsel vm12, $0x2D7A, v25  }
0x31: {  	v26 =	vsel vm12, $0xD7B, v26;
	v27 =	vsel vm12, $0x2D7B, v27;
	v28 =	vsel vm12, $0xD7C, v28  }
0x32: {  	v29 =	vsel vm12, $0x2D7C, v29;
	v30 =	vsel vm12, $0xD7D, v30;
	v31 =	vsel vm12, $0x2D7D, v31  }
0x33: {  	v32 =	vsel vm12, $0xD7E, v32;
	v33 =	vsel vm12, $0x2D7E, v33;
	v34 =	vsel vm12, $0xD7F, v34  }
0x34: {  	v35 =	vsel vm12, $0x2D7F, v35;
	v0 =	vsel vm11, $0x180, v0;
	v3 =	vsel vm11, $0x2180, v3  }
0x35: {  	v4 =	vsel vm11, $0xDF0, v4;
	v5 =	vsel vm11, $0x2DF0, v5;
	v6 =	vsel vm11, $0xDF1, v6  }
0x36: {  	v7 =	vsel vm11, $0x2DF1, v7;
	v8 =	vsel vm11, $0xDF2, v8;
	v9 =	vsel vm11, $0x2DF2, v9  }
0x37: {  	v10 =	vsel vm11, $0xDF3, v10;
	v11 =	vsel vm11, $0x2DF3, v11;
	v12 =	vsel vm11, $0xDF4, v12  }
0x38: {  	v13 =	vsel vm11, $0x2DF4, v13;
	v14 =	vsel vm11, $0xDF5, v14;
	v15 =	vsel vm11, $0x2DF5, v15  }
0x39: {  	v16 =	vsel vm11, $0xDF6, v16;
	v17 =	vsel vm11, $0x2DF6, v17;
	v18 =	vsel vm11, $0xDF7, v18  }
0x3a: {  	v19 =	vsel vm11, $0x2DF7, v19;
	v20 =	vsel vm11, $0xDF8, v20;
	v21 =	vsel vm11, $0x2DF8, v21  }
0x3b: {  	v22 =	vsel vm11, $0xDF9, v22;
	v23 =	vsel vm11, $0x2DF9, v23;
	v24 =	vsel vm11, $0xDFA, v24  }
0x3c: {  	v25 =	vsel vm11, $0x2DFA, v25;
	v26 =	vsel vm11, $0xDFB, v26;
	v27 =	vsel vm11, $0x2DFB, v27  }
0x3d: {  	v28 =	vsel vm11, $0xDFC, v28;
	v29 =	vsel vm11, $0x2DFC, v29;
	v30 =	vsel vm11, $0xDFD, v30  }
0x3e: {  	v31 =	vsel vm11, $0x2DFD, v31;
	v32 =	vsel vm11, $0xDFE, v32;
	v33 =	vsel vm11, $0x2DFE, v33  }
0x3f: {  	v34 =	vsel vm11, $0xDFF, v34;
	v35 =	vsel vm11, $0x2DFF, v35;
	v0 =	vsel vm10, $0x200, v0  }
0x40: {  	v3 =	vsel vm10, $0x2200, v3;
	v4 =	vsel vm10, $0xE70, v4;
	v5 =	vsel vm10, $0x2E70, v5  }
0x41: {  	v6 =	vsel vm10, $0xE71, v6;
	v7 =	vsel vm10, $0x2E71, v7;
	v8 =	vsel vm10, $0xE72, v8  }
0x42: {  	v9 =	vsel vm10, $0x2E72, v9;
	v10 =	vsel vm10, $0xE73, v10;
	v11 =	vsel vm10, $0x2E73, v11  }
0x43: {  	v12 =	vsel vm10, $0xE74, v12;
	v13 =	vsel vm10, $0x2E74, v13;
	v14 =	vsel vm10, $0xE75, v14  }
0x44: {  	v15 =	vsel vm10, $0x2E75, v15;
	v16 =	vsel vm10, $0xE76, v16;
	v17 =	vsel vm10, $0x2E76, v17  }
0x45: {  	v18 =	vsel vm10, $0xE77, v18;
	v19 =	vsel vm10, $0x2E77, v19;
	v20 =	vsel vm10, $0xE78, v20  }
0x46: {  	v21 =	vsel vm10, $0x2E78, v21;
	v22 =	vsel vm10, $0xE79, v22;
	v23 =	vsel vm10, $0x2E79, v23  }
0x47: {  	v24 =	vsel vm10, $0xE7A, v24;
	v25 =	vsel vm10, $0x2E7A, v25;
	v26 =	vsel vm10, $0xE7B, v26  }
0x48: {  	v27 =	vsel vm10, $0x2E7B, v27;
	v28 =	vsel vm10, $0xE7C, v28;
	v29 =	vsel vm10, $0x2E7C, v29  }
0x49: {  	v30 =	vsel vm10, $0xE7D, v30;
	v31 =	vsel vm10, $0x2E7D, v31;
	v32 =	vsel vm10, $0xE7E, v32  }
0x4a: {  	v33 =	vsel vm10, $0x2E7E, v33;
	v34 =	vsel vm10, $0xE7F, v34;
	v35 =	vsel vm10, $0x2E7F, v35  }
0x4b: {  	v0 =	vsel vm9, $0x280, v0;
	v3 =	vsel vm9, $0x2280, v3;
	v4 =	vsel vm9, $0xEF0, v4  }
0x4c: {  	v5 =	vsel vm9, $0x2EF0, v5;
	v6 =	vsel vm9, $0xEF1, v6;
	v7 =	vsel vm9, $0x2EF1, v7  }
0x4d: {  	v8 =	vsel vm9, $0xEF2, v8;
	v9 =	vsel vm9, $0x2EF2, v9;
	v10 =	vsel vm9, $0xEF3, v10  }
0x4e: {  	v11 =	vsel vm9, $0x2EF3, v11;
	v12 =	vsel vm9, $0xEF4, v12;
	v13 =	vsel vm9, $0x2EF4, v13  }
0x4f: {  	v14 =	vsel vm9, $0xEF5, v14;
	v15 =	vsel vm9, $0x2EF5, v15;
	v16 =	vsel vm9, $0xEF6, v16  }
0x50: {  	v17 =	vsel vm9, $0x2EF6, v17;
	v18 =	vsel vm9, $0xEF7, v18;
	v19 =	vsel vm9, $0x2EF7, v19  }
0x51: {  	v20 =	vsel vm9, $0xEF8, v20;
	v21 =	vsel vm9, $0x2EF8, v21;
	v22 =	vsel vm9, $0xEF9, v22  }
0x52: {  	v23 =	vsel vm9, $0x2EF9, v23;
	v24 =	vsel vm9, $0xEFA, v24;
	v25 =	vsel vm9, $0x2EFA, v25  }
0x53: {  	v26 =	vsel vm9, $0xEFB, v26;
	v27 =	vsel vm9, $0x2EFB, v27;
	v28 =	vsel vm9, $0xEFC, v28  }
0x54: {  	v29 =	vsel vm9, $0x2EFC, v29;
	v30 =	vsel vm9, $0xEFD, v30;
	v31 =	vsel vm9, $0x2EFD, v31  }
0x55: {  	v32 =	vsel vm9, $0xEFE, v32;
	v33 =	vsel vm9, $0x2EFE, v33;
	v34 =	vsel vm9, $0xEFF, v34  }
0x56: {  	v35 =	vsel vm9, $0x2EFF, v35;
	v0 =	vsel vm8, $0x300, v0;
	v3 =	vsel vm8, $0x2300, v3  }
0x57: {  	v4 =	vsel vm8, $0xF70, v4;
	v5 =	vsel vm8, $0x2F70, v5;
	v6 =	vsel vm8, $0xF71, v6  }
0x58: {  	v7 =	vsel vm8, $0x2F71, v7;
	v8 =	vsel vm8, $0xF72, v8;
	v9 =	vsel vm8, $0x2F72, v9  }
0x59: {  	v10 =	vsel vm8, $0xF73, v10;
	v11 =	vsel vm8, $0x2F73, v11;
	v12 =	vsel vm8, $0xF74, v12  }
0x5a: {  	v13 =	vsel vm8, $0x2F74, v13;
	v14 =	vsel vm8, $0xF75, v14;
	v15 =	vsel vm8, $0x2F75, v15  }
0x5b: {  	v16 =	vsel vm8, $0xF76, v16;
	v17 =	vsel vm8, $0x2F76, v17;
	v18 =	vsel vm8, $0xF77, v18  }
0x5c: {  	v19 =	vsel vm8, $0x2F77, v19;
	v20 =	vsel vm8, $0xF78, v20;
	v21 =	vsel vm8, $0x2F78, v21  }
0x5d: {  	v22 =	vsel vm8, $0xF79, v22;
	v23 =	vsel vm8, $0x2F79, v23;
	v24 =	vsel vm8, $0xF7A, v24  }
0x5e: {  	v25 =	vsel vm8, $0x2F7A, v25;
	v26 =	vsel vm8, $0xF7B, v26;
	v27 =	vsel vm8, $0x2F7B, v27  }
0x5f: {  	v28 =	vsel vm8, $0xF7C, v28;
	v29 =	vsel vm8, $0x2F7C, v29;
	v30 =	vsel vm8, $0xF7D, v30  }
0x60: {  	v31 =	vsel vm8, $0x2F7D, v31;
	v32 =	vsel vm8, $0xF7E, v32;
	v33 =	vsel vm8, $0x2F7E, v33  }
0x61: {  	v34 =	vsel vm8, $0xF7F, v34;
	v35 =	vsel vm8, $0x2F7F, v35;
	v0 =	vsel vm7, $0x380, v0  }
0x62: {  	v3 =	vsel vm7, $0x2380, v3;
	v4 =	vsel vm7, $0xFF0, v4;
	v5 =	vsel vm7, $0x2FF0, v5  }
0x63: {  	v6 =	vsel vm7, $0xFF1, v6;
	v7 =	vsel vm7, $0x2FF1, v7;
	v8 =	vsel vm7, $0xFF2, v8  }
0x64: {  	v9 =	vsel vm7, $0x2FF2, v9;
	v10 =	vsel vm7, $0xFF3, v10;
	v11 =	vsel vm7, $0x2FF3, v11  }
0x65: {  	v12 =	vsel vm7, $0xFF4, v12;
	v13 =	vsel vm7, $0x2FF4, v13;
	v14 =	vsel vm7, $0xFF5, v14  }
0x66: {  	v15 =	vsel vm7, $0x2FF5, v15;
	v16 =	vsel vm7, $0xFF6, v16;
	v17 =	vsel vm7, $0x2FF6, v17  }
0x67: {  	v18 =	vsel vm7, $0xFF7, v18;
	v19 =	vsel vm7, $0x2FF7, v19;
	v20 =	vsel vm7, $0xFF8, v20  }
0x68: {  	v21 =	vsel vm7, $0x2FF8, v21;
	v22 =	vsel vm7, $0xFF9, v22;
	v23 =	vsel vm7, $0x2FF9, v23  }
0x69: {  	v24 =	vsel vm7, $0xFFA, v24;
	v25 =	vsel vm7, $0x2FFA, v25;
	v26 =	vsel vm7, $0xFFB, v26  }
0x6a: {  	v27 =	vsel vm7, $0x2FFB, v27;
	v28 =	vsel vm7, $0xFFC, v28;
	v29 =	vsel vm7, $0x2FFC, v29  }
0x6b: {  	v30 =	vsel vm7, $0xFFD, v30;
	v31 =	vsel vm7, $0x2FFD, v31;
	v32 =	vsel vm7, $0xFFE, v32  }
0x6c: {  	v33 =	vsel vm7, $0x2FFE, v33;
	v34 =	vsel vm7, $0xFFF, v34;
	v35 =	vsel vm7, $0x2FFF, v35  }
0x6d: {  	v0 =	vsel vm6, $0x1000, v0;
	v3 =	vsel vm6, $0x3000, v3;
	v4 =	vsel vm6, $0x1C70, v4  }
0x6e: {  	v5 =	vsel vm6, $0x3C70, v5;
	v6 =	vsel vm6, $0x1C71, v6;
	v7 =	vsel vm6, $0x3C71, v7  }
0x6f: {  	v8 =	vsel vm6, $0x1C72, v8;
	v9 =	vsel vm6, $0x3C72, v9;
	v10 =	vsel vm6, $0x1C73, v10  }
0x70: {  	v11 =	vsel vm6, $0x3C73, v11;
	v12 =	vsel vm6, $0x1C74, v12;
	v13 =	vsel vm6, $0x3C74, v13  }
0x71: {  	v14 =	vsel vm6, $0x1C75, v14;
	v15 =	vsel vm6, $0x3C75, v15;
	v16 =	vsel vm6, $0x1C76, v16  }
0x72: {  	v17 =	vsel vm6, $0x3C76, v17;
	v18 =	vsel vm6, $0x1C77, v18;
	v19 =	vsel vm6, $0x3C77, v19  }
0x73: {  	v20 =	vsel vm6, $0x1C78, v20;
	v21 =	vsel vm6, $0x3C78, v21;
	v22 =	vsel vm6, $0x1C79, v22  }
0x74: {  	v23 =	vsel vm6, $0x3C79, v23;
	v24 =	vsel vm6, $0x1C7A, v24;
	v25 =	vsel vm6, $0x3C7A, v25  }
0x75: {  	v26 =	vsel vm6, $0x1C7B, v26;
	v27 =	vsel vm6, $0x3C7B, v27;
	v28 =	vsel vm6, $0x1C7C, v28  }
0x76: {  	v29 =	vsel vm6, $0x3C7C, v29;
	v30 =	vsel vm6, $0x1C7D, v30;
	v31 =	vsel vm6, $0x3C7D, v31  }
0x77: {  	v32 =	vsel vm6, $0x1C7E, v32;
	v33 =	vsel vm6, $0x3C7E, v33;
	v34 =	vsel vm6, $0x1C7F, v34  }
0x78: {  	v35 =	vsel vm6, $0x3C7F, v35;
	v0 =	vsel vm5, $0x1080, v0;
	v3 =	vsel vm5, $0x3080, v3  }
0x79: {  	v4 =	vsel vm5, $0x1CF0, v4;
	v5 =	vsel vm5, $0x3CF0, v5;
	v6 =	vsel vm5, $0x1CF1, v6  }
0x7a: {  	v7 =	vsel vm5, $0x3CF1, v7;
	v8 =	vsel vm5, $0x1CF2, v8;
	v9 =	vsel vm5, $0x3CF2, v9  }
0x7b: {  	v10 =	vsel vm5, $0x1CF3, v10;
	v11 =	vsel vm5, $0x3CF3, v11;
	v12 =	vsel vm5, $0x1CF4, v12  }
0x7c: {  	v13 =	vsel vm5, $0x3CF4, v13;
	v14 =	vsel vm5, $0x1CF5, v14;
	v15 =	vsel vm5, $0x3CF5, v15  }
0x7d: {  	v16 =	vsel vm5, $0x1CF6, v16;
	v17 =	vsel vm5, $0x3CF6, v17;
	v18 =	vsel vm5, $0x1CF7, v18  }
0x7e: {  	v19 =	vsel vm5, $0x3CF7, v19;
	v20 =	vsel vm5, $0x1CF8, v20;
	v21 =	vsel vm5, $0x3CF8, v21  }
0x7f: {  	v22 =	vsel vm5, $0x1CF9, v22;
	v23 =	vsel vm5, $0x3CF9, v23;
	v24 =	vsel vm5, $0x1CFA, v24  }
0x80: {  	v25 =	vsel vm5, $0x3CFA, v25;
	v26 =	vsel vm5, $0x1CFB, v26;
	v27 =	vsel vm5, $0x3CFB, v27  }
0x81: {  	v28 =	vsel vm5, $0x1CFC, v28;
	v29 =	vsel vm5, $0x3CFC, v29;
	v30 =	vsel vm5, $0x1CFD, v30  }
0x82: {  	v31 =	vsel vm5, $0x3CFD, v31;
	v32 =	vsel vm5, $0x1CFE, v32;
	v33 =	vsel vm5, $0x3CFE, v33  }
0x83: {  	v34 =	vsel vm5, $0x1CFF, v34;
	v35 =	vsel vm5, $0x3CFF, v35;
	v0 =	vsel vm4, $0x1100, v0  }
0x84: {  	v3 =	vsel vm4, $0x3100, v3;
	v4 =	vsel vm4, $0x1D70, v4;
	v5 =	vsel vm4, $0x3D70, v5  }
0x85: {  	v6 =	vsel vm4, $0x1D71, v6;
	v7 =	vsel vm4, $0x3D71, v7;
	v8 =	vsel vm4, $0x1D72, v8  }
0x86: {  	v9 =	vsel vm4, $0x3D72, v9;
	v10 =	vsel vm4, $0x1D73, v10;
	v11 =	vsel vm4, $0x3D73, v11  }
0x87: {  	v12 =	vsel vm4, $0x1D74, v12;
	v13 =	vsel vm4, $0x3D74, v13;
	v14 =	vsel vm4, $0x1D75, v14  }
0x88: {  	v15 =	vsel vm4, $0x3D75, v15;
	v16 =	vsel vm4, $0x1D76, v16;
	v17 =	vsel vm4, $0x3D76, v17  }
0x89: {  	v18 =	vsel vm4, $0x1D77, v18;
	v19 =	vsel vm4, $0x3D77, v19;
	v20 =	vsel vm4, $0x1D78, v20  }
0x8a: {  	v21 =	vsel vm4, $0x3D78, v21;
	v22 =	vsel vm4, $0x1D79, v22;
	v23 =	vsel vm4, $0x3D79, v23  }
0x8b: {  	v24 =	vsel vm4, $0x1D7A, v24;
	v25 =	vsel vm4, $0x3D7A, v25;
	v26 =	vsel vm4, $0x1D7B, v26  }
0x8c: {  	v27 =	vsel vm4, $0x3D7B, v27;
	v28 =	vsel vm4, $0x1D7C, v28;
	v29 =	vsel vm4, $0x3D7C, v29  }
0x8d: {  	v30 =	vsel vm4, $0x1D7D, v30;
	v31 =	vsel vm4, $0x3D7D, v31;
	v32 =	vsel vm4, $0x1D7E, v32  }
0x8e: {  	v33 =	vsel vm4, $0x3D7E, v33;
	v34 =	vsel vm4, $0x1D7F, v34;
	v35 =	vsel vm4, $0x3D7F, v35  }
0x8f: {  	v2 =	vsel vm3, $0x1180, v0;
	v0 =	vmul.u32 $0x80, v1;
	v3 =	vsel vm3, $0x3180, v3  }
0x90: {  	v4 =	vsel vm3, $0x1DF0, v4;
	v5 =	vsel vm3, $0x3DF0, v5;
	v6 =	vsel vm3, $0x1DF1, v6  }
0x91: {  	v7 =	vsel vm3, $0x3DF1, v7;
	v8 =	vsel vm3, $0x1DF2, v8;
	v9 =	vsel vm3, $0x3DF2, v9  }
0x92: {  	v10 =	vsel vm3, $0x1DF3, v10;
	v11 =	vsel vm3, $0x3DF3, v11;
	v12 =	vsel vm3, $0x1DF4, v12  }
0x93: {  	v13 =	vsel vm3, $0x3DF4, v13;
	v14 =	vsel vm3, $0x1DF5, v14;
	v15 =	vsel vm3, $0x3DF5, v15  }
0x94: {  	v16 =	vsel vm3, $0x1DF6, v16;
	v17 =	vsel vm3, $0x3DF6, v17;
	v18 =	vsel vm3, $0x1DF7, v18  }
0x95: {  	v19 =	vsel vm3, $0x3DF7, v19;
	v20 =	vsel vm3, $0x1DF8, v20;
	v21 =	vsel vm3, $0x3DF8, v21  }
0x96: {  	v22 =	vsel vm3, $0x1DF9, v22;
	v23 =	vsel vm3, $0x3DF9, v23;
	v24 =	vsel vm3, $0x1DFA, v24  }
0x97: {  	v25 =	vsel vm3, $0x3DFA, v25;
	v26 =	vsel vm3, $0x1DFB, v26;
	v27 =	vsel vm3, $0x3DFB, v27  }
0x98: {  	v28 =	vsel vm3, $0x1DFC, v28;
	v29 =	vsel vm3, $0x3DFC, v29;
	v30 =	vsel vm3, $0x1DFD, v30  }
0x99: {  	v31 =	vsel vm3, $0x3DFD, v31;
	v32 =	vsel vm3, $0x1DFE, v32;
	v33 =	vsel vm3, $0x3DFE, v33  }
0x9a: {  	v34 =	vsel vm3, $0x1DFF, v34;
	v35 =	vsel vm3, $0x3DFF, v35;
	v1 =	vsel vm2, $0x1200, v2  }
0x9b: {  	v3 =	vsel vm2, $0x3200, v3;
	v4 =	vsel vm2, $0x1E70, v4;
	v5 =	vsel vm2, $0x3E70, v5  }
0x9c: {  	v6 =	vsel vm2, $0x1E71, v6;
	v7 =	vsel vm2, $0x3E71, v7;
	v8 =	vsel vm2, $0x1E72, v8  }
0x9d: {  	v9 =	vsel vm2, $0x3E72, v9;
	v10 =	vsel vm2, $0x1E73, v10;
	v11 =	vsel vm2, $0x3E73, v11  }
0x9e: {  	v12 =	vsel vm2, $0x1E74, v12;
	v13 =	vsel vm2, $0x3E74, v13;
	v14 =	vsel vm2, $0x1E75, v14  }
0x9f: {  	v15 =	vsel vm2, $0x3E75, v15;
	v16 =	vsel vm2, $0x1E76, v16;
	v17 =	vsel vm2, $0x3E76, v17  }
0xa0: {  	v18 =	vsel vm2, $0x1E77, v18;
	v19 =	vsel vm2, $0x3E77, v19;
	v20 =	vsel vm2, $0x1E78, v20  }
0xa1: {  	v21 =	vsel vm2, $0x3E78, v21;
	v22 =	vsel vm2, $0x1E79, v22;
	v23 =	vsel vm2, $0x3E79, v23  }
0xa2: {  	v24 =	vsel vm2, $0x1E7A, v24;
	v25 =	vsel vm2, $0x3E7A, v25;
	v26 =	vsel vm2, $0x1E7B, v26  }
0xa3: {  	v27 =	vsel vm2, $0x3E7B, v27;
	v28 =	vsel vm2, $0x1E7C, v28;
	v29 =	vsel vm2, $0x3E7C, v29  }
0xa4: {  	v30 =	vsel vm2, $0x1E7D, v30;
	v31 =	vsel vm2, $0x3E7D, v31;
	v32 =	vsel vm2, $0x1E7E, v32  }
0xa5: {  	v33 =	vsel vm2, $0x3E7E, v33;
	v34 =	vsel vm2, $0x1E7F, v34;
	v35 =	vsel vm2, $0x3E7F, v35  }
0xa6: {  	v1 =	vsel vm1, $0x1280, v1;
	v2 =	vor.u32 $0x800, v0;
	v3 =	vsel vm1, $0x3280, v3  }
0xa7: {  	v4 =	vsel vm1, $0x1EF0, v4;
	v5 =	vsel vm1, $0x3EF0, v5;
	v6 =	vsel vm1, $0x1EF1, v6  }
0xa8: {  	v7 =	vsel vm1, $0x3EF1, v7;
	v8 =	vsel vm1, $0x1EF2, v8;
	v9 =	vsel vm1, $0x3EF2, v9  }
0xa9: {  	v10 =	vsel vm1, $0x1EF3, v10;
	v11 =	vsel vm1, $0x3EF3, v11;
	v12 =	vsel vm1, $0x1EF4, v12  }
0xaa: {  	v13 =	vsel vm1, $0x3EF4, v13;
	v14 =	vsel vm1, $0x1EF5, v14;
	v15 =	vsel vm1, $0x3EF5, v15  }
0xab: {  	s17 =	rddreg [dreg:$0x0];
	v16 =	vsel vm1, $0x1EF6, v16;
	v17 =	vsel vm1, $0x3EF6, v17;
	v18 =	vsel vm1, $0x1EF7, v18  }
0xac: {  	s0 =	rddreg [dreg:$0x1];
	v19 =	vsel vm1, $0x3EF7, v19;
	v20 =	vsel vm1, $0x1EF8, v20;
	v21 =	vsel vm1, $0x3EF8, v21  }
0xad: {  	s1 =	rddreg [dreg:$0x2];
	v22 =	vsel vm1, $0x1EF9, v22;
	v23 =	vsel vm1, $0x3EF9, v23;
	v24 =	vsel vm1, $0x1EFA, v24  }
0xae: {  	s2 =	srdreg.scid;
	s5 =	simm.s32 $0x0;
	s16 =	simm.s32 $0x11;
	v25 =	vsel vm1, $0x3EFA, v25;
	v26 =	vsel vm1, $0x1EFB, v26;
	v27 =	vsel vm1, $0x3EFB, v27  }
0xaf: {  	s4 =	stileid.u32;
	s8 =	simm.s32 $0x400;
	s9 =	simm.s32 $0x7A1400;
	v28 =	vsel vm1, $0x1EFC, v28;
	v29 =	vsel vm1, $0x3EFC, v29;
	v30 =	vsel vm1, $0x1EFD, v30  }
0xb0: {  	s21 =	simm.s32 $0xB200;
	s22 =	simm.s32 $0xC200;
	s23 =	simm.s32 $0xD200;
	v31 =	vsel vm1, $0x3EFD, v31;
	v32 =	vsel vm1, $0x1EFE, v32;
	v33 =	vsel vm1, $0x3EFE, v33  }
0xb1: {  	s28 =	simm.s32 $0x10200;
	s29 =	simm.s32 $0x2;
	s30 =	simm.s32 $0x3;
	v34 =	vsel vm1, $0x1EFF, v34;
	v35 =	vsel vm1, $0x3EFF, v35;
	v1 =	vsel vm0, $0x1300, v1  }
0xb2: {  	s31 =	simm.s32 $0x4;
	s7 =	simm.s32 $0xA;
	s6 =	simm.s32 $0xB;
	v3 =	vsel vm0, $0x3300, v3;
	v4 =	vsel vm0, $0x1F70, v4;
	v5 =	vsel vm0, $0x3F70, v5  }
0xb3: {  	s10 =	simm.s32 $0xD;
	s11 =	simm.s32 $0xE;
	s12 =	simm.s32 $0xF;
	v6 =	vsel vm0, $0x1F71, v6;
	v7 =	vsel vm0, $0x3F71, v7;
	v8 =	vsel vm0, $0x1F72, v8  }
0xb4: {  	s13 =	simm.s32 $0x10;
	s15 =	simm.s32 $0x0;
	s2 =	sand.u32 $0x1, s2;
	v9 =	vsel vm0, $0x3F72, v9;
	v10 =	vsel vm0, $0x1F73, v10;
	v11 =	vsel vm0, $0x3F73, v11  }
0xb5: {  	s4 =	sshll.u32 s4, $0xA;
	[smem:$0x7FF] =	sst s5;
	s3 =	ssub.s32 $0x2, s2;
	v12 =	vsel vm0, $0x1F74, v12;
	v13 =	vsel vm0, $0x3F74, v13;
	v14 =	vsel vm0, $0x1F75, v14  }
0xb6: {  	s5 =	simm.s32 $0x9;
	s2 =	sshll.u32 s2, $0x9;
	s24 =	sshrl.u32 s3, $0x1;
	v15 =	vsel vm0, $0x3F75, v15;
	v16 =	vsel vm0, $0x1F76, v16;
	v17 =	vsel vm0, $0x3F76, v17  }
0xb7: {  	_ =	strace $0x80000047;
	s2 =	sor.u32 s2, s4;
	s3 =	ssub.s32 s3, s24;
	v18 =	vsel vm0, $0x1F77, v18;
	v19 =	vsel vm0, $0x3F77, v19;
	v20 =	vsel vm0, $0x1F78, v20  }
0xb8: {  	s4 =	sshrl.u32 s2, $0x3;
	s25 =	sadd.s32 s1, s2;
	s24 =	simm.s32 $0xE200;
	v21 =	vsel vm0, $0x3F78, v21;
	v22 =	vsel vm0, $0x1F79, v22;
	v23 =	vsel vm0, $0x3F79, v23  }
0xb9: {  	s1 =	simm.s32 $0x5;
	s2 =	simm.s32 $0x6;
	s0 =	sadd.s32 s0, s4;
	v24 =	vsel vm0, $0x1F7A, v24;
	v25 =	vsel vm0, $0x3F7A, v25;
	v26 =	vsel vm0, $0x1F7B, v26  }
0xba: {  	[dreg:$0x5] =	wrdreg s25;
	s26 =	smax.u32 s3, $0x1;
	s25 =	simm.s32 $0xF200;
	v27 =	vsel vm0, $0x3F7B, v27;
	v28 =	vsel vm0, $0x1F7C, v28;
	v29 =	vsel vm0, $0x3F7C, v29  }
0xbb: {  	s3 =	simm.s32 $0x7;
	s4 =	simm.s32 $0x8;
	[dreg:$0x4] =	wrdreg s0;
	v30 =	vsel vm0, $0x1F7D, v30;
	v31 =	vsel vm0, $0x3F7D, v31;
	v32 =	vsel vm0, $0x1F7E, v32  }
0xbc: {  	[dreg:$0x6] =	wrdreg s26;
	s26 =	simm.s32 $0x1;
	s0 =	simm.s32 $0xC;
	v33 =	vsel vm0, $0x3F7E, v33;
	v34 =	vsel vm0, $0x1F7F, v34;
	v35 =	vsel vm0, $0x3F7F, v35  }
.LBB2_1:
0xbd: {  	[dreg:$0x7] =	wrdreg s15  }
0xbe: {  	s14 =	simm.s32 $0x0;
	s20 =	rddreg [dreg:$0x4]  }
0xbf: {  	[tilespmem:s14], [sflag:$0x11] =	stream.linear.gather [hbm4b:s20+s14], $0x200, $0x38;
	[tilespmem:$0x14200] =	vst v63  }
0xc0: {  	_ =	swait.ge [sflag:s16], $0x200  }
0xc1: {  	[sflag:s16] =	ssyncset.done $0x0  }
0xc2: {  	[sflag:s16] =	ssyncadd.s32 $0xFFFFFE00  }
0xc3: {  	v36 =	vld [tilespmem:$0x0];
	_ =	sdelay $0x4  }
0xc4: {  	v36 =	vand.u32 $0xFFFFFF80, v36  }
0xc5: {  	v36 =	vadd.s32 s17, v36  }
0xc6: {  	(v2sf) =	vpush v36, $0x0;
	_ =	sdelay $0x1  }
0xc7: {  	(v2sf) =	vpush v36, $0x1;
	_ =	sdelay $0x1  }
0xc8: {  	(v2sf) =	vpush v36, $0x2;
	_ =	sdelay $0x1  }
0xc9: {  	(v2sf) =	vpush v36, $0x3;
	_ =	sdelay $0x1  }
0xca: {  	(v2sf) =	vpush v36, $0x4;
	_ =	sdelay $0x1  }
0xcb: {  	(v2sf) =	vpush v36, $0x5;
	_ =	sdelay $0x1  }
0xcc: {  	(v2sf) =	vpush v36, $0x6;
	_ =	sdelay $0x1  }
0xcd: {  	(v2sf) =	vpush v36, $0x7  }
0xce: {  	s15 =	simm.s32 $0x200;
	s16 =	spop (v2sf)  }
0xcf: {  	(v2sf) =	vpush v36, $0x8;
	[tilespmem:s15], [sflag:$0x1] =	stream.strided.gather [hbm4b:s16+s8], $0x1000, s9, s8, $0x38;
	[tilespmem:$0x14200] =	vst v63  }
0xd0: {  	s18 =	spop (v2sf);
	s16 =	simm.s32 $0x1200  }
0xd1: {  	(v2sf) =	vpush v36, $0x9;
	[tilespmem:s16], [sflag:$0x2] =	stream.strided.gather [hbm4b:s18+s8], $0x1000, s9, s8, $0x38;
	[tilespmem:$0x14200] =	vst v63  }
0xd2: {  	s19 =	spop (v2sf);
	s18 =	simm.s32 $0x2200  }
0xd3: {  	(v2sf) =	vpush v36, $0xA;
	[tilespmem:s18], [sflag:$0x3] =	stream.strided.gather [hbm4b:s19+s8], $0x1000, s9, s8, $0x38;
	[tilespmem:$0x14200] =	vst v63  }
0xd4: {  	s20 =	spop (v2sf);
	s19 =	simm.s32 $0x3200  }
0xd5: {  	(v2sf) =	vpush v36, $0xB;
	[tilespmem:s19], [sflag:$0x4] =	stream.strided.gather [hbm4b:s20+s8], $0x1000, s9, s8, $0x38;
	[tilespmem:$0x14200] =	vst v63  }
0xd6: {  	s14 =	spop (v2sf);
	s20 =	simm.s32 $0x4200  }
0xd7: {  	(v2sf) =	vpush v36, $0xC;
	[tilespmem:s20], [sflag:$0x5] =	stream.strided.gather [hbm4b:s14+s8], $0x1000, s9, s8, $0x38;
	[tilespmem:$0x14200] =	vst v63  }
0xd8: {  	s14 =	spop (v2sf);
	s20 =	simm.s32 $0x5200  }
0xd9: {  	(v2sf) =	vpush v36, $0xD;
	[tilespmem:s20], [sflag:$0x6] =	stream.strided.gather [hbm4b:s14+s8], $0x1000, s9, s8, $0x38;
	[tilespmem:$0x14200] =	vst v63  }
0xda: {  	s14 =	spop (v2sf);
	s20 =	simm.s32 $0x6200  }
0xdb: {  	(v2sf) =	vpush v36, $0xE;
	[tilespmem:s20], [sflag:$0x7] =	stream.strided.gather [hbm4b:s14+s8], $0x1000, s9, s8, $0x38;
	[tilespmem:$0x14200] =	vst v63  }
0xdc: {  	s14 =	spop (v2sf);
	s20 =	simm.s32 $0x7200  }
0xdd: {  	(v2sf) =	vpush v36, $0xF;
	[tilespmem:s20], [sflag:$0x8] =	stream.strided.gather [hbm4b:s14+s8], $0x1000, s9, s8, $0x38;
	[tilespmem:$0x14200] =	vst v63  }
0xde: {  	s14 =	spop (v2sf);
	s20 =	simm.s32 $0x8200  }
0xdf: {  	[tilespmem:s20], [sflag:$0x9] =	stream.strided.gather [hbm4b:s14+s8], $0x1000, s9, s8, $0x38;
	[tilespmem:$0x14200] =	vst v63  }
0xe0: {  	s14 =	spop (v2sf);
	s20 =	simm.s32 $0x9200  }
0xe1: {  	[tilespmem:s20], [sflag:$0xA] =	stream.strided.gather [hbm4b:s14+s8], $0x1000, s9, s8, $0x38;
	[tilespmem:$0x14200] =	vst v63  }
0xe2: {  	s14 =	spop (v2sf);
	s20 =	simm.s32 $0xA200  }
0xe3: {  	[tilespmem:s20], [sflag:$0xB] =	stream.strided.gather [hbm4b:s14+s8], $0x1000, s9, s8, $0x38;
	[tilespmem:$0x14200] =	vst v63  }
0xe4: {  	s20 =	spop (v2sf)  }
0xe5: {  	[tilespmem:s21], [sflag:$0xC] =	stream.strided.gather [hbm4b:s20+s8], $0x1000, s9, s8, $0x38;
	[tilespmem:$0x14200] =	vst v63  }
0xe6: {  	s20 =	spop (v2sf)  }
0xe7: {  	[tilespmem:s22], [sflag:$0xD] =	stream.strided.gather [hbm4b:s20+s8], $0x1000, s9, s8, $0x38;
	[tilespmem:$0x14200] =	vst v63  }
0xe8: {  	s20 =	spop (v2sf)  }
0xe9: {  	[tilespmem:s23], [sflag:$0xE] =	stream.strided.gather [hbm4b:s20+s8], $0x1000, s9, s8, $0x38;
	[tilespmem:$0x14200] =	vst v63  }
0xea: {  	s20 =	spop (v2sf)  }
0xeb: {  	[tilespmem:s24], [sflag:$0xF] =	stream.strided.gather [hbm4b:s20+s8], $0x1000, s9, s8, $0x38;
	[tilespmem:$0x14200] =	vst v63  }
0xec: {  	s20 =	spop (v2sf)  }
0xed: {  	[tilespmem:s25], [sflag:$0x10] =	stream.strided.gather [hbm4b:s20+s8], $0x1000, s9, s8, $0x38;
	[tilespmem:$0x14200] =	vst v63  }
0xee: {  	v61 =	vld [tilespmem:s13+$0xFFFFFFF0];
	_ =	sdelay $0x1  }
0xef: {  	v38 =	vld [tilespmem:s13+$0x0];
	_ =	sdelay $0x2  }
0xf0: {  	v37 =	vand.u32 $0x7F, v61  }
0xf1: {  	v39 =	vbroadcast v37, $0x0  }
0xf2: {  	v62 =	vand.u32 $0xFFFFFF80, v38  }
0xf3: {  	s20 =	simm.s32 $0x0;
	_ =	swait.ge [sflag:s26], $0x1000;
	v36 =	vadd.s32 s17, v62;
	v63 =	vor.u32 v0, v39  }
0xf4: {  	v40 =	vmov s20;
	(v2sf) =	vpush v36, $0x0  }
0xf5: {  	v41 =	vshll.u32 v40, $0x3  }
0xf6: {  	[sflag:s26] =	ssyncset.done $0x0;
	v40 =	vand.u32 $0x70, v40;
	v41 =	vand.u32 $0xC00, v41  }
0xf7: {  	[sflag:s26] =	ssyncadd.s32 $0xFFFFF000;
	v40 =	vor.u32 v40, v41  }
0xf8: {  	v41 =	vor.u32 v1, v40;
	v38 =	vld.idx.msk [tilespmem:v63+s15+$0x0], $0xffff  }
0xf9: {  	v39 =	vor.u32 v2, v39;
	_ =	sdelay $0x3  }
0xfa: {  	[tilespmem:v41+s28+$0x0] =	vst.idx.msk $0xffff, v38  }
0xfb: {  	v44 =	vor.u32 v3, v40;
	v38 =	vld.idx.msk [tilespmem:v39+s15+$0x0], $0xffff;
	_ =	sdelay $0x4  }
0xfc: {  	v45 =	vbroadcast v37, $0x1;
	s20 =	spop (v2sf);
	[tilespmem:v44+s28+$0x0] =	vst.idx.msk $0xffff, v38  }
0xfd: {  	[tilespmem:s15], [sflag:$0x1] =	stream.strided.gather [hbm4b:s20+s8], $0x1000, s9, s8, $0x38;
	[tilespmem:$0x14200] =	vst v63  }
0xfe: {  	v46 =	vor.u32 v0, v45;
	s15 =	simm.s32 $0x1;
	_ =	swait.ge [sflag:s29], $0x1000  }
0xff: {  	v47 =	vmov s15;
	(v2sf) =	vpush v36, $0x1  }
0x100: {  	v48 =	vshll.u32 v47, $0x3  }
0x101: {  	[sflag:s29] =	ssyncset.done $0x0;
	v39 =	vand.u32 $0x71, v47;
	v41 =	vand.u32 $0xC00, v48  }
0x102: {  	[sflag:s29] =	ssyncadd.s32 $0xFFFFF000;
	v39 =	vor.u32 v39, v41  }
0x103: {  	v38 =	vld.idx.msk [tilespmem:v46+s16+$0x0], $0xffff;
	v41 =	vor.u32 v1, v39  }
0x104: {  	v40 =	vor.u32 v2, v45;
	_ =	sdelay $0x3  }
0x105: {  	[tilespmem:v41+s28+$0x0] =	vst.idx.msk $0xffff, v38  }
0x106: {  	v39 =	vor.u32 v3, v39;
	v38 =	vld.idx.msk [tilespmem:v40+s16+$0x0], $0xffff;
	_ =	sdelay $0x4  }
0x107: {  	v49 =	vbroadcast v37, $0x2;
	[tilespmem:v39+s28+$0x0] =	vst.idx.msk $0xffff, v38;
	s20 =	spop (v2sf)  }
0x108: {  	[tilespmem:s16], [sflag:$0x2] =	stream.strided.gather [hbm4b:s20+s8], $0x1000, s9, s8, $0x38;
	[tilespmem:$0x14200] =	vst v63  }
0x109: {  	v50 =	vor.u32 v0, v49;
	s15 =	simm.s32 $0x2;
	_ =	swait.ge [sflag:s30], $0x1000  }
0x10a: {  	v51 =	vmov s15;
	(v2sf) =	vpush v36, $0x2  }
0x10b: {  	v52 =	vshll.u32 v51, $0x3  }
0x10c: {  	v41 =	vand.u32 $0xC00, v52;
	v39 =	vand.u32 $0x72, v51;
	[sflag:s30] =	ssyncset.done $0x0  }
0x10d: {  	v39 =	vor.u32 v39, v41;
	[sflag:s30] =	ssyncadd.s32 $0xFFFFF000  }
0x10e: {  	v41 =	vor.u32 v1, v39;
	v38 =	vld.idx.msk [tilespmem:v50+s18+$0x0], $0xffff  }
0x10f: {  	v40 =	vor.u32 v2, v49;
	_ =	sdelay $0x3  }
0x110: {  	[tilespmem:v41+s28+$0x0] =	vst.idx.msk $0xffff, v38  }
0x111: {  	v39 =	vor.u32 v3, v39;
	v38 =	vld.idx.msk [tilespmem:v40+s18+$0x0], $0xffff;
	_ =	sdelay $0x4  }
0x112: {  	v53 =	vbroadcast v37, $0x3;
	[tilespmem:v39+s28+$0x0] =	vst.idx.msk $0xffff, v38;
	s16 =	spop (v2sf)  }
0x113: {  	[tilespmem:s18], [sflag:$0x3] =	stream.strided.gather [hbm4b:s16+s8], $0x1000, s9, s8, $0x38;
	[tilespmem:$0x14200] =	vst v63  }
0x114: {  	v54 =	vor.u32 v0, v53;
	s20 =	simm.s32 $0x3;
	_ =	swait.ge [sflag:s31], $0x1000  }
0x115: {  	v55 =	vmov s20;
	(v2sf) =	vpush v36, $0x3  }
0x116: {  	v56 =	vshll.u32 v55, $0x3  }
0x117: {  	v41 =	vand.u32 $0xC00, v56;
	v39 =	vand.u32 $0x73, v55;
	[sflag:s31] =	ssyncset.done $0x0  }
0x118: {  	v39 =	vor.u32 v39, v41;
	[sflag:s31] =	ssyncadd.s32 $0xFFFFF000  }
0x119: {  	v41 =	vor.u32 v1, v39;
	v38 =	vld.idx.msk [tilespmem:v54+s19+$0x0], $0xffff  }
0x11a: {  	v40 =	vor.u32 v2, v53;
	_ =	sdelay $0x3  }
0x11b: {  	[tilespmem:v41+s28+$0x0] =	vst.idx.msk $0xffff, v38  }
0x11c: {  	v39 =	vor.u32 v3, v39;
	v38 =	vld.idx.msk [tilespmem:v40+s19+$0x0], $0xffff;
	_ =	sdelay $0x4  }
0x11d: {  	v57 =	vbroadcast v37, $0x4;
	[tilespmem:v39+s28+$0x0] =	vst.idx.msk $0xffff, v38;
	s15 =	spop (v2sf)  }
0x11e: {  	[tilespmem:s19], [sflag:$0x4] =	stream.strided.gather [hbm4b:s15+s8], $0x1000, s9, s8, $0x38;
	[tilespmem:$0x14200] =	vst v63  }
0x11f: {  	v58 =	vor.u32 v0, v57;
	s16 =	simm.s32 $0x4;
	_ =	swait.ge [sflag:s1], $0x1000  }
0x120: {  	v59 =	vmov s16;
	(v2sf) =	vpush v36, $0x4  }
0x121: {  	v60 =	vshll.u32 v59, $0x3  }
0x122: {  	v41 =	vand.u32 $0xC00, v60;
	v39 =	vand.u32 $0x74, v59;
	[sflag:s1] =	ssyncset.done $0x0  }
0x123: {  	s18 =	simm.s32 $0x4200;
	v39 =	vor.u32 v39, v41;
	[sflag:s1] =	ssyncadd.s32 $0xFFFFF000  }
0x124: {  	v41 =	vor.u32 v1, v39;
	v38 =	vld.idx.msk [tilespmem:v58+s18+$0x0], $0xffff  }
0x125: {  	v40 =	vor.u32 v2, v57;
	_ =	sdelay $0x3  }
0x126: {  	[tilespmem:v41+s28+$0x0] =	vst.idx.msk $0xffff, v38  }
0x127: {  	v39 =	vor.u32 v3, v39;
	v38 =	vld.idx.msk [tilespmem:v40+s18+$0x0], $0xffff;
	_ =	sdelay $0x4  }
0x128: {  	v61 =	vbroadcast v37, $0x5;
	s19 =	simm.s32 $0x4200;
	[tilespmem:v39+s28+$0x0] =	vst.idx.msk $0xffff, v38;
	s20 =	spop (v2sf)  }
0x129: {  	[tilespmem:s19], [sflag:$0x5] =	stream.strided.gather [hbm4b:s20+s8], $0x1000, s9, s8, $0x38;
	[tilespmem:$0x14200] =	vst v63  }
0x12a: {  	v62 =	vor.u32 v0, v61;
	s16 =	simm.s32 $0x5;
	_ =	swait.ge [sflag:s2], $0x1000  }
0x12b: {  	v63 =	vmov s16;
	(v2sf) =	vpush v36, $0x5  }
0x12c: {  	v44 =	vshll.u32 v63, $0x3  }
0x12d: {  	v41 =	vand.u32 $0xC00, v44;
	v39 =	vand.u32 $0x75, v63;
	[sflag:s2] =	ssyncset.done $0x0  }
0x12e: {  	s18 =	simm.s32 $0x5200;
	v39 =	vor.u32 v39, v41;
	[sflag:s2] =	ssyncadd.s32 $0xFFFFF000  }
0x12f: {  	v41 =	vor.u32 v1, v39;
	v38 =	vld.idx.msk [tilespmem:v62+s18+$0x0], $0xffff  }
0x130: {  	v40 =	vor.u32 v2, v61;
	_ =	sdelay $0x3  }
0x131: {  	[tilespmem:v41+s28+$0x0] =	vst.idx.msk $0xffff, v38  }
0x132: {  	v39 =	vor.u32 v3, v39;
	v38 =	vld.idx.msk [tilespmem:v40+s18+$0x0], $0xffff;
	_ =	sdelay $0x4  }
0x133: {  	v45 =	vbroadcast v37, $0x6;
	s19 =	simm.s32 $0x5200;
	[tilespmem:v39+s28+$0x0] =	vst.idx.msk $0xffff, v38;
	s20 =	spop (v2sf)  }
0x134: {  	[tilespmem:s19], [sflag:$0x6] =	stream.strided.gather [hbm4b:s20+s8], $0x1000, s9, s8, $0x38;
	[tilespmem:$0x14200] =	vst v63  }
0x135: {  	v46 =	vor.u32 v0, v45;
	s16 =	simm.s32 $0x6;
	_ =	swait.ge [sflag:s3], $0x1000  }
0x136: {  	v47 =	vmov s16;
	(v2sf) =	vpush v36, $0x6  }
0x137: {  	v48 =	vshll.u32 v47, $0x3  }
0x138: {  	v41 =	vand.u32 $0xC00, v48;
	v39 =	vand.u32 $0x76, v47;
	[sflag:s3] =	ssyncset.done $0x0  }
0x139: {  	s18 =	simm.s32 $0x6200;
	v39 =	vor.u32 v39, v41;
	[sflag:s3] =	ssyncadd.s32 $0xFFFFF000  }
0x13a: {  	v41 =	vor.u32 v1, v39;
	v38 =	vld.idx.msk [tilespmem:v46+s18+$0x0], $0xffff  }
0x13b: {  	v40 =	vor.u32 v2, v45;
	_ =	sdelay $0x3  }
0x13c: {  	[tilespmem:v41+s28+$0x0] =	vst.idx.msk $0xffff, v38  }
0x13d: {  	v39 =	vor.u32 v3, v39;
	v38 =	vld.idx.msk [tilespmem:v40+s18+$0x0], $0xffff;
	_ =	sdelay $0x4  }
0x13e: {  	v49 =	vbroadcast v37, $0x7;
	s19 =	simm.s32 $0x6200;
	[tilespmem:v39+s28+$0x0] =	vst.idx.msk $0xffff, v38;
	s20 =	spop (v2sf)  }
0x13f: {  	[tilespmem:s19], [sflag:$0x7] =	stream.strided.gather [hbm4b:s20+s8], $0x1000, s9, s8, $0x38;
	[tilespmem:$0x14200] =	vst v63  }
0x140: {  	v50 =	vor.u32 v0, v49;
	s16 =	simm.s32 $0x7;
	_ =	swait.ge [sflag:s4], $0x1000  }
0x141: {  	v51 =	vmov s16;
	(v2sf) =	vpush v36, $0x7  }
0x142: {  	v52 =	vshll.u32 v51, $0x3  }
0x143: {  	v41 =	vand.u32 $0xC00, v52;
	v39 =	vand.u32 $0x77, v51;
	[sflag:s4] =	ssyncset.done $0x0  }
0x144: {  	s18 =	simm.s32 $0x7200;
	v39 =	vor.u32 v39, v41;
	[sflag:s4] =	ssyncadd.s32 $0xFFFFF000  }
0x145: {  	v41 =	vor.u32 v1, v39;
	v38 =	vld.idx.msk [tilespmem:v50+s18+$0x0], $0xffff  }
0x146: {  	v40 =	vor.u32 v2, v49;
	_ =	sdelay $0x3  }
0x147: {  	[tilespmem:v41+s28+$0x0] =	vst.idx.msk $0xffff, v38  }
0x148: {  	v39 =	vor.u32 v3, v39;
	v38 =	vld.idx.msk [tilespmem:v40+s18+$0x0], $0xffff;
	_ =	sdelay $0x4  }
0x149: {  	v53 =	vbroadcast v37, $0x8;
	s19 =	simm.s32 $0x7200;
	[tilespmem:v39+s28+$0x0] =	vst.idx.msk $0xffff, v38;
	s20 =	spop (v2sf)  }
0x14a: {  	[tilespmem:s19], [sflag:$0x8] =	stream.strided.gather [hbm4b:s20+s8], $0x1000, s9, s8, $0x38;
	[tilespmem:$0x14200] =	vst v63  }
0x14b: {  	v54 =	vor.u32 v0, v53;
	s15 =	simm.s32 $0x8;
	_ =	swait.ge [sflag:s5], $0x1000  }
0x14c: {  	v55 =	vmov s15;
	(v2sf) =	vpush v36, $0x8  }
0x14d: {  	v56 =	vshll.u32 v55, $0x3  }
0x14e: {  	v41 =	vand.u32 $0xC00, v56;
	v39 =	vand.u32 $0x78, v55;
	[sflag:s5] =	ssyncset.done $0x0  }
0x14f: {  	s16 =	simm.s32 $0x8200;
	v39 =	vor.u32 v39, v41;
	[sflag:s5] =	ssyncadd.s32 $0xFFFFF000  }
0x150: {  	v41 =	vor.u32 v1, v39;
	v38 =	vld.idx.msk [tilespmem:v54+s16+$0x0], $0xffff  }
0x151: {  	v40 =	vor.u32 v2, v53;
	_ =	sdelay $0x3  }
0x152: {  	[tilespmem:v41+s28+$0x0] =	vst.idx.msk $0xffff, v38  }
0x153: {  	v39 =	vor.u32 v3, v39;
	v38 =	vld.idx.msk [tilespmem:v40+s16+$0x0], $0xffff;
	_ =	sdelay $0x4  }
0x154: {  	v57 =	vbroadcast v37, $0x9;
	s18 =	simm.s32 $0x8200;
	[tilespmem:v39+s28+$0x0] =	vst.idx.msk $0xffff, v38;
	s19 =	spop (v2sf)  }
0x155: {  	[tilespmem:s18], [sflag:$0x9] =	stream.strided.gather [hbm4b:s19+s8], $0x1000, s9, s8, $0x38;
	[tilespmem:$0x14200] =	vst v63  }
0x156: {  	v58 =	vor.u32 v0, v57;
	s20 =	simm.s32 $0x9;
	_ =	swait.ge [sflag:s7], $0x1000  }
0x157: {  	v59 =	vmov s20;
	(v2sf) =	vpush v36, $0x9  }
0x158: {  	v60 =	vshll.u32 v59, $0x3  }
0x159: {  	v41 =	vand.u32 $0xC00, v60;
	v39 =	vand.u32 $0x79, v59;
	[sflag:s7] =	ssyncset.done $0x0  }
0x15a: {  	s15 =	simm.s32 $0x9200;
	v39 =	vor.u32 v39, v41;
	[sflag:s7] =	ssyncadd.s32 $0xFFFFF000  }
0x15b: {  	v41 =	vor.u32 v1, v39;
	v38 =	vld.idx.msk [tilespmem:v58+s15+$0x0], $0xffff  }
0x15c: {  	v40 =	vor.u32 v2, v57;
	_ =	sdelay $0x3  }
0x15d: {  	[tilespmem:v41+s28+$0x0] =	vst.idx.msk $0xffff, v38  }
0x15e: {  	v39 =	vor.u32 v3, v39;
	v38 =	vld.idx.msk [tilespmem:v40+s15+$0x0], $0xffff;
	_ =	sdelay $0x4  }
0x15f: {  	v61 =	vbroadcast v37, $0xA;
	s16 =	simm.s32 $0x9200;
	[tilespmem:v39+s28+$0x0] =	vst.idx.msk $0xffff, v38;
	s18 =	spop (v2sf)  }
0x160: {  	[tilespmem:s16], [sflag:$0xA] =	stream.strided.gather [hbm4b:s18+s8], $0x1000, s9, s8, $0x38;
	[tilespmem:$0x14200] =	vst v63  }
0x161: {  	v62 =	vor.u32 v0, v61;
	s19 =	simm.s32 $0xA;
	_ =	swait.ge [sflag:s6], $0x1000  }
0x162: {  	v63 =	vmov s19;
	(v2sf) =	vpush v36, $0xA  }
0x163: {  	v44 =	vshll.u32 v63, $0x3  }
0x164: {  	v41 =	vand.u32 $0xC00, v44;
	v39 =	vand.u32 $0x7A, v63;
	[sflag:s6] =	ssyncset.done $0x0  }
0x165: {  	s20 =	simm.s32 $0xA200;
	v39 =	vor.u32 v39, v41;
	[sflag:s6] =	ssyncadd.s32 $0xFFFFF000  }
0x166: {  	v41 =	vor.u32 v1, v39;
	v38 =	vld.idx.msk [tilespmem:v62+s20+$0x0], $0xffff  }
0x167: {  	v40 =	vor.u32 v2, v61;
	_ =	sdelay $0x3  }
0x168: {  	[tilespmem:v41+s28+$0x0] =	vst.idx.msk $0xffff, v38  }
0x169: {  	v39 =	vor.u32 v3, v39;
	v38 =	vld.idx.msk [tilespmem:v40+s20+$0x0], $0xffff;
	_ =	sdelay $0x4  }
0x16a: {  	s14 =	simm.s32 $0xA200;
	v45 =	vbroadcast v37, $0xB;
	[tilespmem:v39+s28+$0x0] =	vst.idx.msk $0xffff, v38;
	s16 =	spop (v2sf)  }
0x16b: {  	[tilespmem:s14], [sflag:$0xB] =	stream.strided.gather [hbm4b:s16+s8], $0x1000, s9, s8, $0x38;
	[tilespmem:$0x14200] =	vst v63  }
0x16c: {  	v46 =	vor.u32 v0, v45;
	s18 =	simm.s32 $0xB;
	_ =	swait.ge [sflag:s0], $0x1000  }
0x16d: {  	v47 =	vmov s18;
	(v2sf) =	vpush v36, $0xB  }
0x16e: {  	v48 =	vshll.u32 v47, $0x3  }
0x16f: {  	v41 =	vand.u32 $0xC00, v48;
	v39 =	vand.u32 $0x7B, v47;
	[sflag:s0] =	ssyncset.done $0x0  }
0x170: {  	v39 =	vor.u32 v39, v41;
	[sflag:s0] =	ssyncadd.s32 $0xFFFFF000  }
0x171: {  	v41 =	vor.u32 v1, v39;
	v38 =	vld.idx.msk [tilespmem:v46+s21+$0x0], $0xffff  }
0x172: {  	v40 =	vor.u32 v2, v45;
	_ =	sdelay $0x3  }
0x173: {  	[tilespmem:v41+s28+$0x0] =	vst.idx.msk $0xffff, v38  }
0x174: {  	v39 =	vor.u32 v3, v39;
	v38 =	vld.idx.msk [tilespmem:v40+s21+$0x0], $0xffff;
	_ =	sdelay $0x4  }
0x175: {  	v49 =	vbroadcast v37, $0xC;
	[tilespmem:v39+s28+$0x0] =	vst.idx.msk $0xffff, v38;
	s19 =	spop (v2sf)  }
0x176: {  	[tilespmem:s21], [sflag:$0xC] =	stream.strided.gather [hbm4b:s19+s8], $0x1000, s9, s8, $0x38;
	[tilespmem:$0x14200] =	vst v63  }
0x177: {  	v50 =	vor.u32 v0, v49;
	s20 =	simm.s32 $0xC;
	_ =	swait.ge [sflag:s10], $0x1000  }
0x178: {  	v51 =	vmov s20;
	(v2sf) =	vpush v36, $0xC  }
0x179: {  	v52 =	vshll.u32 v51, $0x3  }
0x17a: {  	v41 =	vand.u32 $0xC00, v52;
	v39 =	vand.u32 $0x7C, v51;
	[sflag:s10] =	ssyncset.done $0x0  }
0x17b: {  	v39 =	vor.u32 v39, v41;
	[sflag:s10] =	ssyncadd.s32 $0xFFFFF000  }
0x17c: {  	v41 =	vor.u32 v1, v39;
	v38 =	vld.idx.msk [tilespmem:v50+s22+$0x0], $0xffff  }
0x17d: {  	v40 =	vor.u32 v2, v49;
	_ =	sdelay $0x3  }
0x17e: {  	[tilespmem:v41+s28+$0x0] =	vst.idx.msk $0xffff, v38  }
0x17f: {  	v39 =	vor.u32 v3, v39;
	v38 =	vld.idx.msk [tilespmem:v40+s22+$0x0], $0xffff;
	_ =	sdelay $0x4  }
0x180: {  	v53 =	vbroadcast v37, $0xD;
	[tilespmem:v39+s28+$0x0] =	vst.idx.msk $0xffff, v38;
	s15 =	spop (v2sf)  }
0x181: {  	[tilespmem:s22], [sflag:$0xD] =	stream.strided.gather [hbm4b:s15+s8], $0x1000, s9, s8, $0x38;
	[tilespmem:$0x14200] =	vst v63  }
0x182: {  	v54 =	vor.u32 v0, v53;
	s16 =	simm.s32 $0xD;
	_ =	swait.ge [sflag:s11], $0x1000  }
0x183: {  	v55 =	vmov s16;
	(v2sf) =	vpush v36, $0xD  }
0x184: {  	v56 =	vshll.u32 v55, $0x3  }
0x185: {  	v41 =	vand.u32 $0xC00, v56;
	v39 =	vand.u32 $0x7D, v55;
	[sflag:s11] =	ssyncset.done $0x0  }
0x186: {  	v39 =	vor.u32 v39, v41;
	[sflag:s11] =	ssyncadd.s32 $0xFFFFF000  }
0x187: {  	v41 =	vor.u32 v1, v39;
	v38 =	vld.idx.msk [tilespmem:v54+s23+$0x0], $0xffff  }
0x188: {  	v40 =	vor.u32 v2, v53;
	_ =	sdelay $0x3  }
0x189: {  	[tilespmem:v41+s28+$0x0] =	vst.idx.msk $0xffff, v38  }
0x18a: {  	v39 =	vor.u32 v3, v39;
	v38 =	vld.idx.msk [tilespmem:v40+s23+$0x0], $0xffff;
	_ =	sdelay $0x4  }
0x18b: {  	v57 =	vbroadcast v37, $0xE;
	[tilespmem:v39+s28+$0x0] =	vst.idx.msk $0xffff, v38;
	s18 =	spop (v2sf)  }
0x18c: {  	[tilespmem:s23], [sflag:$0xE] =	stream.strided.gather [hbm4b:s18+s8], $0x1000, s9, s8, $0x38;
	[tilespmem:$0x14200] =	vst v63  }
0x18d: {  	v58 =	vor.u32 v0, v57;
	s19 =	simm.s32 $0xE;
	_ =	swait.ge [sflag:s12], $0x1000  }
0x18e: {  	v59 =	vmov s19;
	(v2sf) =	vpush v36, $0xE  }
0x18f: {  	v60 =	vshll.u32 v59, $0x3  }
0x190: {  	v41 =	vand.u32 $0xC00, v60;
	v39 =	vand.u32 $0x7E, v59;
	[sflag:s12] =	ssyncset.done $0x0  }
0x191: {  	v39 =	vor.u32 v39, v41;
	[sflag:s12] =	ssyncadd.s32 $0xFFFFF000  }
0x192: {  	v41 =	vor.u32 v1, v39;
	v38 =	vld.idx.msk [tilespmem:v58+s24+$0x0], $0xffff  }
0x193: {  	v40 =	vor.u32 v2, v57;
	_ =	sdelay $0x3  }
0x194: {  	[tilespmem:v41+s28+$0x0] =	vst.idx.msk $0xffff, v38  }
0x195: {  	v39 =	vor.u32 v3, v39;
	v38 =	vld.idx.msk [tilespmem:v40+s24+$0x0], $0xffff;
	_ =	sdelay $0x4  }
0x196: {  	v37 =	vbroadcast v37, $0xF;
	[tilespmem:v39+s28+$0x0] =	vst.idx.msk $0xffff, v38;
	s20 =	spop (v2sf)  }
0x197: {  	[tilespmem:s24], [sflag:$0xF] =	stream.strided.gather [hbm4b:s20+s8], $0x1000, s9, s8, $0x38;
	[tilespmem:$0x14200] =	vst v63  }
0x198: {  	v61 =	vor.u32 v0, v37;
	_ =	swait.ge [sflag:s13], $0x1000  }
0x199: {  	v62 =	vmov s12;
	(v2sf) =	vpush v36, $0xF  }
0x19a: {  	v63 =	vshll.u32 v62, $0x3  }
0x19b: {  	v39 =	vand.u32 $0x7F, v62;
	[sflag:s13] =	ssyncset.done $0x0;
	v36 =	vand.u32 $0xC00, v63  }
0x19c: {  	[sflag:s13] =	ssyncadd.s32 $0xFFFFF000;
	v36 =	vor.u32 v39, v36  }
0x19d: {  	v38 =	vld.idx.msk [tilespmem:v61+s25+$0x0], $0xffff;
	v39 =	vor.u32 v1, v36  }
0x19e: {  	v37 =	vor.u32 v2, v37;
	_ =	sdelay $0x3  }
0x19f: {  	[tilespmem:v39+s28+$0x0] =	vst.idx.msk $0xffff, v38  }
0x1a0: {  	v36 =	vor.u32 v3, v36;
	v37 =	vld.idx.msk [tilespmem:v37+s25+$0x0], $0xffff;
	_ =	sdelay $0x4  }
0x1a1: {  	s14 =	simm.s32 $0x1F;
	s15 =	simm.s32 $0x20;
	[tilespmem:v36+s28+$0x0] =	vst.idx.msk $0xffff, v37;
	s16 =	spop (v2sf)  }
.LBB2_2:
0x1a2: {  	[tilespmem:s25], [sflag:$0x10] =	stream.strided.gather [hbm4b:s16+s8], $0x1000, s9, s8, $0x38;
	[tilespmem:$0x14200] =	vst v63  }
0x1a3: {  	p0 =	sne.s32 s14, $0x1EF;
	s16 =	smov.u32 s14;
	s14 =	sadd.s32 $0x10, s14;
	v36 =	vld [tilespmem:s15+$0xFFFFFFF0]  }
0x1a4: {  	v37 =	vld [tilespmem:s15+$0x0];
	_ =	sdelay $0x3  }
0x1a5: {  	v50 =	vand.u32 $0x7F, v36  }
0x1a6: {  	v36 =	vand.u32 $0xFFFFFF80, v37;
	v51 =	vbroadcast v50, $0x0;
	v52 =	vbroadcast v50, $0x1  }
0x1a7: {  	v53 =	vbroadcast v50, $0x2;
	v49 =	vbroadcast v50, $0x3;
	v36 =	vadd.s32 s17, v36  }
0x1a8: {  	v48 =	vbroadcast v50, $0x4;
	v47 =	vbroadcast v50, $0x5;
	v37 =	vor.u32 v0, v51  }
0x1a9: {  	s19 =	smov.u32 s17;
	v46 =	vbroadcast v50, $0x6;
	v45 =	vbroadcast v50, $0x7;
	s17 =	sadd.s32 $0xFFFFFFF1, s16  }
0x1aa: {  	v44 =	vbroadcast v50, $0x8;
	v43 =	vbroadcast v50, $0x9;
	v38 =	vmov s17;
	_ =	swait.ge [sflag:s26], $0x1000  }
0x1ab: {  	v42 =	vbroadcast v50, $0xA;
	v39 =	vshll.u32 v38, $0x3;
	[sflag:s26] =	ssyncset.done $0x0;
	(v2sf) =	vpush v36, $0x0  }
0x1ac: {  	s20 =	simm.s32 $0x200;
	v41 =	vbroadcast v50, $0xB;
	v38 =	vand.u32 $0x70, v38;
	v39 =	vand.u32 $0xC00, v39;
	[sflag:s26] =	ssyncadd.s32 $0xFFFFF000  }
0x1ad: {  	v40 =	vbroadcast v50, $0xC;
	v55 =	vor.u32 v38, v39;
	v39 =	vbroadcast v50, $0xD;
	v54 =	vld.idx.msk [tilespmem:v37+s20+$0x0], $0xffff  }
0x1ae: {  	v38 =	vbroadcast v50, $0xE;
	v56 =	vor.u32 v1, v55;
	v37 =	vbroadcast v50, $0xF  }
0x1af: {  	v50 =	vor.u32 v2, v51;
	_ =	sdelay $0x3  }
0x1b0: {  	[tilespmem:v56+s28+$0x0] =	vst.idx.msk $0xffff, v54  }
0x1b1: {  	v50 =	vld.idx.msk [tilespmem:v50+s20+$0x0], $0xffff  }
0x1b2: {  	v51 =	vor.u32 v3, v55;
	_ =	sdelay $0x4  }
0x1b3: {  	s17 =	sadd.s32 $0xFFFFFFF2, s16;
	[tilespmem:v51+s28+$0x0] =	vst.idx.msk $0xffff, v50;
	v50 =	vor.u32 v0, v52;
	s18 =	spop (v2sf)  }
0x1b4: {  	v51 =	vmov s17;
	[tilespmem:s20], [sflag:$0x1] =	stream.strided.gather [hbm4b:s18+s8], $0x1000, s9, s8, $0x38;
	[tilespmem:$0x14200] =	vst v63  }
0x1b5: {  	v54 =	vshll.u32 v51, $0x3;
	_ =	swait.ge [sflag:s29], $0x1000  }
0x1b6: {  	v51 =	vand.u32 $0x71, v51;
	v54 =	vand.u32 $0xC00, v54;
	[sflag:s29] =	ssyncset.done $0x0;
	(v2sf) =	vpush v36, $0x1  }
0x1b7: {  	s20 =	simm.s32 $0x1200;
	v51 =	vor.u32 v51, v54;
	[sflag:s29] =	ssyncadd.s32 $0xFFFFF000  }
0x1b8: {  	v50 =	vld.idx.msk [tilespmem:v50+s20+$0x0], $0xffff  }
0x1b9: {  	v54 =	vor.u32 v1, v51  }
0x1ba: {  	v52 =	vor.u32 v2, v52;
	_ =	sdelay $0x3  }
0x1bb: {  	[tilespmem:v54+s28+$0x0] =	vst.idx.msk $0xffff, v50  }
0x1bc: {  	v50 =	vld.idx.msk [tilespmem:v52+s20+$0x0], $0xffff  }
0x1bd: {  	v51 =	vor.u32 v3, v51;
	_ =	sdelay $0x4  }
0x1be: {  	s17 =	sadd.s32 $0xFFFFFFF3, s16;
	[tilespmem:v51+s28+$0x0] =	vst.idx.msk $0xffff, v50;
	v50 =	vor.u32 v0, v53;
	s18 =	spop (v2sf)  }
0x1bf: {  	v51 =	vmov s17;
	[tilespmem:s20], [sflag:$0x2] =	stream.strided.gather [hbm4b:s18+s8], $0x1000, s9, s8, $0x38;
	[tilespmem:$0x14200] =	vst v63  }
0x1c0: {  	v52 =	vshll.u32 v51, $0x3;
	_ =	swait.ge [sflag:s30], $0x1000  }
0x1c1: {  	v51 =	vand.u32 $0x72, v51;
	v52 =	vand.u32 $0xC00, v52;
	[sflag:s30] =	ssyncset.done $0x0;
	(v2sf) =	vpush v36, $0x2  }
0x1c2: {  	s20 =	simm.s32 $0x2200;
	v51 =	vor.u32 v51, v52;
	[sflag:s30] =	ssyncadd.s32 $0xFFFFF000  }
0x1c3: {  	v50 =	vld.idx.msk [tilespmem:v50+s20+$0x0], $0xffff  }
0x1c4: {  	v52 =	vor.u32 v1, v51  }
0x1c5: {  	v53 =	vor.u32 v2, v53;
	_ =	sdelay $0x3  }
0x1c6: {  	[tilespmem:v52+s28+$0x0] =	vst.idx.msk $0xffff, v50  }
0x1c7: {  	v50 =	vld.idx.msk [tilespmem:v53+s20+$0x0], $0xffff  }
0x1c8: {  	v51 =	vor.u32 v3, v51;
	_ =	sdelay $0x4  }
0x1c9: {  	s17 =	sadd.s32 $0xFFFFFFF4, s16;
	[tilespmem:v51+s28+$0x0] =	vst.idx.msk $0xffff, v50;
	v50 =	vor.u32 v0, v49;
	s18 =	spop (v2sf)  }
0x1ca: {  	v51 =	vmov s17;
	[tilespmem:s20], [sflag:$0x3] =	stream.strided.gather [hbm4b:s18+s8], $0x1000, s9, s8, $0x38;
	[tilespmem:$0x14200] =	vst v63  }
0x1cb: {  	v52 =	vshll.u32 v51, $0x3;
	_ =	swait.ge [sflag:s31], $0x1000  }
0x1cc: {  	v51 =	vand.u32 $0x73, v51;
	v52 =	vand.u32 $0xC00, v52;
	[sflag:s31] =	ssyncset.done $0x0;
	(v2sf) =	vpush v36, $0x3  }
0x1cd: {  	s20 =	simm.s32 $0x3200;
	v51 =	vor.u32 v51, v52;
	[sflag:s31] =	ssyncadd.s32 $0xFFFFF000  }
0x1ce: {  	v50 =	vld.idx.msk [tilespmem:v50+s20+$0x0], $0xffff  }
0x1cf: {  	v52 =	vor.u32 v1, v51  }
0x1d0: {  	v49 =	vor.u32 v2, v49;
	_ =	sdelay $0x3  }
0x1d1: {  	[tilespmem:v52+s28+$0x0] =	vst.idx.msk $0xffff, v50  }
0x1d2: {  	v49 =	vld.idx.msk [tilespmem:v49+s20+$0x0], $0xffff  }
0x1d3: {  	v50 =	vor.u32 v3, v51;
	_ =	sdelay $0x4  }
0x1d4: {  	s17 =	sadd.s32 $0xFFFFFFF5, s16;
	[tilespmem:v50+s28+$0x0] =	vst.idx.msk $0xffff, v49;
	v49 =	vor.u32 v0, v48;
	s18 =	spop (v2sf)  }
0x1d5: {  	v50 =	vmov s17;
	[tilespmem:s20], [sflag:$0x4] =	stream.strided.gather [hbm4b:s18+s8], $0x1000, s9, s8, $0x38;
	[tilespmem:$0x14200] =	vst v63  }
0x1d6: {  	v51 =	vshll.u32 v50, $0x3;
	_ =	swait.ge [sflag:s1], $0x1000  }
0x1d7: {  	v50 =	vand.u32 $0x74, v50;
	v51 =	vand.u32 $0xC00, v51;
	[sflag:s1] =	ssyncset.done $0x0;
	(v2sf) =	vpush v36, $0x4  }
0x1d8: {  	s20 =	simm.s32 $0x4200;
	v50 =	vor.u32 v50, v51;
	[sflag:s1] =	ssyncadd.s32 $0xFFFFF000  }
0x1d9: {  	v49 =	vld.idx.msk [tilespmem:v49+s20+$0x0], $0xffff  }
0x1da: {  	v51 =	vor.u32 v1, v50  }
0x1db: {  	v48 =	vor.u32 v2, v48;
	_ =	sdelay $0x3  }
0x1dc: {  	[tilespmem:v51+s28+$0x0] =	vst.idx.msk $0xffff, v49  }
0x1dd: {  	v48 =	vld.idx.msk [tilespmem:v48+s20+$0x0], $0xffff  }
0x1de: {  	v49 =	vor.u32 v3, v50;
	_ =	sdelay $0x4  }
0x1df: {  	s17 =	sadd.s32 $0xFFFFFFF6, s16;
	[tilespmem:v49+s28+$0x0] =	vst.idx.msk $0xffff, v48;
	v48 =	vor.u32 v0, v47;
	s18 =	spop (v2sf)  }
0x1e0: {  	v49 =	vmov s17;
	[tilespmem:s20], [sflag:$0x5] =	stream.strided.gather [hbm4b:s18+s8], $0x1000, s9, s8, $0x38;
	[tilespmem:$0x14200] =	vst v63  }
0x1e1: {  	v50 =	vshll.u32 v49, $0x3;
	_ =	swait.ge [sflag:s2], $0x1000  }
0x1e2: {  	v49 =	vand.u32 $0x75, v49;
	v50 =	vand.u32 $0xC00, v50;
	[sflag:s2] =	ssyncset.done $0x0;
	(v2sf) =	vpush v36, $0x5  }
0x1e3: {  	s20 =	simm.s32 $0x5200;
	v49 =	vor.u32 v49, v50;
	[sflag:s2] =	ssyncadd.s32 $0xFFFFF000  }
0x1e4: {  	v48 =	vld.idx.msk [tilespmem:v48+s20+$0x0], $0xffff  }
0x1e5: {  	v50 =	vor.u32 v1, v49  }
0x1e6: {  	v47 =	vor.u32 v2, v47;
	_ =	sdelay $0x3  }
0x1e7: {  	[tilespmem:v50+s28+$0x0] =	vst.idx.msk $0xffff, v48  }
0x1e8: {  	v47 =	vld.idx.msk [tilespmem:v47+s20+$0x0], $0xffff  }
0x1e9: {  	v48 =	vor.u32 v3, v49;
	_ =	sdelay $0x4  }
0x1ea: {  	s17 =	sadd.s32 $0xFFFFFFF7, s16;
	[tilespmem:v48+s28+$0x0] =	vst.idx.msk $0xffff, v47;
	v47 =	vor.u32 v0, v46;
	s18 =	spop (v2sf)  }
0x1eb: {  	v48 =	vmov s17;
	[tilespmem:s20], [sflag:$0x6] =	stream.strided.gather [hbm4b:s18+s8], $0x1000, s9, s8, $0x38;
	[tilespmem:$0x14200] =	vst v63  }
0x1ec: {  	v49 =	vshll.u32 v48, $0x3;
	_ =	swait.ge [sflag:s3], $0x1000  }
0x1ed: {  	v48 =	vand.u32 $0x76, v48;
	v49 =	vand.u32 $0xC00, v49;
	[sflag:s3] =	ssyncset.done $0x0;
	(v2sf) =	vpush v36, $0x6  }
0x1ee: {  	s20 =	simm.s32 $0x6200;
	v48 =	vor.u32 v48, v49;
	[sflag:s3] =	ssyncadd.s32 $0xFFFFF000  }
0x1ef: {  	v47 =	vld.idx.msk [tilespmem:v47+s20+$0x0], $0xffff  }
0x1f0: {  	v49 =	vor.u32 v1, v48  }
0x1f1: {  	v46 =	vor.u32 v2, v46;
	_ =	sdelay $0x3  }
0x1f2: {  	[tilespmem:v49+s28+$0x0] =	vst.idx.msk $0xffff, v47  }
0x1f3: {  	v46 =	vld.idx.msk [tilespmem:v46+s20+$0x0], $0xffff  }
0x1f4: {  	v47 =	vor.u32 v3, v48;
	_ =	sdelay $0x4  }
0x1f5: {  	s17 =	sadd.s32 $0xFFFFFFF8, s16;
	[tilespmem:v47+s28+$0x0] =	vst.idx.msk $0xffff, v46;
	v46 =	vor.u32 v0, v45;
	s18 =	spop (v2sf)  }
0x1f6: {  	v47 =	vmov s17;
	[tilespmem:s20], [sflag:$0x7] =	stream.strided.gather [hbm4b:s18+s8], $0x1000, s9, s8, $0x38;
	[tilespmem:$0x14200] =	vst v63  }
0x1f7: {  	v48 =	vshll.u32 v47, $0x3;
	_ =	swait.ge [sflag:s4], $0x1000  }
0x1f8: {  	v47 =	vand.u32 $0x77, v47;
	v48 =	vand.u32 $0xC00, v48;
	[sflag:s4] =	ssyncset.done $0x0;
	(v2sf) =	vpush v36, $0x7  }
0x1f9: {  	s20 =	simm.s32 $0x7200;
	v47 =	vor.u32 v47, v48;
	[sflag:s4] =	ssyncadd.s32 $0xFFFFF000  }
0x1fa: {  	v46 =	vld.idx.msk [tilespmem:v46+s20+$0x0], $0xffff  }
0x1fb: {  	v48 =	vor.u32 v1, v47  }
0x1fc: {  	v45 =	vor.u32 v2, v45;
	_ =	sdelay $0x3  }
0x1fd: {  	[tilespmem:v48+s28+$0x0] =	vst.idx.msk $0xffff, v46  }
0x1fe: {  	v45 =	vld.idx.msk [tilespmem:v45+s20+$0x0], $0xffff  }
0x1ff: {  	v46 =	vor.u32 v3, v47;
	_ =	sdelay $0x4  }
0x200: {  	s17 =	sadd.s32 $0xFFFFFFF9, s16;
	[tilespmem:v46+s28+$0x0] =	vst.idx.msk $0xffff, v45;
	v45 =	vor.u32 v0, v44;
	s18 =	spop (v2sf)  }
0x201: {  	v46 =	vmov s17;
	[tilespmem:s20], [sflag:$0x8] =	stream.strided.gather [hbm4b:s18+s8], $0x1000, s9, s8, $0x38;
	[tilespmem:$0x14200] =	vst v63  }
0x202: {  	v47 =	vshll.u32 v46, $0x3;
	_ =	swait.ge [sflag:s5], $0x1000  }
0x203: {  	v46 =	vand.u32 $0x78, v46;
	v47 =	vand.u32 $0xC00, v47;
	[sflag:s5] =	ssyncset.done $0x0;
	(v2sf) =	vpush v36, $0x8  }
0x204: {  	s20 =	simm.s32 $0x8200;
	v46 =	vor.u32 v46, v47;
	[sflag:s5] =	ssyncadd.s32 $0xFFFFF000  }
0x205: {  	v45 =	vld.idx.msk [tilespmem:v45+s20+$0x0], $0xffff  }
0x206: {  	v47 =	vor.u32 v1, v46  }
0x207: {  	v44 =	vor.u32 v2, v44;
	_ =	sdelay $0x3  }
0x208: {  	[tilespmem:v47+s28+$0x0] =	vst.idx.msk $0xffff, v45  }
0x209: {  	v44 =	vld.idx.msk [tilespmem:v44+s20+$0x0], $0xffff  }
0x20a: {  	v45 =	vor.u32 v3, v46;
	_ =	sdelay $0x4  }
0x20b: {  	s17 =	sadd.s32 $0xFFFFFFFA, s16;
	[tilespmem:v45+s28+$0x0] =	vst.idx.msk $0xffff, v44;
	v44 =	vor.u32 v0, v43;
	s18 =	spop (v2sf)  }
0x20c: {  	v45 =	vmov s17;
	[tilespmem:s20], [sflag:$0x9] =	stream.strided.gather [hbm4b:s18+s8], $0x1000, s9, s8, $0x38;
	[tilespmem:$0x14200] =	vst v63  }
0x20d: {  	v46 =	vshll.u32 v45, $0x3;
	_ =	swait.ge [sflag:s7], $0x1000  }
0x20e: {  	v45 =	vand.u32 $0x79, v45;
	v46 =	vand.u32 $0xC00, v46;
	[sflag:s7] =	ssyncset.done $0x0;
	(v2sf) =	vpush v36, $0x9  }
0x20f: {  	s20 =	simm.s32 $0x9200;
	v45 =	vor.u32 v45, v46;
	[sflag:s7] =	ssyncadd.s32 $0xFFFFF000  }
0x210: {  	v44 =	vld.idx.msk [tilespmem:v44+s20+$0x0], $0xffff  }
0x211: {  	v46 =	vor.u32 v1, v45  }
0x212: {  	v43 =	vor.u32 v2, v43;
	_ =	sdelay $0x3  }
0x213: {  	[tilespmem:v46+s28+$0x0] =	vst.idx.msk $0xffff, v44  }
0x214: {  	v43 =	vld.idx.msk [tilespmem:v43+s20+$0x0], $0xffff  }
0x215: {  	v44 =	vor.u32 v3, v45;
	_ =	sdelay $0x4  }
0x216: {  	s17 =	sadd.s32 $0xFFFFFFFB, s16;
	[tilespmem:v44+s28+$0x0] =	vst.idx.msk $0xffff, v43;
	v43 =	vor.u32 v0, v42;
	s18 =	spop (v2sf)  }
0x217: {  	v44 =	vmov s17;
	[tilespmem:s20], [sflag:$0xA] =	stream.strided.gather [hbm4b:s18+s8], $0x1000, s9, s8, $0x38;
	[tilespmem:$0x14200] =	vst v63  }
0x218: {  	v45 =	vshll.u32 v44, $0x3;
	_ =	swait.ge [sflag:s6], $0x1000  }
0x219: {  	v44 =	vand.u32 $0x7A, v44;
	v45 =	vand.u32 $0xC00, v45;
	[sflag:s6] =	ssyncset.done $0x0;
	(v2sf) =	vpush v36, $0xA  }
0x21a: {  	s20 =	simm.s32 $0xA200;
	v44 =	vor.u32 v44, v45;
	[sflag:s6] =	ssyncadd.s32 $0xFFFFF000  }
0x21b: {  	v43 =	vld.idx.msk [tilespmem:v43+s20+$0x0], $0xffff  }
0x21c: {  	v45 =	vor.u32 v1, v44  }
0x21d: {  	v42 =	vor.u32 v2, v42;
	_ =	sdelay $0x3  }
0x21e: {  	[tilespmem:v45+s28+$0x0] =	vst.idx.msk $0xffff, v43  }
0x21f: {  	v42 =	vld.idx.msk [tilespmem:v42+s20+$0x0], $0xffff  }
0x220: {  	v43 =	vor.u32 v3, v44;
	_ =	sdelay $0x4  }
0x221: {  	s17 =	sadd.s32 $0xFFFFFFFC, s16;
	[tilespmem:v43+s28+$0x0] =	vst.idx.msk $0xffff, v42;
	v42 =	vor.u32 v0, v41;
	s18 =	spop (v2sf)  }
0x222: {  	v43 =	vmov s17;
	[tilespmem:s20], [sflag:$0xB] =	stream.strided.gather [hbm4b:s18+s8], $0x1000, s9, s8, $0x38;
	[tilespmem:$0x14200] =	vst v63  }
0x223: {  	v44 =	vshll.u32 v43, $0x3;
	_ =	swait.ge [sflag:s0], $0x1000  }
0x224: {  	v43 =	vand.u32 $0x7B, v43;
	v44 =	vand.u32 $0xC00, v44;
	[sflag:s0] =	ssyncset.done $0x0;
	(v2sf) =	vpush v36, $0xB  }
0x225: {  	v43 =	vor.u32 v43, v44;
	[sflag:s0] =	ssyncadd.s32 $0xFFFFF000  }
0x226: {  	v42 =	vld.idx.msk [tilespmem:v42+s21+$0x0], $0xffff  }
0x227: {  	v44 =	vor.u32 v1, v43  }
0x228: {  	v41 =	vor.u32 v2, v41;
	_ =	sdelay $0x3  }
0x229: {  	[tilespmem:v44+s28+$0x0] =	vst.idx.msk $0xffff, v42  }
0x22a: {  	v41 =	vld.idx.msk [tilespmem:v41+s21+$0x0], $0xffff  }
0x22b: {  	v42 =	vor.u32 v3, v43;
	_ =	sdelay $0x4  }
0x22c: {  	s17 =	sadd.s32 $0xFFFFFFFD, s16;
	[tilespmem:v42+s28+$0x0] =	vst.idx.msk $0xffff, v41;
	v41 =	vor.u32 v0, v40;
	s18 =	spop (v2sf)  }
0x22d: {  	v42 =	vmov s17;
	[tilespmem:s21], [sflag:$0xC] =	stream.strided.gather [hbm4b:s18+s8], $0x1000, s9, s8, $0x38;
	[tilespmem:$0x14200] =	vst v63  }
0x22e: {  	v43 =	vshll.u32 v42, $0x3;
	_ =	swait.ge [sflag:s10], $0x1000  }
0x22f: {  	v42 =	vand.u32 $0x7C, v42;
	v43 =	vand.u32 $0xC00, v43;
	[sflag:s10] =	ssyncset.done $0x0;
	(v2sf) =	vpush v36, $0xC  }
0x230: {  	v42 =	vor.u32 v42, v43;
	[sflag:s10] =	ssyncadd.s32 $0xFFFFF000  }
0x231: {  	v41 =	vld.idx.msk [tilespmem:v41+s22+$0x0], $0xffff  }
0x232: {  	v43 =	vor.u32 v1, v42  }
0x233: {  	v40 =	vor.u32 v2, v40;
	_ =	sdelay $0x3  }
0x234: {  	[tilespmem:v43+s28+$0x0] =	vst.idx.msk $0xffff, v41  }
0x235: {  	v40 =	vld.idx.msk [tilespmem:v40+s22+$0x0], $0xffff  }
0x236: {  	v41 =	vor.u32 v3, v42;
	_ =	sdelay $0x4  }
0x237: {  	s17 =	sadd.s32 $0xFFFFFFFE, s16;
	[tilespmem:v41+s28+$0x0] =	vst.idx.msk $0xffff, v40;
	v40 =	vor.u32 v0, v39;
	s18 =	spop (v2sf)  }
0x238: {  	v41 =	vmov s17;
	[tilespmem:s22], [sflag:$0xD] =	stream.strided.gather [hbm4b:s18+s8], $0x1000, s9, s8, $0x38;
	[tilespmem:$0x14200] =	vst v63  }
0x239: {  	v42 =	vshll.u32 v41, $0x3;
	_ =	swait.ge [sflag:s11], $0x1000  }
0x23a: {  	v41 =	vand.u32 $0x7D, v41;
	v42 =	vand.u32 $0xC00, v42;
	[sflag:s11] =	ssyncset.done $0x0;
	(v2sf) =	vpush v36, $0xD  }
0x23b: {  	v41 =	vor.u32 v41, v42;
	[sflag:s11] =	ssyncadd.s32 $0xFFFFF000  }
0x23c: {  	v40 =	vld.idx.msk [tilespmem:v40+s23+$0x0], $0xffff  }
0x23d: {  	v42 =	vor.u32 v1, v41  }
0x23e: {  	v39 =	vor.u32 v2, v39;
	_ =	sdelay $0x3  }
0x23f: {  	[tilespmem:v42+s28+$0x0] =	vst.idx.msk $0xffff, v40  }
0x240: {  	v39 =	vld.idx.msk [tilespmem:v39+s23+$0x0], $0xffff  }
0x241: {  	v40 =	vor.u32 v3, v41;
	_ =	sdelay $0x4  }
0x242: {  	s17 =	sadd.s32 $0xFFFFFFFF, s16;
	[tilespmem:v40+s28+$0x0] =	vst.idx.msk $0xffff, v39;
	v39 =	vor.u32 v0, v38;
	s18 =	spop (v2sf)  }
0x243: {  	v40 =	vmov s17;
	[tilespmem:s23], [sflag:$0xE] =	stream.strided.gather [hbm4b:s18+s8], $0x1000, s9, s8, $0x38;
	[tilespmem:$0x14200] =	vst v63  }
0x244: {  	v41 =	vshll.u32 v40, $0x3;
	_ =	swait.ge [sflag:s12], $0x1000  }
0x245: {  	v40 =	vand.u32 $0x7E, v40;
	v41 =	vand.u32 $0xC00, v41;
	[sflag:s12] =	ssyncset.done $0x0;
	(v2sf) =	vpush v36, $0xE  }
0x246: {  	v40 =	vor.u32 v40, v41;
	[sflag:s12] =	ssyncadd.s32 $0xFFFFF000  }
0x247: {  	v39 =	vld.idx.msk [tilespmem:v39+s24+$0x0], $0xffff  }
0x248: {  	v41 =	vor.u32 v1, v40  }
0x249: {  	v38 =	vor.u32 v2, v38;
	_ =	sdelay $0x3  }
0x24a: {  	[tilespmem:v41+s28+$0x0] =	vst.idx.msk $0xffff, v39  }
0x24b: {  	v38 =	vld.idx.msk [tilespmem:v38+s24+$0x0], $0xffff  }
0x24c: {  	v39 =	vor.u32 v3, v40;
	_ =	sdelay $0x4  }
0x24d: {  	[tilespmem:v39+s28+$0x0] =	vst.idx.msk $0xffff, v38;
	v38 =	vor.u32 v0, v37;
	s17 =	spop (v2sf)  }
0x24e: {  	[tilespmem:s24], [sflag:$0xF] =	stream.strided.gather [hbm4b:s17+s8], $0x1000, s9, s8, $0x38;
	[tilespmem:$0x14200] =	vst v63  }
0x24f: {  	s17 =	smov.u32 s19  }
0x250: {  	v39 =	vmov s16;
	_ =	swait.ge [sflag:s13], $0x1000  }
0x251: {  	v40 =	vshll.u32 v39, $0x3;
	[sflag:s13] =	ssyncset.done $0x0;
	(v2sf) =	vpush v36, $0xF  }
0x252: {  	v36 =	vand.u32 $0x7F, v39;
	v39 =	vand.u32 $0xC00, v40;
	[sflag:s13] =	ssyncadd.s32 $0xFFFFF000  }
0x253: {  	v36 =	vor.u32 v36, v39;
	v38 =	vld.idx.msk [tilespmem:v38+s25+$0x0], $0xffff  }
0x254: {  	v39 =	vor.u32 v1, v36  }
0x255: {  	v37 =	vor.u32 v2, v37;
	_ =	sdelay $0x3  }
0x256: {  	[tilespmem:v39+s28+$0x0] =	vst.idx.msk $0xffff, v38  }
0x257: {  	v37 =	vld.idx.msk [tilespmem:v37+s25+$0x0], $0xffff  }
0x258: {  	v36 =	vor.u32 v3, v36  }
.Ltmp0:
0x259: {  	(pc) =	sbr.rel @p0 .LBB2_2-.Ltmp0, $2  }
0x25a: {  	_ =	sdelay $0x2  }
0x25b: {  	s15 =	sadd.s32 $0x10, s15;
	[tilespmem:v36+s28+$0x0] =	vst.idx.msk $0xffff, v37;
	s16 =	spop (v2sf)  }
0x25c: {  	[tilespmem:s25], [sflag:$0x10] =	stream.strided.gather [hbm4b:s16+s8], $0x1000, s9, s8, $0x38;
	[tilespmem:$0x14200] =	vst v63  }
0x25d: {  	v36 =	vld [tilespmem:$0x1F0];
	_ =	sdelay $0x4  }
0x25e: {  	v36 =	vand.u32 $0x7F, v36  }
0x25f: {  	v37 =	vbroadcast v36, $0x0;
	_ =	sdelay $0x1  }
0x260: {  	v38 =	vor.u32 v0, v37;
	_ =	sdelay $0x1  }
0x261: {  	_ =	swait.ge [sflag:s26], $0x1000  }
0x262: {  	[sflag:s26] =	ssyncset.done $0x0  }
0x263: {  	s14 =	simm.s32 $0x200;
	[sflag:s26] =	ssyncadd.s32 $0xFFFFF000  }
0x264: {  	v38 =	vld.idx.msk [tilespmem:v38+s14+$0x0], $0xffff  }
0x265: {  	v37 =	vor.u32 v2, v37;
	_ =	sdelay $0x3  }
0x266: {  	[tilespmem:v4+s28+$0x0] =	vst.idx.msk $0xffff, v38  }
0x267: {  	v37 =	vld.idx.msk [tilespmem:v37+s14+$0x0], $0xffff;
	_ =	sdelay $0x1  }
0x268: {  	v43 =	vbroadcast v36, $0x1;
	_ =	sdelay $0x1  }
0x269: {  	v39 =	vor.u32 v0, v43  }
0x26a: {  	[tilespmem:v5+s28+$0x0] =	vst.idx.msk $0xffff, v37  }
0x26b: {  	_ =	swait.ge [sflag:s29], $0x1000  }
0x26c: {  	[sflag:s29] =	ssyncset.done $0x0  }
0x26d: {  	s16 =	simm.s32 $0x1200;
	[sflag:s29] =	ssyncadd.s32 $0xFFFFF000  }
0x26e: {  	v44 =	vld.idx.msk [tilespmem:v39+s16+$0x0], $0xffff  }
0x26f: {  	v38 =	vor.u32 v2, v43;
	_ =	sdelay $0x3  }
0x270: {  	[tilespmem:v6+s28+$0x0] =	vst.idx.msk $0xffff, v44  }
0x271: {  	v37 =	vld.idx.msk [tilespmem:v38+s16+$0x0], $0xffff;
	_ =	sdelay $0x1  }
0x272: {  	v45 =	vbroadcast v36, $0x2;
	_ =	sdelay $0x1  }
0x273: {  	v46 =	vor.u32 v0, v45  }
0x274: {  	[tilespmem:v7+s28+$0x0] =	vst.idx.msk $0xffff, v37  }
0x275: {  	_ =	swait.ge [sflag:s30], $0x1000  }
0x276: {  	[sflag:s30] =	ssyncset.done $0x0  }
0x277: {  	s18 =	simm.s32 $0x2200;
	[sflag:s30] =	ssyncadd.s32 $0xFFFFF000  }
0x278: {  	v47 =	vld.idx.msk [tilespmem:v46+s18+$0x0], $0xffff  }
0x279: {  	v38 =	vor.u32 v2, v45;
	_ =	sdelay $0x3  }
0x27a: {  	[tilespmem:v8+s28+$0x0] =	vst.idx.msk $0xffff, v47  }
0x27b: {  	v37 =	vld.idx.msk [tilespmem:v38+s18+$0x0], $0xffff;
	_ =	sdelay $0x1  }
0x27c: {  	v48 =	vbroadcast v36, $0x3;
	_ =	sdelay $0x1  }
0x27d: {  	v49 =	vor.u32 v0, v48  }
0x27e: {  	[tilespmem:v9+s28+$0x0] =	vst.idx.msk $0xffff, v37  }
0x27f: {  	_ =	swait.ge [sflag:s31], $0x1000  }
0x280: {  	[sflag:s31] =	ssyncset.done $0x0  }
0x281: {  	s19 =	simm.s32 $0x3200;
	[sflag:s31] =	ssyncadd.s32 $0xFFFFF000  }
0x282: {  	v50 =	vld.idx.msk [tilespmem:v49+s19+$0x0], $0xffff  }
0x283: {  	v38 =	vor.u32 v2, v48;
	_ =	sdelay $0x3  }
0x284: {  	[tilespmem:v10+s28+$0x0] =	vst.idx.msk $0xffff, v50  }
0x285: {  	v37 =	vld.idx.msk [tilespmem:v38+s19+$0x0], $0xffff;
	_ =	sdelay $0x1  }
0x286: {  	v51 =	vbroadcast v36, $0x4;
	_ =	sdelay $0x1  }
0x287: {  	v52 =	vor.u32 v0, v51  }
0x288: {  	[tilespmem:v11+s28+$0x0] =	vst.idx.msk $0xffff, v37  }
0x289: {  	_ =	swait.ge [sflag:s1], $0x1000  }
0x28a: {  	[sflag:s1] =	ssyncset.done $0x0  }
0x28b: {  	s20 =	simm.s32 $0x4200;
	[sflag:s1] =	ssyncadd.s32 $0xFFFFF000  }
0x28c: {  	v53 =	vld.idx.msk [tilespmem:v52+s20+$0x0], $0xffff  }
0x28d: {  	v38 =	vor.u32 v2, v51;
	_ =	sdelay $0x3  }
0x28e: {  	[tilespmem:v12+s28+$0x0] =	vst.idx.msk $0xffff, v53  }
0x28f: {  	v37 =	vld.idx.msk [tilespmem:v38+s20+$0x0], $0xffff;
	_ =	sdelay $0x1  }
0x290: {  	v54 =	vbroadcast v36, $0x5;
	_ =	sdelay $0x1  }
0x291: {  	v55 =	vor.u32 v0, v54  }
0x292: {  	[tilespmem:v13+s28+$0x0] =	vst.idx.msk $0xffff, v37  }
0x293: {  	_ =	swait.ge [sflag:s2], $0x1000  }
0x294: {  	[sflag:s2] =	ssyncset.done $0x0  }
0x295: {  	s15 =	simm.s32 $0x5200;
	[sflag:s2] =	ssyncadd.s32 $0xFFFFF000  }
0x296: {  	v56 =	vld.idx.msk [tilespmem:v55+s15+$0x0], $0xffff  }
0x297: {  	v38 =	vor.u32 v2, v54;
	_ =	sdelay $0x3  }
0x298: {  	[tilespmem:v14+s28+$0x0] =	vst.idx.msk $0xffff, v56  }
0x299: {  	v37 =	vld.idx.msk [tilespmem:v38+s15+$0x0], $0xffff;
	_ =	sdelay $0x1  }
0x29a: {  	v57 =	vbroadcast v36, $0x6;
	_ =	sdelay $0x1  }
0x29b: {  	v58 =	vor.u32 v0, v57  }
0x29c: {  	[tilespmem:v15+s28+$0x0] =	vst.idx.msk $0xffff, v37  }
0x29d: {  	_ =	swait.ge [sflag:s3], $0x1000  }
0x29e: {  	[sflag:s3] =	ssyncset.done $0x0  }
0x29f: {  	s16 =	simm.s32 $0x6200;
	[sflag:s3] =	ssyncadd.s32 $0xFFFFF000  }
0x2a0: {  	v59 =	vld.idx.msk [tilespmem:v58+s16+$0x0], $0xffff  }
0x2a1: {  	v38 =	vor.u32 v2, v57;
	_ =	sdelay $0x3  }
0x2a2: {  	[tilespmem:v16+s28+$0x0] =	vst.idx.msk $0xffff, v59  }
0x2a3: {  	v37 =	vld.idx.msk [tilespmem:v38+s16+$0x0], $0xffff;
	_ =	sdelay $0x1  }
0x2a4: {  	v60 =	vbroadcast v36, $0x7;
	_ =	sdelay $0x1  }
0x2a5: {  	v61 =	vor.u32 v0, v60  }
0x2a6: {  	[tilespmem:v17+s28+$0x0] =	vst.idx.msk $0xffff, v37  }
0x2a7: {  	_ =	swait.ge [sflag:s4], $0x1000  }
0x2a8: {  	[sflag:s4] =	ssyncset.done $0x0  }
0x2a9: {  	s18 =	simm.s32 $0x7200;
	[sflag:s4] =	ssyncadd.s32 $0xFFFFF000  }
0x2aa: {  	v62 =	vld.idx.msk [tilespmem:v61+s18+$0x0], $0xffff  }
0x2ab: {  	v38 =	vor.u32 v2, v60;
	_ =	sdelay $0x3  }
0x2ac: {  	[tilespmem:v18+s28+$0x0] =	vst.idx.msk $0xffff, v62  }
0x2ad: {  	v37 =	vld.idx.msk [tilespmem:v38+s18+$0x0], $0xffff;
	_ =	sdelay $0x1  }
0x2ae: {  	v63 =	vbroadcast v36, $0x8;
	_ =	sdelay $0x1  }
0x2af: {  	v42 =	vor.u32 v0, v63  }
0x2b0: {  	[tilespmem:v19+s28+$0x0] =	vst.idx.msk $0xffff, v37  }
0x2b1: {  	_ =	swait.ge [sflag:s5], $0x1000  }
0x2b2: {  	[sflag:s5] =	ssyncset.done $0x0  }
0x2b3: {  	s19 =	simm.s32 $0x8200;
	[sflag:s5] =	ssyncadd.s32 $0xFFFFF000  }
0x2b4: {  	v43 =	vld.idx.msk [tilespmem:v42+s19+$0x0], $0xffff  }
0x2b5: {  	v38 =	vor.u32 v2, v63;
	_ =	sdelay $0x3  }
0x2b6: {  	[tilespmem:v20+s28+$0x0] =	vst.idx.msk $0xffff, v43  }
0x2b7: {  	v37 =	vld.idx.msk [tilespmem:v38+s19+$0x0], $0xffff;
	_ =	sdelay $0x1  }
0x2b8: {  	v44 =	vbroadcast v36, $0x9;
	_ =	sdelay $0x1  }
0x2b9: {  	v45 =	vor.u32 v0, v44  }
0x2ba: {  	[tilespmem:v21+s28+$0x0] =	vst.idx.msk $0xffff, v37  }
0x2bb: {  	_ =	swait.ge [sflag:s7], $0x1000  }
0x2bc: {  	[sflag:s7] =	ssyncset.done $0x0  }
0x2bd: {  	s20 =	simm.s32 $0x9200;
	[sflag:s7] =	ssyncadd.s32 $0xFFFFF000  }
0x2be: {  	v46 =	vld.idx.msk [tilespmem:v45+s20+$0x0], $0xffff  }
0x2bf: {  	v38 =	vor.u32 v2, v44;
	_ =	sdelay $0x3  }
0x2c0: {  	[tilespmem:v22+s28+$0x0] =	vst.idx.msk $0xffff, v46  }
0x2c1: {  	v37 =	vld.idx.msk [tilespmem:v38+s20+$0x0], $0xffff;
	_ =	sdelay $0x1  }
0x2c2: {  	v47 =	vbroadcast v36, $0xA;
	_ =	sdelay $0x1  }
0x2c3: {  	v48 =	vor.u32 v0, v47  }
0x2c4: {  	[tilespmem:v23+s28+$0x0] =	vst.idx.msk $0xffff, v37  }
0x2c5: {  	_ =	swait.ge [sflag:s6], $0x1000  }
0x2c6: {  	[sflag:s6] =	ssyncset.done $0x0  }
0x2c7: {  	s15 =	simm.s32 $0xA200;
	[sflag:s6] =	ssyncadd.s32 $0xFFFFF000  }
0x2c8: {  	v49 =	vld.idx.msk [tilespmem:v48+s15+$0x0], $0xffff  }
0x2c9: {  	v38 =	vor.u32 v2, v47;
	_ =	sdelay $0x3  }
0x2ca: {  	[tilespmem:v24+s28+$0x0] =	vst.idx.msk $0xffff, v49  }
0x2cb: {  	v37 =	vld.idx.msk [tilespmem:v38+s15+$0x0], $0xffff;
	_ =	sdelay $0x1  }
0x2cc: {  	v50 =	vbroadcast v36, $0xB;
	_ =	sdelay $0x1  }
0x2cd: {  	v51 =	vor.u32 v0, v50  }
0x2ce: {  	[tilespmem:v25+s28+$0x0] =	vst.idx.msk $0xffff, v37  }
0x2cf: {  	_ =	swait.ge [sflag:s0], $0x1000  }
0x2d0: {  	[sflag:s0] =	ssyncset.done $0x0  }
0x2d1: {  	[sflag:s0] =	ssyncadd.s32 $0xFFFFF000  }
0x2d2: {  	v52 =	vld.idx.msk [tilespmem:v51+s21+$0x0], $0xffff  }
0x2d3: {  	v38 =	vor.u32 v2, v50;
	_ =	sdelay $0x3  }
0x2d4: {  	[tilespmem:v26+s28+$0x0] =	vst.idx.msk $0xffff, v52  }
0x2d5: {  	v37 =	vld.idx.msk [tilespmem:v38+s21+$0x0], $0xffff;
	_ =	sdelay $0x1  }
0x2d6: {  	v53 =	vbroadcast v36, $0xC;
	_ =	sdelay $0x1  }
0x2d7: {  	v54 =	vor.u32 v0, v53  }
0x2d8: {  	[tilespmem:v27+s28+$0x0] =	vst.idx.msk $0xffff, v37  }
0x2d9: {  	_ =	swait.ge [sflag:s10], $0x1000  }
0x2da: {  	[sflag:s10] =	ssyncset.done $0x0  }
0x2db: {  	[sflag:s10] =	ssyncadd.s32 $0xFFFFF000  }
0x2dc: {  	v55 =	vld.idx.msk [tilespmem:v54+s22+$0x0], $0xffff  }
0x2dd: {  	v38 =	vor.u32 v2, v53;
	_ =	sdelay $0x3  }
0x2de: {  	[tilespmem:v28+s28+$0x0] =	vst.idx.msk $0xffff, v55  }
0x2df: {  	v37 =	vld.idx.msk [tilespmem:v38+s22+$0x0], $0xffff;
	_ =	sdelay $0x1  }
0x2e0: {  	v56 =	vbroadcast v36, $0xD;
	_ =	sdelay $0x1  }
0x2e1: {  	v57 =	vor.u32 v0, v56  }
0x2e2: {  	[tilespmem:v29+s28+$0x0] =	vst.idx.msk $0xffff, v37  }
0x2e3: {  	_ =	swait.ge [sflag:s11], $0x1000  }
0x2e4: {  	[sflag:s11] =	ssyncset.done $0x0  }
0x2e5: {  	[sflag:s11] =	ssyncadd.s32 $0xFFFFF000  }
0x2e6: {  	v58 =	vld.idx.msk [tilespmem:v57+s23+$0x0], $0xffff  }
0x2e7: {  	v38 =	vor.u32 v2, v56;
	_ =	sdelay $0x3  }
0x2e8: {  	[tilespmem:v30+s28+$0x0] =	vst.idx.msk $0xffff, v58  }
0x2e9: {  	v37 =	vld.idx.msk [tilespmem:v38+s23+$0x0], $0xffff;
	_ =	sdelay $0x1  }
0x2ea: {  	v59 =	vbroadcast v36, $0xE;
	_ =	sdelay $0x1  }
0x2eb: {  	v60 =	vor.u32 v0, v59  }
0x2ec: {  	[tilespmem:v31+s28+$0x0] =	vst.idx.msk $0xffff, v37  }
0x2ed: {  	_ =	swait.ge [sflag:s12], $0x1000  }
0x2ee: {  	[sflag:s12] =	ssyncset.done $0x0  }
0x2ef: {  	[sflag:s12] =	ssyncadd.s32 $0xFFFFF000  }
0x2f0: {  	v61 =	vld.idx.msk [tilespmem:v60+s24+$0x0], $0xffff  }
0x2f1: {  	v38 =	vor.u32 v2, v59;
	_ =	sdelay $0x3  }
0x2f2: {  	[tilespmem:v32+s28+$0x0] =	vst.idx.msk $0xffff, v61  }
0x2f3: {  	v37 =	vld.idx.msk [tilespmem:v38+s24+$0x0], $0xffff;
	_ =	sdelay $0x1  }
0x2f4: {  	v36 =	vbroadcast v36, $0xF;
	_ =	sdelay $0x1  }
0x2f5: {  	v62 =	vor.u32 v0, v36  }
0x2f6: {  	[tilespmem:v33+s28+$0x0] =	vst.idx.msk $0xffff, v37  }
0x2f7: {  	_ =	swait.ge [sflag:s13], $0x1000  }
0x2f8: {  	[sflag:s13] =	ssyncset.done $0x0  }
0x2f9: {  	[sflag:s13] =	ssyncadd.s32 $0xFFFFF000  }
0x2fa: {  	v63 =	vld.idx.msk [tilespmem:v62+s25+$0x0], $0xffff  }
0x2fb: {  	v36 =	vor.u32 v2, v36;
	_ =	sdelay $0x3  }
0x2fc: {  	[tilespmem:v34+s28+$0x0] =	vst.idx.msk $0xffff, v63  }
0x2fd: {  	v36 =	vld.idx.msk [tilespmem:v36+s25+$0x0], $0xffff;
	_ =	sdelay $0x4  }
0x2fe: {  	s18 =	simm.s32 $0x20000;
	s15 =	simm.s32 $0x1000;
	s16 =	rddreg [dreg:$0x5];
	[tilespmem:v35+s28+$0x0] =	vst.idx.msk $0xffff, v36  }
0x2ff: {  	[hbm4b:s16+s15] =	stream.strided.scatter [tilespmem:s28], [sflag:$0x11], $0x4000, s18, s15, $0x38;
	[tilespmem:$0x14200] =	vst v63  }
0x300: {  	s16 =	simm.s32 $0x11  }
0x301: {  	_ =	swait.ge [sflag:s16], $0x4000  }
0x302: {  	s19 =	rddreg [dreg:$0x7]  }
0x303: {  	s20 =	rddreg [dreg:$0x6];
	s15 =	sadd.s32 $0x1, s19  }
0x304: {  	p0 =	sne.s32 s15, s20  }
.Ltmp1:
0x305: {  	_ = 	snop;
	(pc) =	sbr.rel @p0 .LBB2_1-.Ltmp1, $3  }
0x306: {  	_ =	sdelay $0x1  }
0x307: {  	[sflag:s16] =	ssyncset.done $0x0  }
0x308: {  	[sflag:s16] =	ssyncadd.s32 $0xFFFFC000  }
0x309: {  	_ =	sfence.sel $0x180000  }
0x30a: {  	[bflag:$0x0] =	sbarrier.arrive $0xFFFF  }
0x30b: {  	_ =	strace $0x90000047  }
0x30c: {  	s0 =	stileid.u32;
	[bflag:$0x2] =	sbarrier.arrive $0xFFFF  }
0x30d: {  	p0 =	sne.s32 s0, $0x0;
	s0 =	rddreg [dreg:$0x3]  }
0x30e: {  	s0 =	sadd.s32 @!p0 $0x100000, s0  }
0x30f: {  	[sflag:s0] =	ssyncadd.tile.s32 @!p0 $0x1;
	_ =	shalt  }
.Lfunc_end2:
_tile_overlayer_lowered:
.L_overlay_start_2:
0x310: {  	(tag) =	ssettag $0x2  }
0x311: {  	s0 =	rddreg [dreg:$0x0];
	s2 =	stileid.u32  }
0x312: {  	s1 =	rddreg [dreg:$0x1];
	p0 =	sne.s32 s2, $0x0  }
0x313: {  	s3 =	rddreg [dreg:$0x2];
	[bflag:$0x3] =	sbarrier.arrive $0xFFFF;
	s2 =	simm.s32 @!p0 $0x1C11  }
0x314: {  	[timem:s3], [sflag:s2] =	dma.local @!p0 [hbm:s0], s1  }
0x315: {  	s0 =	simm.s32 @!p0 $0x11  }
0x316: {  	_ =	swait.ge @!p0 [sflag:s0], s1  }
0x317: {  	s1 =	ssub.s32 @!p0 $0x0, s1;
	[sflag:s0] =	ssyncset.done @!p0 $0x0  }
0x318: {  	[sflag:s0] =	ssyncadd.s32 @!p0 s1  }
0x319: {  	[bflag:$0x3] =	sbarrier.arrive $0xFFFF  }
0x31a: {  	_ =	shalt  }

</sc_bundles>
